<compile_context>
chip_gen: v7x
topology: tpu7x:2x2x1
jax: 0.10.2.dev20260603
libtpu: 0.0.44.dev20260713+nightly
codegen_flags: <defaults>
</compile_context>

<pallas_src>
import functools

import jax
import jax.numpy as jnp
from jax import lax
from jax.experimental import pallas as pl
from jax.experimental.pallas import tpu as pltpu
from jax.experimental.pallas import tpu_sc as plsc

NC = 2
NS = 16
NW = NC * NS
K = 120
CM = 12
DW = 8


def _mesh():
    return plsc.VectorSubcoreMesh(
        core_axis_name="c", subcore_axis_name="s", num_cores=NC, num_subcores=NS
    )


_SC_PARAMS = pltpu.CompilerParams(use_tc_tiling_on_sc=False)


def _deg_call(Np, C):
    rows_t = Np // NS

    @functools.partial(
        pl.kernel,
        out_type=jax.ShapeDtypeStruct((NC, Np, DW), jnp.float32),
        mesh=_mesh(),
        compiler_params=_SC_PARAMS,
        scratch_types=[
            pltpu.VMEM((C, K), jnp.int32),
            pltpu.VMEM((K, DW), jnp.float32),
            pltpu.VMEM_SHARED((Np, DW), jnp.float32),
            pltpu.SemaphoreType.DMA,
        ],
    )
    def deg_k(dst_hbm, zeros_hbm, ones_hbm, out_hbm, dst_v, ones_v, acc, sem):
        c = lax.axis_index("c")
        s = lax.axis_index("s")
        t = c * NS + s
        pltpu.sync_copy(
            zeros_hbm.at[pl.ds(s * rows_t, rows_t)], acc.at[pl.ds(s * rows_t, rows_t)]
        )
        pltpu.sync_copy(dst_hbm.at[pl.ds(t * C, C)], dst_v)
        pltpu.sync_copy(ones_hbm, ones_v)
        plsc.subcore_barrier()

        def body(j, carry):
            pltpu.async_copy(ones_v, acc.at[dst_v.at[j]], sem, add=True)
            return carry

        lax.fori_loop(0, C, body, 0)

        def drain(j, carry):
            pltpu.make_async_copy(ones_v, acc.at[dst_v.at[0]], sem).wait()
            return carry

        lax.fori_loop(0, C, drain, 0)
        plsc.subcore_barrier()
        pltpu.sync_copy(
            acc.at[pl.ds(s * rows_t, rows_t)],
            out_hbm.at[c, pl.ds(s * rows_t, rows_t)],
        )

    return deg_k


def _agg_call(Np, C, Wd, nb, d, g):
    rows_t = Np // NS
    assert C % g == 0 and g % nb == 0 and 0 < d < nb <= g
    ng = C // g

    @functools.partial(
        pl.kernel,
        out_type=jax.ShapeDtypeStruct((NC, Np, Wd), jnp.float32),
        mesh=_mesh(),
        compiler_params=_SC_PARAMS,
        scratch_types=[
            pltpu.VMEM((g, K), jnp.int32),
            pltpu.VMEM((g, K), jnp.int32),
            [pltpu.VMEM((K, Wd), jnp.float32) for _ in range(nb)],
            pltpu.VMEM_SHARED((Np, Wd), jnp.float32),
            [pltpu.SemaphoreType.DMA for _ in range(nb)],
            [pltpu.SemaphoreType.DMA for _ in range(nb)],
        ],
    )
    def agg_k(y_hbm, src_hbm, dst_hbm, out_hbm, src_v, dst_v, bufs, acc, gsem, ssem):
        c = lax.axis_index("c")
        s = lax.axis_index("s")
        t = c * NS + s
        pltpu.sync_copy(
            y_hbm.at[pl.ds(s * rows_t, rows_t)], acc.at[pl.ds(s * rows_t, rows_t)]
        )
        plsc.subcore_barrier()

        def group(gi, carry):
            base = t * C + gi * g
            pltpu.sync_copy(src_hbm.at[pl.ds(base, g)], src_v)
            pltpu.sync_copy(dst_hbm.at[pl.ds(base, g)], dst_v)
            for j0 in range(d):
                pltpu.async_copy(y_hbm.at[src_v.at[j0]], bufs[j0 % nb], gsem[j0 % nb])
            for j in range(g):
                b = j % nb
                nxt = j + d
                if nxt < g:
                    bn = nxt % nb
                    if nxt >= nb:
                        pltpu.make_async_copy(
                            bufs[bn], acc.at[dst_v.at[0]], ssem[bn]
                        ).wait()
                    pltpu.async_copy(y_hbm.at[src_v.at[nxt]], bufs[bn], gsem[bn])
                pltpu.make_async_copy(y_hbm.at[src_v.at[0]], bufs[b], gsem[b]).wait()
                pltpu.async_copy(bufs[b], acc.at[dst_v.at[j]], ssem[b], add=True)
            for b in range(nb):
                pltpu.make_async_copy(bufs[b], acc.at[dst_v.at[0]], ssem[b]).wait()
            return carry

        lax.fori_loop(0, ng, group, 0)
        plsc.subcore_barrier()
        pltpu.sync_copy(
            acc.at[pl.ds(s * rows_t, rows_t)],
            out_hbm.at[c, pl.ds(s * rows_t, rows_t)],
        )

    return agg_k


def _dinv_of(degp_ref):
    d = degp_ref[0, :, 0:1] + degp_ref[1, :, 0:1] + 1.0
    return lax.rsqrt(d)


def _xw_call(xp, W1):
    Np, D = xp.shape
    H = W1.shape[1]
    BN = Np // 8

    def body(x_ref, w_ref, y_ref):
        y_ref[...] = jnp.dot(
            x_ref[...], w_ref[...], preferred_element_type=jnp.float32
        )

    return pl.pallas_call(
        body,
        grid=(8,),
        in_specs=[
            pl.BlockSpec((BN, D), lambda i: (i, 0)),
            pl.BlockSpec((D, H), lambda i: (0, 0)),
        ],
        out_specs=pl.BlockSpec((BN, H), lambda i: (i, 0)),
        out_shape=jax.ShapeDtypeStruct((Np, H), jnp.float32),
    )(xp, W1)


def _scale_call(degp, xw):
    _, Np, _ = degp.shape
    H = xw.shape[1]
    BN = Np // 8

    def body(degp_ref, xw_ref, y_ref):
        y_ref[...] = _dinv_of(degp_ref) * xw_ref[...]

    return pl.pallas_call(
        body,
        grid=(8,),
        in_specs=[
            pl.BlockSpec((NC, BN, DW), lambda i: (0, i, 0)),
            pl.BlockSpec((BN, H), lambda i: (i, 0)),
        ],
        out_specs=pl.BlockSpec((BN, H), lambda i: (i, 0)),
        out_shape=jax.ShapeDtypeStruct((Np, H), jnp.float32),
    )(degp, xw)


def _mid_call(p, y1, degp, W2p, b1r):
    _, Np, H = p.shape
    BN = Np // 8

    def body(p_ref, y1_ref, degp_ref, w_ref, b_ref, out_ref):
        dinv = _dinv_of(degp_ref)
        agg = p_ref[0] + p_ref[1] - y1_ref[...]
        h = jnp.maximum(dinv * agg + b_ref[...], 0.0)
        hw = jnp.dot(h, w_ref[...], preferred_element_type=jnp.float32)
        out_ref[...] = dinv * hw

    return pl.pallas_call(
        body,
        grid=(8,),
        in_specs=[
            pl.BlockSpec((NC, BN, H), lambda i: (0, i, 0)),
            pl.BlockSpec((BN, H), lambda i: (i, 0)),
            pl.BlockSpec((NC, BN, DW), lambda i: (0, i, 0)),
            pl.BlockSpec((H, DW), lambda i: (0, 0)),
            pl.BlockSpec((1, H), lambda i: (0, 0)),
        ],
        out_specs=pl.BlockSpec((BN, DW), lambda i: (i, 0)),
        out_shape=jax.ShapeDtypeStruct((Np, DW), jnp.float32),
    )(p, y1, degp, W2p, b1r)


def _final_call(q, y2, degp, b2r, nout, n):
    _, Np, _ = q.shape
    BN = Np // 8

    def body(q_ref, y2_ref, degp_ref, b_ref, out_ref):
        dinv = _dinv_of(degp_ref)
        o = dinv * (q_ref[0] + q_ref[1] - y2_ref[...]) + b_ref[...]
        lane = lax.broadcasted_iota(jnp.int32, o.shape, 1)
        valid = lane < nout
        neg = jnp.full_like(o, -jnp.inf)
        om = jnp.where(valid, o, neg)
        m = jnp.max(om, axis=1, keepdims=True)
        e = jnp.where(valid, jnp.exp(om - m), 0.0)
        ssum = jnp.sum(e, axis=1, keepdims=True)
        out_ref[...] = (e / ssum)[:, :nout]

    return pl.pallas_call(
        body,
        grid=(8,),
        in_specs=[
            pl.BlockSpec((NC, BN, DW), lambda i: (0, i, 0)),
            pl.BlockSpec((BN, DW), lambda i: (i, 0)),
            pl.BlockSpec((NC, BN, DW), lambda i: (0, i, 0)),
            pl.BlockSpec((1, DW), lambda i: (0, 0)),
        ],
        out_specs=pl.BlockSpec((BN, nout), lambda i: (i, 0)),
        out_shape=jax.ShapeDtypeStruct((n, nout), jnp.float32),
    )(q, y2, degp, b2r)


def kernel(x, edge_index, W1, b1, W2, b2):
    N, D = x.shape
    H = W1.shape[1]
    OUT = W2.shape[1]
    E = edge_index.shape[1]
    assert D % 128 == 0 and H % 128 == 0 and OUT <= DW

    Np = -(-N // 128) * 128
    if Np == N:
        Np += 128

    src = edge_index[0].astype(jnp.int32)
    dst = edge_index[1].astype(jnp.int32)
    EC = NW * K * CM
    Et = -(-E // EC) * EC
    if Et != E:
        pad = N + (jnp.arange(Et - E, dtype=jnp.int32) % (Np - N))
        src = jnp.concatenate([src, pad])
        dst = jnp.concatenate([dst, pad])
    C = Et // (NW * K)
    srcr = src.reshape(Et // K, K)
    dstr = dst.reshape(Et // K, K)

    xp = jnp.pad(x, ((0, Np - N), (0, 0)))
    W2p = jnp.pad(W2, ((0, 0), (0, DW - OUT)))
    b1r = b1.reshape(1, H)
    b2r = jnp.pad(b2, (0, DW - OUT)).reshape(1, DW)
    zeros_dw = jnp.zeros((Np, DW), jnp.float32)
    ones_dw = jnp.ones((K, DW), jnp.float32)

    xw = _xw_call(xp, W1)
    degp = _deg_call(Np, C)(dstr, zeros_dw, ones_dw)
    y1 = _scale_call(degp, xw)
    p = _agg_call(Np, C, H, 3, 2, 12)(y1, srcr, dstr)
    y2 = _mid_call(p, y1, degp, W2p, b1r)
    q = _agg_call(Np, C, DW, 6, 4, 12)(y2, srcr, dstr)
    return _final_call(q, y2, degp, b2r, OUT, N)

# --- scband reference (transcript-rebuilt; emitter-appended) ---
"""Pipeline reference for scband-gcn-9414568313353 (READ-ONLY COPY).

The authoritative reference and input builder live on the scoring server;
editing this copy changes nothing except your own understanding.
"""

import jax, jax.numpy as jnp
import numpy as np

N = 10000
E = 320000
D = 128
H = 128
OUT = 2


def gcn_conv(x, W, b, src, dst, n):
    # PyG GCNConv: linear transform, symmetric normalization with self-loops,
    # gather messages at src, scatter-add at dst, add bias.
    xw = x @ W
    ones = jnp.ones(src.shape[0], dtype=x.dtype)
    deg = jax.ops.segment_sum(ones, dst, num_segments=n)
    dinv = jnp.where(deg > 0, jax.lax.rsqrt(deg), 0.0)
    norm = dinv[src] * dinv[dst]
    msg = xw[src] * norm[:, None]
    out = jax.ops.segment_sum(msg, dst, num_segments=n)
    return out + b


def setup_inputs(seed: int = 0) -> dict:
    key = jax.random.key(seed)
    ks = jax.random.split(key, 6)
    x = jax.random.normal(ks[0], (N, D), dtype=jnp.float32)
    edge_index = jax.random.randint(ks[1], (2, E), 0, N)
    # glorot-initialized weights, zero biases (PyG Linear defaults)
    W1 = jax.random.normal(ks[2], (D, H), dtype=jnp.float32) * np.sqrt(2.0 / (D + H))
    b1 = jnp.zeros((H,), dtype=jnp.float32)
    W2 = jax.random.normal(ks[3], (H, OUT), dtype=jnp.float32) * np.sqrt(2.0 / (H + OUT))
    b2 = jnp.zeros((OUT,), dtype=jnp.float32)
    return {"x": x, "edge_index": edge_index, "W1": W1, "b1": b1, "W2": W2, "b2": b2}


def reference(x, edge_index, W1, b1, W2, b2):
    # add self-loops once, reuse for both conv layers
    loop = jnp.arange(N, dtype=edge_index.dtype)
    src = jnp.concatenate([edge_index[0], loop])
    dst = jnp.concatenate([edge_index[1], loop])
    h = jax.nn.relu(gcn_conv(x, W1, b1, src, dst, N))
    # dropout(p=0.5) is identity in eval mode
    out = gcn_conv(h, W2, b2, src, dst, N)
    return jax.nn.softmax(out, axis=-1)

if __name__ == "__main__":
    import jax
    _d = setup_inputs()
    print(jax.jit(kernel)(*tuple(_d.values())))

</pallas_src>

<mosaic_0001>
#map = affine_map<(d0, d1) -> (0, 0)>
#map1 = affine_map<(d0, d1) -> (0, 0, 0)>
module attributes {stable_mosaic.version = 14 : i64} {
  func.func @agg_k(%arg0: i32, %arg1: i32, %arg2: memref<10112x128xf32, #tpu.memory_space<hbm>>, %arg3: memref<2688x120xi32, #tpu.memory_space<hbm>>, %arg4: memref<2688x120xi32, #tpu.memory_space<hbm>>, %arg5: memref<2x10112x128xf32, #tpu.memory_space<hbm>>, %arg6: memref<12x120xi32, #tpu.memory_space<vmem>>, %arg7: memref<12x120xi32, #tpu.memory_space<vmem>>, %arg8: memref<120x128xf32, #tpu.memory_space<vmem>>, %arg9: memref<120x128xf32, #tpu.memory_space<vmem>>, %arg10: memref<120x128xf32, #tpu.memory_space<vmem>>, %arg11: memref<10112x128xf32, #tpu.memory_space<vmem_shared>>, %arg12: memref<!tpu.dma_semaphore, #tpu.memory_space<semaphore_mem>>, %arg13: memref<!tpu.dma_semaphore, #tpu.memory_space<semaphore_mem>>, %arg14: memref<!tpu.dma_semaphore, #tpu.memory_space<semaphore_mem>>, %arg15: memref<!tpu.dma_semaphore, #tpu.memory_space<semaphore_mem>>, %arg16: memref<!tpu.dma_semaphore, #tpu.memory_space<semaphore_mem>>, %arg17: memref<!tpu.dma_semaphore, #tpu.memory_space<semaphore_mem>>) attributes {dimension_semantics = [#tpu.dimension_semantics<core_parallel>, #tpu.dimension_semantics<subcore_parallel>], iteration_bounds = array<i64: 2, 16>, scalar_prefetch = 0 : i64, scratch_operands = 12 : i64, tpu.core_type = #tpu.core_type<sc_vector_subcore>, window_params = [{transform_indices = #map}, {transform_indices = #map}, {transform_indices = #map}, {transform_indices = #map1}]} {
    %mul3A = arith.constant 16 : i32
    %mul3A_0 = arith.muli %arg0, %mul3A : i32
    %add3A = arith.addi %mul3A_0, %arg1 : i32
    %mul3A_1 = arith.constant 632 : i32
    %mul3A_2 = arith.muli %arg1, %mul3A_1 : i32
    %mul3A_3 = arith.constant 632 : i32
    %mul3A_4 = arith.muli %arg1, %mul3A_3 : i32
    "tpu.region"() ({
      %run_scoped3A = tpu.sem_alloc : memref<!tpu.dma_semaphore, #tpu.memory_space<semaphore_mem>>
      %dma_start3A = arith.constant 0 : i32
      %dma_start3A_15 = tpu.memref_slice %arg11[%mul3A_4, %dma_start3A] : memref<10112x128xf32, #tpu.memory_space<vmem_shared>> -> memref<632x128xf32, #tpu.memory_space<vmem_shared>>
      %dma_start3A_16 = arith.constant 0 : i32
      %dma_start3A_17 = tpu.memref_slice %arg2[%mul3A_2, %dma_start3A_16] : memref<10112x128xf32, #tpu.memory_space<hbm>> -> memref<632x128xf32, #tpu.memory_space<hbm>>
      tpu.enqueue_dma source(%dma_start3A_17 : memref<632x128xf32, #tpu.memory_space<hbm>>) target(%dma_start3A_15 : memref<632x128xf32, #tpu.memory_space<vmem_shared>>) target_semaphore(%run_scoped3A : memref<!tpu.dma_semaphore, #tpu.memory_space<semaphore_mem>>)
      %dma_wait3A = arith.constant 0 : i32
      %dma_wait3A_18 = tpu.memref_slice %arg11[%mul3A_4, %dma_wait3A] : memref<10112x128xf32, #tpu.memory_space<vmem_shared>> -> memref<632x128xf32, #tpu.memory_space<vmem_shared>>
      %dma_wait3A_19 = arith.constant 0 : i32
      %dma_wait3A_20 = tpu.memref_slice %arg2[%mul3A_2, %dma_wait3A_19] : memref<10112x128xf32, #tpu.memory_space<hbm>> -> memref<632x128xf32, #tpu.memory_space<hbm>>
      tpu.wait_dma2 semaphore(%run_scoped3A : memref<!tpu.dma_semaphore, #tpu.memory_space<semaphore_mem>>) src(%dma_wait3A_20 : memref<632x128xf32, #tpu.memory_space<hbm>>) dst(%dma_wait3A_18 : memref<632x128xf32, #tpu.memory_space<vmem_shared>>)
      tpu.yield
    }) : () -> ()
    %barrier3A = arith.constant 0 : index
    tpu.barrier barrier_id(%barrier3A)
    %scan3A = arith.constant 0 : i32
    %scan3A_5 = arith.constant 0 : i32
    %scan3A_6 = arith.constant 7 : i32
    %scan3A_7 = arith.addi %scan3A_5, %scan3A_6 : i32
    %scan3A_8 = arith.constant 1 : i32
    scf.for %scan3A_15 = %scan3A_5 to %scan3A_7 step %scan3A_8  : i32 {
      %mul3A_16 = arith.constant 84 : i32
      %mul3A_17 = arith.muli %add3A, %mul3A_16 : i32
      %mul3A_18 = arith.constant 12 : i32
      %mul3A_19 = arith.muli %scan3A_15, %mul3A_18 : i32
      %add3A_20 = arith.addi %mul3A_17, %mul3A_19 : i32
      "tpu.region"() ({
        %run_scoped3A = tpu.sem_alloc : memref<!tpu.dma_semaphore, #tpu.memory_space<semaphore_mem>>
        %dma_start3A_355 = arith.constant 0 : i32
        %dma_start3A_356 = tpu.memref_slice %arg3[%add3A_20, %dma_start3A_355] : memref<2688x120xi32, #tpu.memory_space<hbm>> -> memref<12x120xi32, #tpu.memory_space<hbm>>
        %dma_start3A_357 = arith.constant 0 : i32
        %dma_start3A_358 = tpu.memref_slice %arg3[%add3A_20, %dma_start3A_357] : memref<2688x120xi32, #tpu.memory_space<hbm>> -> memref<12x120xi32, #tpu.memory_space<hbm>>
        tpu.enqueue_dma source(%dma_start3A_358 : memref<12x120xi32, #tpu.memory_space<hbm>>) target(%arg6 : memref<12x120xi32, #tpu.memory_space<vmem>>) target_semaphore(%run_scoped3A : memref<!tpu.dma_semaphore, #tpu.memory_space<semaphore_mem>>)
        %dma_wait3A_359 = arith.constant 0 : i32
        %dma_wait3A_360 = tpu.memref_slice %arg3[%add3A_20, %dma_wait3A_359] : memref<2688x120xi32, #tpu.memory_space<hbm>> -> memref<12x120xi32, #tpu.memory_space<hbm>>
        %dma_wait3A_361 = arith.constant 0 : i32
        %dma_wait3A_362 = tpu.memref_slice %arg3[%add3A_20, %dma_wait3A_361] : memref<2688x120xi32, #tpu.memory_space<hbm>> -> memref<12x120xi32, #tpu.memory_space<hbm>>
        tpu.wait_dma2 semaphore(%run_scoped3A : memref<!tpu.dma_semaphore, #tpu.memory_space<semaphore_mem>>) src(%dma_wait3A_362 : memref<12x120xi32, #tpu.memory_space<hbm>>) dst(%arg6 : memref<12x120xi32, #tpu.memory_space<vmem>>)
        tpu.yield
      }) : () -> ()
      "tpu.region"() ({
        %run_scoped3A = tpu.sem_alloc : memref<!tpu.dma_semaphore, #tpu.memory_space<semaphore_mem>>
        %dma_start3A_355 = arith.constant 0 : i32
        %dma_start3A_356 = tpu.memref_slice %arg4[%add3A_20, %dma_start3A_355] : memref<2688x120xi32, #tpu.memory_space<hbm>> -> memref<12x120xi32, #tpu.memory_space<hbm>>
        %dma_start3A_357 = arith.constant 0 : i32
        %dma_start3A_358 = tpu.memref_slice %arg4[%add3A_20, %dma_start3A_357] : memref<2688x120xi32, #tpu.memory_space<hbm>> -> memref<12x120xi32, #tpu.memory_space<hbm>>
        tpu.enqueue_dma source(%dma_start3A_358 : memref<12x120xi32, #tpu.memory_space<hbm>>) target(%arg7 : memref<12x120xi32, #tpu.memory_space<vmem>>) target_semaphore(%run_scoped3A : memref<!tpu.dma_semaphore, #tpu.memory_space<semaphore_mem>>)
        %dma_wait3A_359 = arith.constant 0 : i32
        %dma_wait3A_360 = tpu.memref_slice %arg4[%add3A_20, %dma_wait3A_359] : memref<2688x120xi32, #tpu.memory_space<hbm>> -> memref<12x120xi32, #tpu.memory_space<hbm>>
        %dma_wait3A_361 = arith.constant 0 : i32
        %dma_wait3A_362 = tpu.memref_slice %arg4[%add3A_20, %dma_wait3A_361] : memref<2688x120xi32, #tpu.memory_space<hbm>> -> memref<12x120xi32, #tpu.memory_space<hbm>>
        tpu.wait_dma2 semaphore(%run_scoped3A : memref<!tpu.dma_semaphore, #tpu.memory_space<semaphore_mem>>) src(%dma_wait3A_362 : memref<12x120xi32, #tpu.memory_space<hbm>>) dst(%arg7 : memref<12x120xi32, #tpu.memory_space<vmem>>)
        tpu.yield
      }) : () -> ()
      %dma_start3A = arith.constant 0 : i32
      %dma_start3A_21 = arith.constant 0 : i32
      %dma_start3A_22 = tpu.memref_slice %arg6[%dma_start3A, %dma_start3A_21] : memref<12x120xi32, #tpu.memory_space<vmem>> -> memref<1x120xi32, #tpu.memory_space<vmem>>
      %dma_start3A_23 = tpu.memref_squeeze %dma_start3A_22 : memref<1x120xi32, #tpu.memory_space<vmem>> -> memref<120xi32, #tpu.memory_space<vmem>>
      %dma_start3A_24 = arith.constant 0 : i32
      %dma_start3A_25 = arith.constant 0 : i32
      %dma_start3A_26 = tpu.memref_slice %arg2[%dma_start3A_24, %dma_start3A_25] : memref<10112x128xf32, #tpu.memory_space<hbm>> -> memref<10112x128xf32, #tpu.memory_space<hbm>>
      tpu.enqueue_indirect_dma source(%dma_start3A_26 : memref<10112x128xf32, #tpu.memory_space<hbm>>) target(%arg8 : memref<120x128xf32, #tpu.memory_space<vmem>>) offsets(%dma_start3A_23 : memref<120xi32, #tpu.memory_space<vmem>>) semaphore(%arg12 : memref<!tpu.dma_semaphore, #tpu.memory_space<semaphore_mem>>)
      %dma_start3A_27 = arith.constant 1 : i32
      %dma_start3A_28 = arith.constant 0 : i32
      %dma_start3A_29 = tpu.memref_slice %arg6[%dma_start3A_27, %dma_start3A_28] : memref<12x120xi32, #tpu.memory_space<vmem>> -> memref<1x120xi32, #tpu.memory_space<vmem>>
      %dma_start3A_30 = tpu.memref_squeeze %dma_start3A_29 : memref<1x120xi32, #tpu.memory_space<vmem>> -> memref<120xi32, #tpu.memory_space<vmem>>
      %dma_start3A_31 = arith.constant 0 : i32
      %dma_start3A_32 = arith.constant 0 : i32
      %dma_start3A_33 = tpu.memref_slice %arg2[%dma_start3A_31, %dma_start3A_32] : memref<10112x128xf32, #tpu.memory_space<hbm>> -> memref<10112x128xf32, #tpu.memory_space<hbm>>
      tpu.enqueue_indirect_dma source(%dma_start3A_33 : memref<10112x128xf32, #tpu.memory_space<hbm>>) target(%arg9 : memref<120x128xf32, #tpu.memory_space<vmem>>) offsets(%dma_start3A_30 : memref<120xi32, #tpu.memory_space<vmem>>) semaphore(%arg13 : memref<!tpu.dma_semaphore, #tpu.memory_space<semaphore_mem>>)
      %dma_start3A_34 = arith.constant 2 : i32
      %dma_start3A_35 = arith.constant 0 : i32
      %dma_start3A_36 = tpu.memref_slice %arg6[%dma_start3A_34, %dma_start3A_35] : memref<12x120xi32, #tpu.memory_space<vmem>> -> memref<1x120xi32, #tpu.memory_space<vmem>>
      %dma_start3A_37 = tpu.memref_squeeze %dma_start3A_36 : memref<1x120xi32, #tpu.memory_space<vmem>> -> memref<120xi32, #tpu.memory_space<vmem>>
      %dma_start3A_38 = arith.constant 0 : i32
      %dma_start3A_39 = arith.constant 0 : i32
      %dma_start3A_40 = tpu.memref_slice %arg2[%dma_start3A_38, %dma_start3A_39] : memref<10112x128xf32, #tpu.memory_space<hbm>> -> memref<10112x128xf32, #tpu.memory_space<hbm>>
      tpu.enqueue_indirect_dma source(%dma_start3A_40 : memref<10112x128xf32, #tpu.memory_space<hbm>>) target(%arg10 : memref<120x128xf32, #tpu.memory_space<vmem>>) offsets(%dma_start3A_37 : memref<120xi32, #tpu.memory_space<vmem>>) semaphore(%arg14 : memref<!tpu.dma_semaphore, #tpu.memory_space<semaphore_mem>>)
      %dma_wait3A = arith.constant 0 : i32
      %dma_wait3A_41 = arith.constant 0 : i32
      %dma_wait3A_42 = tpu.memref_slice %arg6[%dma_wait3A, %dma_wait3A_41] : memref<12x120xi32, #tpu.memory_space<vmem>> -> memref<1x120xi32, #tpu.memory_space<vmem>>
      %dma_wait3A_43 = tpu.memref_squeeze %dma_wait3A_42 : memref<1x120xi32, #tpu.memory_space<vmem>> -> memref<120xi32, #tpu.memory_space<vmem>>
      %dma_wait3A_44 = arith.constant 0 : i32
      %dma_wait3A_45 = arith.constant 0 : i32
      %dma_wait3A_46 = tpu.memref_slice %arg2[%dma_wait3A_44, %dma_wait3A_45] : memref<10112x128xf32, #tpu.memory_space<hbm>> -> memref<10112x128xf32, #tpu.memory_space<hbm>>
      tpu.wait_indirect_dma semaphore(%arg12 : memref<!tpu.dma_semaphore, #tpu.memory_space<semaphore_mem>>) src(%dma_wait3A_46 : memref<10112x128xf32, #tpu.memory_space<hbm>>) dst(%arg8 : memref<120x128xf32, #tpu.memory_space<vmem>>)
      %dma_start3A_47 = arith.constant 0 : i32
      %dma_start3A_48 = arith.constant 0 : i32
      %dma_start3A_49 = tpu.memref_slice %arg7[%dma_start3A_47, %dma_start3A_48] : memref<12x120xi32, #tpu.memory_space<vmem>> -> memref<1x120xi32, #tpu.memory_space<vmem>>
      %dma_start3A_50 = tpu.memref_squeeze %dma_start3A_49 : memref<1x120xi32, #tpu.memory_space<vmem>> -> memref<120xi32, #tpu.memory_space<vmem>>
      %dma_start3A_51 = arith.constant 0 : i32
      %dma_start3A_52 = arith.constant 0 : i32
      %dma_start3A_53 = tpu.memref_slice %arg11[%dma_start3A_51, %dma_start3A_52] : memref<10112x128xf32, #tpu.memory_space<vmem_shared>> -> memref<10112x128xf32, #tpu.memory_space<vmem_shared>>
      tpu.enqueue_indirect_dma source(%arg8 : memref<120x128xf32, #tpu.memory_space<vmem>>) target(%dma_start3A_53 : memref<10112x128xf32, #tpu.memory_space<vmem_shared>>) offsets(%dma_start3A_50 : memref<120xi32, #tpu.memory_space<vmem>>) semaphore(%arg15 : memref<!tpu.dma_semaphore, #tpu.memory_space<semaphore_mem>>) {add = true}
      %dma_wait3A_54 = arith.constant 0 : i32
      %dma_wait3A_55 = arith.constant 0 : i32
      %dma_wait3A_56 = tpu.memref_slice %arg7[%dma_wait3A_54, %dma_wait3A_55] : memref<12x120xi32, #tpu.memory_space<vmem>> -> memref<1x120xi32, #tpu.memory_space<vmem>>
      %dma_wait3A_57 = tpu.memref_squeeze %dma_wait3A_56 : memref<1x120xi32, #tpu.memory_space<vmem>> -> memref<120xi32, #tpu.memory_space<vmem>>
      %dma_wait3A_58 = arith.constant 0 : i32
      %dma_wait3A_59 = arith.constant 0 : i32
      %dma_wait3A_60 = tpu.memref_slice %arg11[%dma_wait3A_58, %dma_wait3A_59] : memref<10112x128xf32, #tpu.memory_space<vmem_shared>> -> memref<10112x128xf32, #tpu.memory_space<vmem_shared>>
      tpu.wait_indirect_dma semaphore(%arg15 : memref<!tpu.dma_semaphore, #tpu.memory_space<semaphore_mem>>) src(%arg8 : memref<120x128xf32, #tpu.memory_space<vmem>>) dst(%dma_wait3A_60 : memref<10112x128xf32, #tpu.memory_space<vmem_shared>>)
      %dma_start3A_61 = arith.constant 3 : i32
      %dma_start3A_62 = arith.constant 0 : i32
      %dma_start3A_63 = tpu.memref_slice %arg6[%dma_start3A_61, %dma_start3A_62] : memref<12x120xi32, #tpu.memory_space<vmem>> -> memref<1x120xi32, #tpu.memory_space<vmem>>
      %dma_start3A_64 = tpu.memref_squeeze %dma_start3A_63 : memref<1x120xi32, #tpu.memory_space<vmem>> -> memref<120xi32, #tpu.memory_space<vmem>>
      %dma_start3A_65 = arith.constant 0 : i32
      %dma_start3A_66 = arith.constant 0 : i32
      %dma_start3A_67 = tpu.memref_slice %arg2[%dma_start3A_65, %dma_start3A_66] : memref<10112x128xf32, #tpu.memory_space<hbm>> -> memref<10112x128xf32, #tpu.memory_space<hbm>>
      tpu.enqueue_indirect_dma source(%dma_start3A_67 : memref<10112x128xf32, #tpu.memory_space<hbm>>) target(%arg8 : memref<120x128xf32, #tpu.memory_space<vmem>>) offsets(%dma_start3A_64 : memref<120xi32, #tpu.memory_space<vmem>>) semaphore(%arg12 : memref<!tpu.dma_semaphore, #tpu.memory_space<semaphore_mem>>)
      %dma_wait3A_68 = arith.constant 0 : i32
      %dma_wait3A_69 = arith.constant 0 : i32
      %dma_wait3A_70 = tpu.memref_slice %arg6[%dma_wait3A_68, %dma_wait3A_69] : memref<12x120xi32, #tpu.memory_space<vmem>> -> memref<1x120xi32, #tpu.memory_space<vmem>>
      %dma_wait3A_71 = tpu.memref_squeeze %dma_wait3A_70 : memref<1x120xi32, #tpu.memory_space<vmem>> -> memref<120xi32, #tpu.memory_space<vmem>>
      %dma_wait3A_72 = arith.constant 0 : i32
      %dma_wait3A_73 = arith.constant 0 : i32
      %dma_wait3A_74 = tpu.memref_slice %arg2[%dma_wait3A_72, %dma_wait3A_73] : memref<10112x128xf32, #tpu.memory_space<hbm>> -> memref<10112x128xf32, #tpu.memory_space<hbm>>
      tpu.wait_indirect_dma semaphore(%arg13 : memref<!tpu.dma_semaphore, #tpu.memory_space<semaphore_mem>>) src(%dma_wait3A_74 : memref<10112x128xf32, #tpu.memory_space<hbm>>) dst(%arg9 : memref<120x128xf32, #tpu.memory_space<vmem>>)
      %dma_start3A_75 = arith.constant 1 : i32
      %dma_start3A_76 = arith.constant 0 : i32
      %dma_start3A_77 = tpu.memref_slice %arg7[%dma_start3A_75, %dma_start3A_76] : memref<12x120xi32, #tpu.memory_space<vmem>> -> memref<1x120xi32, #tpu.memory_space<vmem>>
      %dma_start3A_78 = tpu.memref_squeeze %dma_start3A_77 : memref<1x120xi32, #tpu.memory_space<vmem>> -> memref<120xi32, #tpu.memory_space<vmem>>
      %dma_start3A_79 = arith.constant 0 : i32
      %dma_start3A_80 = arith.constant 0 : i32
      %dma_start3A_81 = tpu.memref_slice %arg11[%dma_start3A_79, %dma_start3A_80] : memref<10112x128xf32, #tpu.memory_space<vmem_shared>> -> memref<10112x128xf32, #tpu.memory_space<vmem_shared>>
      tpu.enqueue_indirect_dma source(%arg9 : memref<120x128xf32, #tpu.memory_space<vmem>>) target(%dma_start3A_81 : memref<10112x128xf32, #tpu.memory_space<vmem_shared>>) offsets(%dma_start3A_78 : memref<120xi32, #tpu.memory_space<vmem>>) semaphore(%arg16 : memref<!tpu.dma_semaphore, #tpu.memory_space<semaphore_mem>>) {add = true}
      %dma_wait3A_82 = arith.constant 0 : i32
      %dma_wait3A_83 = arith.constant 0 : i32
      %dma_wait3A_84 = tpu.memref_slice %arg7[%dma_wait3A_82, %dma_wait3A_83] : memref<12x120xi32, #tpu.memory_space<vmem>> -> memref<1x120xi32, #tpu.memory_space<vmem>>
      %dma_wait3A_85 = tpu.memref_squeeze %dma_wait3A_84 : memref<1x120xi32, #tpu.memory_space<vmem>> -> memref<120xi32, #tpu.memory_space<vmem>>
      %dma_wait3A_86 = arith.constant 0 : i32
      %dma_wait3A_87 = arith.constant 0 : i32
      %dma_wait3A_88 = tpu.memref_slice %arg11[%dma_wait3A_86, %dma_wait3A_87] : memref<10112x128xf32, #tpu.memory_space<vmem_shared>> -> memref<10112x128xf32, #tpu.memory_space<vmem_shared>>
      tpu.wait_indirect_dma semaphore(%arg16 : memref<!tpu.dma_semaphore, #tpu.memory_space<semaphore_mem>>) src(%arg9 : memref<120x128xf32, #tpu.memory_space<vmem>>) dst(%dma_wait3A_88 : memref<10112x128xf32, #tpu.memory_space<vmem_shared>>)
      %dma_start3A_89 = arith.constant 4 : i32
      %dma_start3A_90 = arith.constant 0 : i32
      %dma_start3A_91 = tpu.memref_slice %arg6[%dma_start3A_89, %dma_start3A_90] : memref<12x120xi32, #tpu.memory_space<vmem>> -> memref<1x120xi32, #tpu.memory_space<vmem>>
      %dma_start3A_92 = tpu.memref_squeeze %dma_start3A_91 : memref<1x120xi32, #tpu.memory_space<vmem>> -> memref<120xi32, #tpu.memory_space<vmem>>
      %dma_start3A_93 = arith.constant 0 : i32
      %dma_start3A_94 = arith.constant 0 : i32
      %dma_start3A_95 = tpu.memref_slice %arg2[%dma_start3A_93, %dma_start3A_94] : memref<10112x128xf32, #tpu.memory_space<hbm>> -> memref<10112x128xf32, #tpu.memory_space<hbm>>
      tpu.enqueue_indirect_dma source(%dma_start3A_95 : memref<10112x128xf32, #tpu.memory_space<hbm>>) target(%arg9 : memref<120x128xf32, #tpu.memory_space<vmem>>) offsets(%dma_start3A_92 : memref<120xi32, #tpu.memory_space<vmem>>) semaphore(%arg13 : memref<!tpu.dma_semaphore, #tpu.memory_space<semaphore_mem>>)
      %dma_wait3A_96 = arith.constant 0 : i32
      %dma_wait3A_97 = arith.constant 0 : i32
      %dma_wait3A_98 = tpu.memref_slice %arg6[%dma_wait3A_96, %dma_wait3A_97] : memref<12x120xi32, #tpu.memory_space<vmem>> -> memref<1x120xi32, #tpu.memory_space<vmem>>
      %dma_wait3A_99 = tpu.memref_squeeze %dma_wait3A_98 : memref<1x120xi32, #tpu.memory_space<vmem>> -> memref<120xi32, #tpu.memory_space<vmem>>
      %dma_wait3A_100 = arith.constant 0 : i32
      %dma_wait3A_101 = arith.constant 0 : i32
      %dma_wait3A_102 = tpu.memref_slice %arg2[%dma_wait3A_100, %dma_wait3A_101] : memref<10112x128xf32, #tpu.memory_space<hbm>> -> memref<10112x128xf32, #tpu.memory_space<hbm>>
      tpu.wait_indirect_dma semaphore(%arg14 : memref<!tpu.dma_semaphore, #tpu.memory_space<semaphore_mem>>) src(%dma_wait3A_102 : memref<10112x128xf32, #tpu.memory_space<hbm>>) dst(%arg10 : memref<120x128xf32, #tpu.memory_space<vmem>>)
      %dma_start3A_103 = arith.constant 2 : i32
      %dma_start3A_104 = arith.constant 0 : i32
      %dma_start3A_105 = tpu.memref_slice %arg7[%dma_start3A_103, %dma_start3A_104] : memref<12x120xi32, #tpu.memory_space<vmem>> -> memref<1x120xi32, #tpu.memory_space<vmem>>
      %dma_start3A_106 = tpu.memref_squeeze %dma_start3A_105 : memref<1x120xi32, #tpu.memory_space<vmem>> -> memref<120xi32, #tpu.memory_space<vmem>>
      %dma_start3A_107 = arith.constant 0 : i32
      %dma_start3A_108 = arith.constant 0 : i32
      %dma_start3A_109 = tpu.memref_slice %arg11[%dma_start3A_107, %dma_start3A_108] : memref<10112x128xf32, #tpu.memory_space<vmem_shared>> -> memref<10112x128xf32, #tpu.memory_space<vmem_shared>>
      tpu.enqueue_indirect_dma source(%arg10 : memref<120x128xf32, #tpu.memory_space<vmem>>) target(%dma_start3A_109 : memref<10112x128xf32, #tpu.memory_space<vmem_shared>>) offsets(%dma_start3A_106 : memref<120xi32, #tpu.memory_space<vmem>>) semaphore(%arg17 : memref<!tpu.dma_semaphore, #tpu.memory_space<semaphore_mem>>) {add = true}
      %dma_wait3A_110 = arith.constant 0 : i32
      %dma_wait3A_111 = arith.constant 0 : i32
      %dma_wait3A_112 = tpu.memref_slice %arg7[%dma_wait3A_110, %dma_wait3A_111] : memref<12x120xi32, #tpu.memory_space<vmem>> -> memref<1x120xi32, #tpu.memory_space<vmem>>
      %dma_wait3A_113 = tpu.memref_squeeze %dma_wait3A_112 : memref<1x120xi32, #tpu.memory_space<vmem>> -> memref<120xi32, #tpu.memory_space<vmem>>
      %dma_wait3A_114 = arith.constant 0 : i32
      %dma_wait3A_115 = arith.constant 0 : i32
      %dma_wait3A_116 = tpu.memref_slice %arg11[%dma_wait3A_114, %dma_wait3A_115] : memref<10112x128xf32, #tpu.memory_space<vmem_shared>> -> memref<10112x128xf32, #tpu.memory_space<vmem_shared>>
      tpu.wait_indirect_dma semaphore(%arg17 : memref<!tpu.dma_semaphore, #tpu.memory_space<semaphore_mem>>) src(%arg10 : memref<120x128xf32, #tpu.memory_space<vmem>>) dst(%dma_wait3A_116 : memref<10112x128xf32, #tpu.memory_space<vmem_shared>>)
      %dma_start3A_117 = arith.constant 5 : i32
      %dma_start3A_118 = arith.constant 0 : i32
      %dma_start3A_119 = tpu.memref_slice %arg6[%dma_start3A_117, %dma_start3A_118] : memref<12x120xi32, #tpu.memory_space<vmem>> -> memref<1x120xi32, #tpu.memory_space<vmem>>
      %dma_start3A_120 = tpu.memref_squeeze %dma_start3A_119 : memref<1x120xi32, #tpu.memory_space<vmem>> -> memref<120xi32, #tpu.memory_space<vmem>>
      %dma_start3A_121 = arith.constant 0 : i32
      %dma_start3A_122 = arith.constant 0 : i32
      %dma_start3A_123 = tpu.memref_slice %arg2[%dma_start3A_121, %dma_start3A_122] : memref<10112x128xf32, #tpu.memory_space<hbm>> -> memref<10112x128xf32, #tpu.memory_space<hbm>>
      tpu.enqueue_indirect_dma source(%dma_start3A_123 : memref<10112x128xf32, #tpu.memory_space<hbm>>) target(%arg10 : memref<120x128xf32, #tpu.memory_space<vmem>>) offsets(%dma_start3A_120 : memref<120xi32, #tpu.memory_space<vmem>>) semaphore(%arg14 : memref<!tpu.dma_semaphore, #tpu.memory_space<semaphore_mem>>)
      %dma_wait3A_124 = arith.constant 0 : i32
      %dma_wait3A_125 = arith.constant 0 : i32
      %dma_wait3A_126 = tpu.memref_slice %arg6[%dma_wait3A_124, %dma_wait3A_125] : memref<12x120xi32, #tpu.memory_space<vmem>> -> memref<1x120xi32, #tpu.memory_space<vmem>>
      %dma_wait3A_127 = tpu.memref_squeeze %dma_wait3A_126 : memref<1x120xi32, #tpu.memory_space<vmem>> -> memref<120xi32, #tpu.memory_space<vmem>>
      %dma_wait3A_128 = arith.constant 0 : i32
      %dma_wait3A_129 = arith.constant 0 : i32
      %dma_wait3A_130 = tpu.memref_slice %arg2[%dma_wait3A_128, %dma_wait3A_129] : memref<10112x128xf32, #tpu.memory_space<hbm>> -> memref<10112x128xf32, #tpu.memory_space<hbm>>
      tpu.wait_indirect_dma semaphore(%arg12 : memref<!tpu.dma_semaphore, #tpu.memory_space<semaphore_mem>>) src(%dma_wait3A_130 : memref<10112x128xf32, #tpu.memory_space<hbm>>) dst(%arg8 : memref<120x128xf32, #tpu.memory_space<vmem>>)
      %dma_start3A_131 = arith.constant 3 : i32
      %dma_start3A_132 = arith.constant 0 : i32
      %dma_start3A_133 = tpu.memref_slice %arg7[%dma_start3A_131, %dma_start3A_132] : memref<12x120xi32, #tpu.memory_space<vmem>> -> memref<1x120xi32, #tpu.memory_space<vmem>>
      %dma_start3A_134 = tpu.memref_squeeze %dma_start3A_133 : memref<1x120xi32, #tpu.memory_space<vmem>> -> memref<120xi32, #tpu.memory_space<vmem>>
      %dma_start3A_135 = arith.constant 0 : i32
      %dma_start3A_136 = arith.constant 0 : i32
      %dma_start3A_137 = tpu.memref_slice %arg11[%dma_start3A_135, %dma_start3A_136] : memref<10112x128xf32, #tpu.memory_space<vmem_shared>> -> memref<10112x128xf32, #tpu.memory_space<vmem_shared>>
      tpu.enqueue_indirect_dma source(%arg8 : memref<120x128xf32, #tpu.memory_space<vmem>>) target(%dma_start3A_137 : memref<10112x128xf32, #tpu.memory_space<vmem_shared>>) offsets(%dma_start3A_134 : memref<120xi32, #tpu.memory_space<vmem>>) semaphore(%arg15 : memref<!tpu.dma_semaphore, #tpu.memory_space<semaphore_mem>>) {add = true}
      %dma_wait3A_138 = arith.constant 0 : i32
      %dma_wait3A_139 = arith.constant 0 : i32
      %dma_wait3A_140 = tpu.memref_slice %arg7[%dma_wait3A_138, %dma_wait3A_139] : memref<12x120xi32, #tpu.memory_space<vmem>> -> memref<1x120xi32, #tpu.memory_space<vmem>>
      %dma_wait3A_141 = tpu.memref_squeeze %dma_wait3A_140 : memref<1x120xi32, #tpu.memory_space<vmem>> -> memref<120xi32, #tpu.memory_space<vmem>>
      %dma_wait3A_142 = arith.constant 0 : i32
      %dma_wait3A_143 = arith.constant 0 : i32
      %dma_wait3A_144 = tpu.memref_slice %arg11[%dma_wait3A_142, %dma_wait3A_143] : memref<10112x128xf32, #tpu.memory_space<vmem_shared>> -> memref<10112x128xf32, #tpu.memory_space<vmem_shared>>
      tpu.wait_indirect_dma semaphore(%arg15 : memref<!tpu.dma_semaphore, #tpu.memory_space<semaphore_mem>>) src(%arg8 : memref<120x128xf32, #tpu.memory_space<vmem>>) dst(%dma_wait3A_144 : memref<10112x128xf32, #tpu.memory_space<vmem_shared>>)
      %dma_start3A_145 = arith.constant 6 : i32
      %dma_start3A_146 = arith.constant 0 : i32
      %dma_start3A_147 = tpu.memref_slice %arg6[%dma_start3A_145, %dma_start3A_146] : memref<12x120xi32, #tpu.memory_space<vmem>> -> memref<1x120xi32, #tpu.memory_space<vmem>>
      %dma_start3A_148 = tpu.memref_squeeze %dma_start3A_147 : memref<1x120xi32, #tpu.memory_space<vmem>> -> memref<120xi32, #tpu.memory_space<vmem>>
      %dma_start3A_149 = arith.constant 0 : i32
      %dma_start3A_150 = arith.constant 0 : i32
      %dma_start3A_151 = tpu.memref_slice %arg2[%dma_start3A_149, %dma_start3A_150] : memref<10112x128xf32, #tpu.memory_space<hbm>> -> memref<10112x128xf32, #tpu.memory_space<hbm>>
      tpu.enqueue_indirect_dma source(%dma_start3A_151 : memref<10112x128xf32, #tpu.memory_space<hbm>>) target(%arg8 : memref<120x128xf32, #tpu.memory_space<vmem>>) offsets(%dma_start3A_148 : memref<120xi32, #tpu.memory_space<vmem>>) semaphore(%arg12 : memref<!tpu.dma_semaphore, #tpu.memory_space<semaphore_mem>>)
      %dma_wait3A_152 = arith.constant 0 : i32
      %dma_wait3A_153 = arith.constant 0 : i32
      %dma_wait3A_154 = tpu.memref_slice %arg6[%dma_wait3A_152, %dma_wait3A_153] : memref<12x120xi32, #tpu.memory_space<vmem>> -> memref<1x120xi32, #tpu.memory_space<vmem>>
      %dma_wait3A_155 = tpu.memref_squeeze %dma_wait3A_154 : memref<1x120xi32, #tpu.memory_space<vmem>> -> memref<120xi32, #tpu.memory_space<vmem>>
      %dma_wait3A_156 = arith.constant 0 : i32
      %dma_wait3A_157 = arith.constant 0 : i32
      %dma_wait3A_158 = tpu.memref_slice %arg2[%dma_wait3A_156, %dma_wait3A_157] : memref<10112x128xf32, #tpu.memory_space<hbm>> -> memref<10112x128xf32, #tpu.memory_space<hbm>>
      tpu.wait_indirect_dma semaphore(%arg13 : memref<!tpu.dma_semaphore, #tpu.memory_space<semaphore_mem>>) src(%dma_wait3A_158 : memref<10112x128xf32, #tpu.memory_space<hbm>>) dst(%arg9 : memref<120x128xf32, #tpu.memory_space<vmem>>)
      %dma_start3A_159 = arith.constant 4 : i32
      %dma_start3A_160 = arith.constant 0 : i32
      %dma_start3A_161 = tpu.memref_slice %arg7[%dma_start3A_159, %dma_start3A_160] : memref<12x120xi32, #tpu.memory_space<vmem>> -> memref<1x120xi32, #tpu.memory_space<vmem>>
      %dma_start3A_162 = tpu.memref_squeeze %dma_start3A_161 : memref<1x120xi32, #tpu.memory_space<vmem>> -> memref<120xi32, #tpu.memory_space<vmem>>
      %dma_start3A_163 = arith.constant 0 : i32
      %dma_start3A_164 = arith.constant 0 : i32
      %dma_start3A_165 = tpu.memref_slice %arg11[%dma_start3A_163, %dma_start3A_164] : memref<10112x128xf32, #tpu.memory_space<vmem_shared>> -> memref<10112x128xf32, #tpu.memory_space<vmem_shared>>
      tpu.enqueue_indirect_dma source(%arg9 : memref<120x128xf32, #tpu.memory_space<vmem>>) target(%dma_start3A_165 : memref<10112x128xf32, #tpu.memory_space<vmem_shared>>) offsets(%dma_start3A_162 : memref<120xi32, #tpu.memory_space<vmem>>) semaphore(%arg16 : memref<!tpu.dma_semaphore, #tpu.memory_space<semaphore_mem>>) {add = true}
      %dma_wait3A_166 = arith.constant 0 : i32
      %dma_wait3A_167 = arith.constant 0 : i32
      %dma_wait3A_168 = tpu.memref_slice %arg7[%dma_wait3A_166, %dma_wait3A_167] : memref<12x120xi32, #tpu.memory_space<vmem>> -> memref<1x120xi32, #tpu.memory_space<vmem>>
      %dma_wait3A_169 = tpu.memref_squeeze %dma_wait3A_168 : memref<1x120xi32, #tpu.memory_space<vmem>> -> memref<120xi32, #tpu.memory_space<vmem>>
      %dma_wait3A_170 = arith.constant 0 : i32
      %dma_wait3A_171 = arith.constant 0 : i32
      %dma_wait3A_172 = tpu.memref_slice %arg11[%dma_wait3A_170, %dma_wait3A_171] : memref<10112x128xf32, #tpu.memory_space<vmem_shared>> -> memref<10112x128xf32, #tpu.memory_space<vmem_shared>>
      tpu.wait_indirect_dma semaphore(%arg16 : memref<!tpu.dma_semaphore, #tpu.memory_space<semaphore_mem>>) src(%arg9 : memref<120x128xf32, #tpu.memory_space<vmem>>) dst(%dma_wait3A_172 : memref<10112x128xf32, #tpu.memory_space<vmem_shared>>)
      %dma_start3A_173 = arith.constant 7 : i32
      %dma_start3A_174 = arith.constant 0 : i32
      %dma_start3A_175 = tpu.memref_slice %arg6[%dma_start3A_173, %dma_start3A_174] : memref<12x120xi32, #tpu.memory_space<vmem>> -> memref<1x120xi32, #tpu.memory_space<vmem>>
      %dma_start3A_176 = tpu.memref_squeeze %dma_start3A_175 : memref<1x120xi32, #tpu.memory_space<vmem>> -> memref<120xi32, #tpu.memory_space<vmem>>
      %dma_start3A_177 = arith.constant 0 : i32
      %dma_start3A_178 = arith.constant 0 : i32
      %dma_start3A_179 = tpu.memref_slice %arg2[%dma_start3A_177, %dma_start3A_178] : memref<10112x128xf32, #tpu.memory_space<hbm>> -> memref<10112x128xf32, #tpu.memory_space<hbm>>
      tpu.enqueue_indirect_dma source(%dma_start3A_179 : memref<10112x128xf32, #tpu.memory_space<hbm>>) target(%arg9 : memref<120x128xf32, #tpu.memory_space<vmem>>) offsets(%dma_start3A_176 : memref<120xi32, #tpu.memory_space<vmem>>) semaphore(%arg13 : memref<!tpu.dma_semaphore, #tpu.memory_space<semaphore_mem>>)
      %dma_wait3A_180 = arith.constant 0 : i32
      %dma_wait3A_181 = arith.constant 0 : i32
      %dma_wait3A_182 = tpu.memref_slice %arg6[%dma_wait3A_180, %dma_wait3A_181] : memref<12x120xi32, #tpu.memory_space<vmem>> -> memref<1x120xi32, #tpu.memory_space<vmem>>
      %dma_wait3A_183 = tpu.memref_squeeze %dma_wait3A_182 : memref<1x120xi32, #tpu.memory_space<vmem>> -> memref<120xi32, #tpu.memory_space<vmem>>
      %dma_wait3A_184 = arith.constant 0 : i32
      %dma_wait3A_185 = arith.constant 0 : i32
      %dma_wait3A_186 = tpu.memref_slice %arg2[%dma_wait3A_184, %dma_wait3A_185] : memref<10112x128xf32, #tpu.memory_space<hbm>> -> memref<10112x128xf32, #tpu.memory_space<hbm>>
      tpu.wait_indirect_dma semaphore(%arg14 : memref<!tpu.dma_semaphore, #tpu.memory_space<semaphore_mem>>) src(%dma_wait3A_186 : memref<10112x128xf32, #tpu.memory_space<hbm>>) dst(%arg10 : memref<120x128xf32, #tpu.memory_space<vmem>>)
      %dma_start3A_187 = arith.constant 5 : i32
      %dma_start3A_188 = arith.constant 0 : i32
      %dma_start3A_189 = tpu.memref_slice %arg7[%dma_start3A_187, %dma_start3A_188] : memref<12x120xi32, #tpu.memory_space<vmem>> -> memref<1x120xi32, #tpu.memory_space<vmem>>
      %dma_start3A_190 = tpu.memref_squeeze %dma_start3A_189 : memref<1x120xi32, #tpu.memory_space<vmem>> -> memref<120xi32, #tpu.memory_space<vmem>>
      %dma_start3A_191 = arith.constant 0 : i32
      %dma_start3A_192 = arith.constant 0 : i32
      %dma_start3A_193 = tpu.memref_slice %arg11[%dma_start3A_191, %dma_start3A_192] : memref<10112x128xf32, #tpu.memory_space<vmem_shared>> -> memref<10112x128xf32, #tpu.memory_space<vmem_shared>>
      tpu.enqueue_indirect_dma source(%arg10 : memref<120x128xf32, #tpu.memory_space<vmem>>) target(%dma_start3A_193 : memref<10112x128xf32, #tpu.memory_space<vmem_shared>>) offsets(%dma_start3A_190 : memref<120xi32, #tpu.memory_space<vmem>>) semaphore(%arg17 : memref<!tpu.dma_semaphore, #tpu.memory_space<semaphore_mem>>) {add = true}
      %dma_wait3A_194 = arith.constant 0 : i32
      %dma_wait3A_195 = arith.constant 0 : i32
      %dma_wait3A_196 = tpu.memref_slice %arg7[%dma_wait3A_194, %dma_wait3A_195] : memref<12x120xi32, #tpu.memory_space<vmem>> -> memref<1x120xi32, #tpu.memory_space<vmem>>
      %dma_wait3A_197 = tpu.memref_squeeze %dma_wait3A_196 : memref<1x120xi32, #tpu.memory_space<vmem>> -> memref<120xi32, #tpu.memory_space<vmem>>
      %dma_wait3A_198 = arith.constant 0 : i32
      %dma_wait3A_199 = arith.constant 0 : i32
      %dma_wait3A_200 = tpu.memref_slice %arg11[%dma_wait3A_198, %dma_wait3A_199] : memref<10112x128xf32, #tpu.memory_space<vmem_shared>> -> memref<10112x128xf32, #tpu.memory_space<vmem_shared>>
      tpu.wait_indirect_dma semaphore(%arg17 : memref<!tpu.dma_semaphore, #tpu.memory_space<semaphore_mem>>) src(%arg10 : memref<120x128xf32, #tpu.memory_space<vmem>>) dst(%dma_wait3A_200 : memref<10112x128xf32, #tpu.memory_space<vmem_shared>>)
      %dma_start3A_201 = arith.constant 8 : i32
      %dma_start3A_202 = arith.constant 0 : i32
      %dma_start3A_203 = tpu.memref_slice %arg6[%dma_start3A_201, %dma_start3A_202] : memref<12x120xi32, #tpu.memory_space<vmem>> -> memref<1x120xi32, #tpu.memory_space<vmem>>
      %dma_start3A_204 = tpu.memref_squeeze %dma_start3A_203 : memref<1x120xi32, #tpu.memory_space<vmem>> -> memref<120xi32, #tpu.memory_space<vmem>>
      %dma_start3A_205 = arith.constant 0 : i32
      %dma_start3A_206 = arith.constant 0 : i32
      %dma_start3A_207 = tpu.memref_slice %arg2[%dma_start3A_205, %dma_start3A_206] : memref<10112x128xf32, #tpu.memory_space<hbm>> -> memref<10112x128xf32, #tpu.memory_space<hbm>>
      tpu.enqueue_indirect_dma source(%dma_start3A_207 : memref<10112x128xf32, #tpu.memory_space<hbm>>) target(%arg10 : memref<120x128xf32, #tpu.memory_space<vmem>>) offsets(%dma_start3A_204 : memref<120xi32, #tpu.memory_space<vmem>>) semaphore(%arg14 : memref<!tpu.dma_semaphore, #tpu.memory_space<semaphore_mem>>)
      %dma_wait3A_208 = arith.constant 0 : i32
      %dma_wait3A_209 = arith.constant 0 : i32
      %dma_wait3A_210 = tpu.memref_slice %arg6[%dma_wait3A_208, %dma_wait3A_209] : memref<12x120xi32, #tpu.memory_space<vmem>> -> memref<1x120xi32, #tpu.memory_space<vmem>>
      %dma_wait3A_211 = tpu.memref_squeeze %dma_wait3A_210 : memref<1x120xi32, #tpu.memory_space<vmem>> -> memref<120xi32, #tpu.memory_space<vmem>>
      %dma_wait3A_212 = arith.constant 0 : i32
      %dma_wait3A_213 = arith.constant 0 : i32
      %dma_wait3A_214 = tpu.memref_slice %arg2[%dma_wait3A_212, %dma_wait3A_213] : memref<10112x128xf32, #tpu.memory_space<hbm>> -> memref<10112x128xf32, #tpu.memory_space<hbm>>
      tpu.wait_indirect_dma semaphore(%arg12 : memref<!tpu.dma_semaphore, #tpu.memory_space<semaphore_mem>>) src(%dma_wait3A_214 : memref<10112x128xf32, #tpu.memory_space<hbm>>) dst(%arg8 : memref<120x128xf32, #tpu.memory_space<vmem>>)
      %dma_start3A_215 = arith.constant 6 : i32
      %dma_start3A_216 = arith.constant 0 : i32
      %dma_start3A_217 = tpu.memref_slice %arg7[%dma_start3A_215, %dma_start3A_216] : memref<12x120xi32, #tpu.memory_space<vmem>> -> memref<1x120xi32, #tpu.memory_space<vmem>>
      %dma_start3A_218 = tpu.memref_squeeze %dma_start3A_217 : memref<1x120xi32, #tpu.memory_space<vmem>> -> memref<120xi32, #tpu.memory_space<vmem>>
      %dma_start3A_219 = arith.constant 0 : i32
      %dma_start3A_220 = arith.constant 0 : i32
      %dma_start3A_221 = tpu.memref_slice %arg11[%dma_start3A_219, %dma_start3A_220] : memref<10112x128xf32, #tpu.memory_space<vmem_shared>> -> memref<10112x128xf32, #tpu.memory_space<vmem_shared>>
      tpu.enqueue_indirect_dma source(%arg8 : memref<120x128xf32, #tpu.memory_space<vmem>>) target(%dma_start3A_221 : memref<10112x128xf32, #tpu.memory_space<vmem_shared>>) offsets(%dma_start3A_218 : memref<120xi32, #tpu.memory_space<vmem>>) semaphore(%arg15 : memref<!tpu.dma_semaphore, #tpu.memory_space<semaphore_mem>>) {add = true}
      %dma_wait3A_222 = arith.constant 0 : i32
      %dma_wait3A_223 = arith.constant 0 : i32
      %dma_wait3A_224 = tpu.memref_slice %arg7[%dma_wait3A_222, %dma_wait3A_223] : memref<12x120xi32, #tpu.memory_space<vmem>> -> memref<1x120xi32, #tpu.memory_space<vmem>>
      %dma_wait3A_225 = tpu.memref_squeeze %dma_wait3A_224 : memref<1x120xi32, #tpu.memory_space<vmem>> -> memref<120xi32, #tpu.memory_space<vmem>>
      %dma_wait3A_226 = arith.constant 0 : i32
      %dma_wait3A_227 = arith.constant 0 : i32
      %dma_wait3A_228 = tpu.memref_slice %arg11[%dma_wait3A_226, %dma_wait3A_227] : memref<10112x128xf32, #tpu.memory_space<vmem_shared>> -> memref<10112x128xf32, #tpu.memory_space<vmem_shared>>
      tpu.wait_indirect_dma semaphore(%arg15 : memref<!tpu.dma_semaphore, #tpu.memory_space<semaphore_mem>>) src(%arg8 : memref<120x128xf32, #tpu.memory_space<vmem>>) dst(%dma_wait3A_228 : memref<10112x128xf32, #tpu.memory_space<vmem_shared>>)
      %dma_start3A_229 = arith.constant 9 : i32
      %dma_start3A_230 = arith.constant 0 : i32
      %dma_start3A_231 = tpu.memref_slice %arg6[%dma_start3A_229, %dma_start3A_230] : memref<12x120xi32, #tpu.memory_space<vmem>> -> memref<1x120xi32, #tpu.memory_space<vmem>>
      %dma_start3A_232 = tpu.memref_squeeze %dma_start3A_231 : memref<1x120xi32, #tpu.memory_space<vmem>> -> memref<120xi32, #tpu.memory_space<vmem>>
      %dma_start3A_233 = arith.constant 0 : i32
      %dma_start3A_234 = arith.constant 0 : i32
      %dma_start3A_235 = tpu.memref_slice %arg2[%dma_start3A_233, %dma_start3A_234] : memref<10112x128xf32, #tpu.memory_space<hbm>> -> memref<10112x128xf32, #tpu.memory_space<hbm>>
      tpu.enqueue_indirect_dma source(%dma_start3A_235 : memref<10112x128xf32, #tpu.memory_space<hbm>>) target(%arg8 : memref<120x128xf32, #tpu.memory_space<vmem>>) offsets(%dma_start3A_232 : memref<120xi32, #tpu.memory_space<vmem>>) semaphore(%arg12 : memref<!tpu.dma_semaphore, #tpu.memory_space<semaphore_mem>>)
      %dma_wait3A_236 = arith.constant 0 : i32
      %dma_wait3A_237 = arith.constant 0 : i32
      %dma_wait3A_238 = tpu.memref_slice %arg6[%dma_wait3A_236, %dma_wait3A_237] : memref<12x120xi32, #tpu.memory_space<vmem>> -> memref<1x120xi32, #tpu.memory_space<vmem>>
      %dma_wait3A_239 = tpu.memref_squeeze %dma_wait3A_238 : memref<1x120xi32, #tpu.memory_space<vmem>> -> memref<120xi32, #tpu.memory_space<vmem>>
      %dma_wait3A_240 = arith.constant 0 : i32
      %dma_wait3A_241 = arith.constant 0 : i32
      %dma_wait3A_242 = tpu.memref_slice %arg2[%dma_wait3A_240, %dma_wait3A_241] : memref<10112x128xf32, #tpu.memory_space<hbm>> -> memref<10112x128xf32, #tpu.memory_space<hbm>>
      tpu.wait_indirect_dma semaphore(%arg13 : memref<!tpu.dma_semaphore, #tpu.memory_space<semaphore_mem>>) src(%dma_wait3A_242 : memref<10112x128xf32, #tpu.memory_space<hbm>>) dst(%arg9 : memref<120x128xf32, #tpu.memory_space<vmem>>)
      %dma_start3A_243 = arith.constant 7 : i32
      %dma_start3A_244 = arith.constant 0 : i32
      %dma_start3A_245 = tpu.memref_slice %arg7[%dma_start3A_243, %dma_start3A_244] : memref<12x120xi32, #tpu.memory_space<vmem>> -> memref<1x120xi32, #tpu.memory_space<vmem>>
      %dma_start3A_246 = tpu.memref_squeeze %dma_start3A_245 : memref<1x120xi32, #tpu.memory_space<vmem>> -> memref<120xi32, #tpu.memory_space<vmem>>
      %dma_start3A_247 = arith.constant 0 : i32
      %dma_start3A_248 = arith.constant 0 : i32
      %dma_start3A_249 = tpu.memref_slice %arg11[%dma_start3A_247, %dma_start3A_248] : memref<10112x128xf32, #tpu.memory_space<vmem_shared>> -> memref<10112x128xf32, #tpu.memory_space<vmem_shared>>
      tpu.enqueue_indirect_dma source(%arg9 : memref<120x128xf32, #tpu.memory_space<vmem>>) target(%dma_start3A_249 : memref<10112x128xf32, #tpu.memory_space<vmem_shared>>) offsets(%dma_start3A_246 : memref<120xi32, #tpu.memory_space<vmem>>) semaphore(%arg16 : memref<!tpu.dma_semaphore, #tpu.memory_space<semaphore_mem>>) {add = true}
      %dma_wait3A_250 = arith.constant 0 : i32
      %dma_wait3A_251 = arith.constant 0 : i32
      %dma_wait3A_252 = tpu.memref_slice %arg7[%dma_wait3A_250, %dma_wait3A_251] : memref<12x120xi32, #tpu.memory_space<vmem>> -> memref<1x120xi32, #tpu.memory_space<vmem>>
      %dma_wait3A_253 = tpu.memref_squeeze %dma_wait3A_252 : memref<1x120xi32, #tpu.memory_space<vmem>> -> memref<120xi32, #tpu.memory_space<vmem>>
      %dma_wait3A_254 = arith.constant 0 : i32
      %dma_wait3A_255 = arith.constant 0 : i32
      %dma_wait3A_256 = tpu.memref_slice %arg11[%dma_wait3A_254, %dma_wait3A_255] : memref<10112x128xf32, #tpu.memory_space<vmem_shared>> -> memref<10112x128xf32, #tpu.memory_space<vmem_shared>>
      tpu.wait_indirect_dma semaphore(%arg16 : memref<!tpu.dma_semaphore, #tpu.memory_space<semaphore_mem>>) src(%arg9 : memref<120x128xf32, #tpu.memory_space<vmem>>) dst(%dma_wait3A_256 : memref<10112x128xf32, #tpu.memory_space<vmem_shared>>)
      %dma_start3A_257 = arith.constant 10 : i32
      %dma_start3A_258 = arith.constant 0 : i32
      %dma_start3A_259 = tpu.memref_slice %arg6[%dma_start3A_257, %dma_start3A_258] : memref<12x120xi32, #tpu.memory_space<vmem>> -> memref<1x120xi32, #tpu.memory_space<vmem>>
      %dma_start3A_260 = tpu.memref_squeeze %dma_start3A_259 : memref<1x120xi32, #tpu.memory_space<vmem>> -> memref<120xi32, #tpu.memory_space<vmem>>
      %dma_start3A_261 = arith.constant 0 : i32
      %dma_start3A_262 = arith.constant 0 : i32
      %dma_start3A_263 = tpu.memref_slice %arg2[%dma_start3A_261, %dma_start3A_262] : memref<10112x128xf32, #tpu.memory_space<hbm>> -> memref<10112x128xf32, #tpu.memory_space<hbm>>
      tpu.enqueue_indirect_dma source(%dma_start3A_263 : memref<10112x128xf32, #tpu.memory_space<hbm>>) target(%arg9 : memref<120x128xf32, #tpu.memory_space<vmem>>) offsets(%dma_start3A_260 : memref<120xi32, #tpu.memory_space<vmem>>) semaphore(%arg13 : memref<!tpu.dma_semaphore, #tpu.memory_space<semaphore_mem>>)
      %dma_wait3A_264 = arith.constant 0 : i32
      %dma_wait3A_265 = arith.constant 0 : i32
      %dma_wait3A_266 = tpu.memref_slice %arg6[%dma_wait3A_264, %dma_wait3A_265] : memref<12x120xi32, #tpu.memory_space<vmem>> -> memref<1x120xi32, #tpu.memory_space<vmem>>
      %dma_wait3A_267 = tpu.memref_squeeze %dma_wait3A_266 : memref<1x120xi32, #tpu.memory_space<vmem>> -> memref<120xi32, #tpu.memory_space<vmem>>
      %dma_wait3A_268 = arith.constant 0 : i32
      %dma_wait3A_269 = arith.constant 0 : i32
      %dma_wait3A_270 = tpu.memref_slice %arg2[%dma_wait3A_268, %dma_wait3A_269] : memref<10112x128xf32, #tpu.memory_space<hbm>> -> memref<10112x128xf32, #tpu.memory_space<hbm>>
      tpu.wait_indirect_dma semaphore(%arg14 : memref<!tpu.dma_semaphore, #tpu.memory_space<semaphore_mem>>) src(%dma_wait3A_270 : memref<10112x128xf32, #tpu.memory_space<hbm>>) dst(%arg10 : memref<120x128xf32, #tpu.memory_space<vmem>>)
      %dma_start3A_271 = arith.constant 8 : i32
      %dma_start3A_272 = arith.constant 0 : i32
      %dma_start3A_273 = tpu.memref_slice %arg7[%dma_start3A_271, %dma_start3A_272] : memref<12x120xi32, #tpu.memory_space<vmem>> -> memref<1x120xi32, #tpu.memory_space<vmem>>
      %dma_start3A_274 = tpu.memref_squeeze %dma_start3A_273 : memref<1x120xi32, #tpu.memory_space<vmem>> -> memref<120xi32, #tpu.memory_space<vmem>>
      %dma_start3A_275 = arith.constant 0 : i32
      %dma_start3A_276 = arith.constant 0 : i32
      %dma_start3A_277 = tpu.memref_slice %arg11[%dma_start3A_275, %dma_start3A_276] : memref<10112x128xf32, #tpu.memory_space<vmem_shared>> -> memref<10112x128xf32, #tpu.memory_space<vmem_shared>>
      tpu.enqueue_indirect_dma source(%arg10 : memref<120x128xf32, #tpu.memory_space<vmem>>) target(%dma_start3A_277 : memref<10112x128xf32, #tpu.memory_space<vmem_shared>>) offsets(%dma_start3A_274 : memref<120xi32, #tpu.memory_space<vmem>>) semaphore(%arg17 : memref<!tpu.dma_semaphore, #tpu.memory_space<semaphore_mem>>) {add = true}
      %dma_wait3A_278 = arith.constant 0 : i32
      %dma_wait3A_279 = arith.constant 0 : i32
      %dma_wait3A_280 = tpu.memref_slice %arg7[%dma_wait3A_278, %dma_wait3A_279] : memref<12x120xi32, #tpu.memory_space<vmem>> -> memref<1x120xi32, #tpu.memory_space<vmem>>
      %dma_wait3A_281 = tpu.memref_squeeze %dma_wait3A_280 : memref<1x120xi32, #tpu.memory_space<vmem>> -> memref<120xi32, #tpu.memory_space<vmem>>
      %dma_wait3A_282 = arith.constant 0 : i32
      %dma_wait3A_283 = arith.constant 0 : i32
      %dma_wait3A_284 = tpu.memref_slice %arg11[%dma_wait3A_282, %dma_wait3A_283] : memref<10112x128xf32, #tpu.memory_space<vmem_shared>> -> memref<10112x128xf32, #tpu.memory_space<vmem_shared>>
      tpu.wait_indirect_dma semaphore(%arg17 : memref<!tpu.dma_semaphore, #tpu.memory_space<semaphore_mem>>) src(%arg10 : memref<120x128xf32, #tpu.memory_space<vmem>>) dst(%dma_wait3A_284 : memref<10112x128xf32, #tpu.memory_space<vmem_shared>>)
      %dma_start3A_285 = arith.constant 11 : i32
      %dma_start3A_286 = arith.constant 0 : i32
      %dma_start3A_287 = tpu.memref_slice %arg6[%dma_start3A_285, %dma_start3A_286] : memref<12x120xi32, #tpu.memory_space<vmem>> -> memref<1x120xi32, #tpu.memory_space<vmem>>
      %dma_start3A_288 = tpu.memref_squeeze %dma_start3A_287 : memref<1x120xi32, #tpu.memory_space<vmem>> -> memref<120xi32, #tpu.memory_space<vmem>>
      %dma_start3A_289 = arith.constant 0 : i32
      %dma_start3A_290 = arith.constant 0 : i32
      %dma_start3A_291 = tpu.memref_slice %arg2[%dma_start3A_289, %dma_start3A_290] : memref<10112x128xf32, #tpu.memory_space<hbm>> -> memref<10112x128xf32, #tpu.memory_space<hbm>>
      tpu.enqueue_indirect_dma source(%dma_start3A_291 : memref<10112x128xf32, #tpu.memory_space<hbm>>) target(%arg10 : memref<120x128xf32, #tpu.memory_space<vmem>>) offsets(%dma_start3A_288 : memref<120xi32, #tpu.memory_space<vmem>>) semaphore(%arg14 : memref<!tpu.dma_semaphore, #tpu.memory_space<semaphore_mem>>)
      %dma_wait3A_292 = arith.constant 0 : i32
      %dma_wait3A_293 = arith.constant 0 : i32
      %dma_wait3A_294 = tpu.memref_slice %arg6[%dma_wait3A_292, %dma_wait3A_293] : memref<12x120xi32, #tpu.memory_space<vmem>> -> memref<1x120xi32, #tpu.memory_space<vmem>>
      %dma_wait3A_295 = tpu.memref_squeeze %dma_wait3A_294 : memref<1x120xi32, #tpu.memory_space<vmem>> -> memref<120xi32, #tpu.memory_space<vmem>>
      %dma_wait3A_296 = arith.constant 0 : i32
      %dma_wait3A_297 = arith.constant 0 : i32
      %dma_wait3A_298 = tpu.memref_slice %arg2[%dma_wait3A_296, %dma_wait3A_297] : memref<10112x128xf32, #tpu.memory_space<hbm>> -> memref<10112x128xf32, #tpu.memory_space<hbm>>
      tpu.wait_indirect_dma semaphore(%arg12 : memref<!tpu.dma_semaphore, #tpu.memory_space<semaphore_mem>>) src(%dma_wait3A_298 : memref<10112x128xf32, #tpu.memory_space<hbm>>) dst(%arg8 : memref<120x128xf32, #tpu.memory_space<vmem>>)
      %dma_start3A_299 = arith.constant 9 : i32
      %dma_start3A_300 = arith.constant 0 : i32
      %dma_start3A_301 = tpu.memref_slice %arg7[%dma_start3A_299, %dma_start3A_300] : memref<12x120xi32, #tpu.memory_space<vmem>> -> memref<1x120xi32, #tpu.memory_space<vmem>>
      %dma_start3A_302 = tpu.memref_squeeze %dma_start3A_301 : memref<1x120xi32, #tpu.memory_space<vmem>> -> memref<120xi32, #tpu.memory_space<vmem>>
      %dma_start3A_303 = arith.constant 0 : i32
      %dma_start3A_304 = arith.constant 0 : i32
      %dma_start3A_305 = tpu.memref_slice %arg11[%dma_start3A_303, %dma_start3A_304] : memref<10112x128xf32, #tpu.memory_space<vmem_shared>> -> memref<10112x128xf32, #tpu.memory_space<vmem_shared>>
      tpu.enqueue_indirect_dma source(%arg8 : memref<120x128xf32, #tpu.memory_space<vmem>>) target(%dma_start3A_305 : memref<10112x128xf32, #tpu.memory_space<vmem_shared>>) offsets(%dma_start3A_302 : memref<120xi32, #tpu.memory_space<vmem>>) semaphore(%arg15 : memref<!tpu.dma_semaphore, #tpu.memory_space<semaphore_mem>>) {add = true}
      %dma_wait3A_306 = arith.constant 0 : i32
      %dma_wait3A_307 = arith.constant 0 : i32
      %dma_wait3A_308 = tpu.memref_slice %arg6[%dma_wait3A_306, %dma_wait3A_307] : memref<12x120xi32, #tpu.memory_space<vmem>> -> memref<1x120xi32, #tpu.memory_space<vmem>>
      %dma_wait3A_309 = tpu.memref_squeeze %dma_wait3A_308 : memref<1x120xi32, #tpu.memory_space<vmem>> -> memref<120xi32, #tpu.memory_space<vmem>>
      %dma_wait3A_310 = arith.constant 0 : i32
      %dma_wait3A_311 = arith.constant 0 : i32
      %dma_wait3A_312 = tpu.memref_slice %arg2[%dma_wait3A_310, %dma_wait3A_311] : memref<10112x128xf32, #tpu.memory_space<hbm>> -> memref<10112x128xf32, #tpu.memory_space<hbm>>
      tpu.wait_indirect_dma semaphore(%arg13 : memref<!tpu.dma_semaphore, #tpu.memory_space<semaphore_mem>>) src(%dma_wait3A_312 : memref<10112x128xf32, #tpu.memory_space<hbm>>) dst(%arg9 : memref<120x128xf32, #tpu.memory_space<vmem>>)
      %dma_start3A_313 = arith.constant 10 : i32
      %dma_start3A_314 = arith.constant 0 : i32
      %dma_start3A_315 = tpu.memref_slice %arg7[%dma_start3A_313, %dma_start3A_314] : memref<12x120xi32, #tpu.memory_space<vmem>> -> memref<1x120xi32, #tpu.memory_space<vmem>>
      %dma_start3A_316 = tpu.memref_squeeze %dma_start3A_315 : memref<1x120xi32, #tpu.memory_space<vmem>> -> memref<120xi32, #tpu.memory_space<vmem>>
      %dma_start3A_317 = arith.constant 0 : i32
      %dma_start3A_318 = arith.constant 0 : i32
      %dma_start3A_319 = tpu.memref_slice %arg11[%dma_start3A_317, %dma_start3A_318] : memref<10112x128xf32, #tpu.memory_space<vmem_shared>> -> memref<10112x128xf32, #tpu.memory_space<vmem_shared>>
      tpu.enqueue_indirect_dma source(%arg9 : memref<120x128xf32, #tpu.memory_space<vmem>>) target(%dma_start3A_319 : memref<10112x128xf32, #tpu.memory_space<vmem_shared>>) offsets(%dma_start3A_316 : memref<120xi32, #tpu.memory_space<vmem>>) semaphore(%arg16 : memref<!tpu.dma_semaphore, #tpu.memory_space<semaphore_mem>>) {add = true}
      %dma_wait3A_320 = arith.constant 0 : i32
      %dma_wait3A_321 = arith.constant 0 : i32
      %dma_wait3A_322 = tpu.memref_slice %arg6[%dma_wait3A_320, %dma_wait3A_321] : memref<12x120xi32, #tpu.memory_space<vmem>> -> memref<1x120xi32, #tpu.memory_space<vmem>>
      %dma_wait3A_323 = tpu.memref_squeeze %dma_wait3A_322 : memref<1x120xi32, #tpu.memory_space<vmem>> -> memref<120xi32, #tpu.memory_space<vmem>>
      %dma_wait3A_324 = arith.constant 0 : i32
      %dma_wait3A_325 = arith.constant 0 : i32
      %dma_wait3A_326 = tpu.memref_slice %arg2[%dma_wait3A_324, %dma_wait3A_325] : memref<10112x128xf32, #tpu.memory_space<hbm>> -> memref<10112x128xf32, #tpu.memory_space<hbm>>
      tpu.wait_indirect_dma semaphore(%arg14 : memref<!tpu.dma_semaphore, #tpu.memory_space<semaphore_mem>>) src(%dma_wait3A_326 : memref<10112x128xf32, #tpu.memory_space<hbm>>) dst(%arg10 : memref<120x128xf32, #tpu.memory_space<vmem>>)
      %dma_start3A_327 = arith.constant 11 : i32
      %dma_start3A_328 = arith.constant 0 : i32
      %dma_start3A_329 = tpu.memref_slice %arg7[%dma_start3A_327, %dma_start3A_328] : memref<12x120xi32, #tpu.memory_space<vmem>> -> memref<1x120xi32, #tpu.memory_space<vmem>>
      %dma_start3A_330 = tpu.memref_squeeze %dma_start3A_329 : memref<1x120xi32, #tpu.memory_space<vmem>> -> memref<120xi32, #tpu.memory_space<vmem>>
      %dma_start3A_331 = arith.constant 0 : i32
      %dma_start3A_332 = arith.constant 0 : i32
      %dma_start3A_333 = tpu.memref_slice %arg11[%dma_start3A_331, %dma_start3A_332] : memref<10112x128xf32, #tpu.memory_space<vmem_shared>> -> memref<10112x128xf32, #tpu.memory_space<vmem_shared>>
      tpu.enqueue_indirect_dma source(%arg10 : memref<120x128xf32, #tpu.memory_space<vmem>>) target(%dma_start3A_333 : memref<10112x128xf32, #tpu.memory_space<vmem_shared>>) offsets(%dma_start3A_330 : memref<120xi32, #tpu.memory_space<vmem>>) semaphore(%arg17 : memref<!tpu.dma_semaphore, #tpu.memory_space<semaphore_mem>>) {add = true}
      %dma_wait3A_334 = arith.constant 0 : i32
      %dma_wait3A_335 = arith.constant 0 : i32
      %dma_wait3A_336 = tpu.memref_slice %arg7[%dma_wait3A_334, %dma_wait3A_335] : memref<12x120xi32, #tpu.memory_space<vmem>> -> memref<1x120xi32, #tpu.memory_space<vmem>>
      %dma_wait3A_337 = tpu.memref_squeeze %dma_wait3A_336 : memref<1x120xi32, #tpu.memory_space<vmem>> -> memref<120xi32, #tpu.memory_space<vmem>>
      %dma_wait3A_338 = arith.constant 0 : i32
      %dma_wait3A_339 = arith.constant 0 : i32
      %dma_wait3A_340 = tpu.memref_slice %arg11[%dma_wait3A_338, %dma_wait3A_339] : memref<10112x128xf32, #tpu.memory_space<vmem_shared>> -> memref<10112x128xf32, #tpu.memory_space<vmem_shared>>
      tpu.wait_indirect_dma semaphore(%arg15 : memref<!tpu.dma_semaphore, #tpu.memory_space<semaphore_mem>>) src(%arg8 : memref<120x128xf32, #tpu.memory_space<vmem>>) dst(%dma_wait3A_340 : memref<10112x128xf32, #tpu.memory_space<vmem_shared>>)
      %dma_wait3A_341 = arith.constant 0 : i32
      %dma_wait3A_342 = arith.constant 0 : i32
      %dma_wait3A_343 = tpu.memref_slice %arg7[%dma_wait3A_341, %dma_wait3A_342] : memref<12x120xi32, #tpu.memory_space<vmem>> -> memref<1x120xi32, #tpu.memory_space<vmem>>
      %dma_wait3A_344 = tpu.memref_squeeze %dma_wait3A_343 : memref<1x120xi32, #tpu.memory_space<vmem>> -> memref<120xi32, #tpu.memory_space<vmem>>
      %dma_wait3A_345 = arith.constant 0 : i32
      %dma_wait3A_346 = arith.constant 0 : i32
      %dma_wait3A_347 = tpu.memref_slice %arg11[%dma_wait3A_345, %dma_wait3A_346] : memref<10112x128xf32, #tpu.memory_space<vmem_shared>> -> memref<10112x128xf32, #tpu.memory_space<vmem_shared>>
      tpu.wait_indirect_dma semaphore(%arg16 : memref<!tpu.dma_semaphore, #tpu.memory_space<semaphore_mem>>) src(%arg9 : memref<120x128xf32, #tpu.memory_space<vmem>>) dst(%dma_wait3A_347 : memref<10112x128xf32, #tpu.memory_space<vmem_shared>>)
      %dma_wait3A_348 = arith.constant 0 : i32
      %dma_wait3A_349 = arith.constant 0 : i32
      %dma_wait3A_350 = tpu.memref_slice %arg7[%dma_wait3A_348, %dma_wait3A_349] : memref<12x120xi32, #tpu.memory_space<vmem>> -> memref<1x120xi32, #tpu.memory_space<vmem>>
      %dma_wait3A_351 = tpu.memref_squeeze %dma_wait3A_350 : memref<1x120xi32, #tpu.memory_space<vmem>> -> memref<120xi32, #tpu.memory_space<vmem>>
      %dma_wait3A_352 = arith.constant 0 : i32
      %dma_wait3A_353 = arith.constant 0 : i32
      %dma_wait3A_354 = tpu.memref_slice %arg11[%dma_wait3A_352, %dma_wait3A_353] : memref<10112x128xf32, #tpu.memory_space<vmem_shared>> -> memref<10112x128xf32, #tpu.memory_space<vmem_shared>>
      tpu.wait_indirect_dma semaphore(%arg17 : memref<!tpu.dma_semaphore, #tpu.memory_space<semaphore_mem>>) src(%arg10 : memref<120x128xf32, #tpu.memory_space<vmem>>) dst(%dma_wait3A_354 : memref<10112x128xf32, #tpu.memory_space<vmem_shared>>)
    }
    %scan3A_9 = arith.constant 7 : i32
    %barrier3A_10 = arith.constant 0 : index
    tpu.barrier barrier_id(%barrier3A_10)
    %mul3A_11 = arith.constant 632 : i32
    %mul3A_12 = arith.muli %arg1, %mul3A_11 : i32
    %mul3A_13 = arith.constant 632 : i32
    %mul3A_14 = arith.muli %arg1, %mul3A_13 : i32
    "tpu.region"() ({
      %run_scoped3A = tpu.sem_alloc : memref<!tpu.dma_semaphore, #tpu.memory_space<semaphore_mem>>
      %dma_start3A = arith.constant 0 : i32
      %dma_start3A_15 = tpu.memref_slice %arg5[%arg0, %mul3A_14, %dma_start3A] : memref<2x10112x128xf32, #tpu.memory_space<hbm>> -> memref<1x632x128xf32, #tpu.memory_space<hbm>>
      %dma_start3A_16 = tpu.memref_squeeze %dma_start3A_15 : memref<1x632x128xf32, #tpu.memory_space<hbm>> -> memref<632x128xf32, #tpu.memory_space<hbm>>
      %dma_start3A_17 = arith.constant 0 : i32
      %dma_start3A_18 = tpu.memref_slice %arg11[%mul3A_12, %dma_start3A_17] : memref<10112x128xf32, #tpu.memory_space<vmem_shared>> -> memref<632x128xf32, #tpu.memory_space<vmem_shared>>
      tpu.enqueue_dma source(%dma_start3A_18 : memref<632x128xf32, #tpu.memory_space<vmem_shared>>) target(%dma_start3A_16 : memref<632x128xf32, #tpu.memory_space<hbm>>) target_semaphore(%run_scoped3A : memref<!tpu.dma_semaphore, #tpu.memory_space<semaphore_mem>>)
      %dma_wait3A = arith.constant 0 : i32
      %dma_wait3A_19 = tpu.memref_slice %arg5[%arg0, %mul3A_14, %dma_wait3A] : memref<2x10112x128xf32, #tpu.memory_space<hbm>> -> memref<1x632x128xf32, #tpu.memory_space<hbm>>
      %dma_wait3A_20 = tpu.memref_squeeze %dma_wait3A_19 : memref<1x632x128xf32, #tpu.memory_space<hbm>> -> memref<632x128xf32, #tpu.memory_space<hbm>>
      %dma_wait3A_21 = arith.constant 0 : i32
      %dma_wait3A_22 = tpu.memref_slice %arg11[%mul3A_12, %dma_wait3A_21] : memref<10112x128xf32, #tpu.memory_space<vmem_shared>> -> memref<632x128xf32, #tpu.memory_space<vmem_shared>>
      tpu.wait_dma2 semaphore(%run_scoped3A : memref<!tpu.dma_semaphore, #tpu.memory_space<semaphore_mem>>) src(%dma_wait3A_22 : memref<632x128xf32, #tpu.memory_space<vmem_shared>>) dst(%dma_wait3A_20 : memref<632x128xf32, #tpu.memory_space<hbm>>)
      tpu.yield
    }) : () -> ()
    return
  }
}

#map = affine_map<(d0, d1) -> (0, 0)>
#map1 = affine_map<(d0, d1) -> (0, 0, 0)>
module attributes {stable_mosaic.version = 14 : i64} {
  func.func @agg_k(%arg0: i32, %arg1: i32, %arg2: memref<10112x8xf32, #tpu.memory_space<hbm>>, %arg3: memref<2688x120xi32, #tpu.memory_space<hbm>>, %arg4: memref<2688x120xi32, #tpu.memory_space<hbm>>, %arg5: memref<2x10112x8xf32, #tpu.memory_space<hbm>>, %arg6: memref<12x120xi32, #tpu.memory_space<vmem>>, %arg7: memref<12x120xi32, #tpu.memory_space<vmem>>, %arg8: memref<120x8xf32, #tpu.memory_space<vmem>>, %arg9: memref<120x8xf32, #tpu.memory_space<vmem>>, %arg10: memref<120x8xf32, #tpu.memory_space<vmem>>, %arg11: memref<120x8xf32, #tpu.memory_space<vmem>>, %arg12: memref<120x8xf32, #tpu.memory_space<vmem>>, %arg13: memref<120x8xf32, #tpu.memory_space<vmem>>, %arg14: memref<10112x8xf32, #tpu.memory_space<vmem_shared>>, %arg15: memref<!tpu.dma_semaphore, #tpu.memory_space<semaphore_mem>>, %arg16: memref<!tpu.dma_semaphore, #tpu.memory_space<semaphore_mem>>, %arg17: memref<!tpu.dma_semaphore, #tpu.memory_space<semaphore_mem>>, %arg18: memref<!tpu.dma_semaphore, #tpu.memory_space<semaphore_mem>>, %arg19: memref<!tpu.dma_semaphore, #tpu.memory_space<semaphore_mem>>, %arg20: memref<!tpu.dma_semaphore, #tpu.memory_space<semaphore_mem>>, %arg21: memref<!tpu.dma_semaphore, #tpu.memory_space<semaphore_mem>>, %arg22: memref<!tpu.dma_semaphore, #tpu.memory_space<semaphore_mem>>, %arg23: memref<!tpu.dma_semaphore, #tpu.memory_space<semaphore_mem>>, %arg24: memref<!tpu.dma_semaphore, #tpu.memory_space<semaphore_mem>>, %arg25: memref<!tpu.dma_semaphore, #tpu.memory_space<semaphore_mem>>, %arg26: memref<!tpu.dma_semaphore, #tpu.memory_space<semaphore_mem>>) attributes {dimension_semantics = [#tpu.dimension_semantics<core_parallel>, #tpu.dimension_semantics<subcore_parallel>], iteration_bounds = array<i64: 2, 16>, scalar_prefetch = 0 : i64, scratch_operands = 21 : i64, tpu.core_type = #tpu.core_type<sc_vector_subcore>, window_params = [{transform_indices = #map}, {transform_indices = #map}, {transform_indices = #map}, {transform_indices = #map1}]} {
    %mul3A = arith.constant 16 : i32
    %mul3A_0 = arith.muli %arg0, %mul3A : i32
    %add3A = arith.addi %mul3A_0, %arg1 : i32
    %mul3A_1 = arith.constant 632 : i32
    %mul3A_2 = arith.muli %arg1, %mul3A_1 : i32
    %mul3A_3 = arith.constant 632 : i32
    %mul3A_4 = arith.muli %arg1, %mul3A_3 : i32
    "tpu.region"() ({
      %run_scoped3A = tpu.sem_alloc : memref<!tpu.dma_semaphore, #tpu.memory_space<semaphore_mem>>
      %dma_start3A = arith.constant 0 : i32
      %dma_start3A_15 = tpu.memref_slice %arg14[%mul3A_4, %dma_start3A] : memref<10112x8xf32, #tpu.memory_space<vmem_shared>> -> memref<632x8xf32, #tpu.memory_space<vmem_shared>>
      %dma_start3A_16 = arith.constant 0 : i32
      %dma_start3A_17 = tpu.memref_slice %arg2[%mul3A_2, %dma_start3A_16] : memref<10112x8xf32, #tpu.memory_space<hbm>> -> memref<632x8xf32, #tpu.memory_space<hbm>>
      tpu.enqueue_dma source(%dma_start3A_17 : memref<632x8xf32, #tpu.memory_space<hbm>>) target(%dma_start3A_15 : memref<632x8xf32, #tpu.memory_space<vmem_shared>>) target_semaphore(%run_scoped3A : memref<!tpu.dma_semaphore, #tpu.memory_space<semaphore_mem>>)
      %dma_wait3A = arith.constant 0 : i32
      %dma_wait3A_18 = tpu.memref_slice %arg14[%mul3A_4, %dma_wait3A] : memref<10112x8xf32, #tpu.memory_space<vmem_shared>> -> memref<632x8xf32, #tpu.memory_space<vmem_shared>>
      %dma_wait3A_19 = arith.constant 0 : i32
      %dma_wait3A_20 = tpu.memref_slice %arg2[%mul3A_2, %dma_wait3A_19] : memref<10112x8xf32, #tpu.memory_space<hbm>> -> memref<632x8xf32, #tpu.memory_space<hbm>>
      tpu.wait_dma2 semaphore(%run_scoped3A : memref<!tpu.dma_semaphore, #tpu.memory_space<semaphore_mem>>) src(%dma_wait3A_20 : memref<632x8xf32, #tpu.memory_space<hbm>>) dst(%dma_wait3A_18 : memref<632x8xf32, #tpu.memory_space<vmem_shared>>)
      tpu.yield
    }) : () -> ()
    %barrier3A = arith.constant 0 : index
    tpu.barrier barrier_id(%barrier3A)
    %scan3A = arith.constant 0 : i32
    %scan3A_5 = arith.constant 0 : i32
    %scan3A_6 = arith.constant 7 : i32
    %scan3A_7 = arith.addi %scan3A_5, %scan3A_6 : i32
    %scan3A_8 = arith.constant 1 : i32
    scf.for %scan3A_15 = %scan3A_5 to %scan3A_7 step %scan3A_8  : i32 {
      %mul3A_16 = arith.constant 84 : i32
      %mul3A_17 = arith.muli %add3A, %mul3A_16 : i32
      %mul3A_18 = arith.constant 12 : i32
      %mul3A_19 = arith.muli %scan3A_15, %mul3A_18 : i32
      %add3A_20 = arith.addi %mul3A_17, %mul3A_19 : i32
      "tpu.region"() ({
        %run_scoped3A = tpu.sem_alloc : memref<!tpu.dma_semaphore, #tpu.memory_space<semaphore_mem>>
        %dma_start3A_355 = arith.constant 0 : i32
        %dma_start3A_356 = tpu.memref_slice %arg3[%add3A_20, %dma_start3A_355] : memref<2688x120xi32, #tpu.memory_space<hbm>> -> memref<12x120xi32, #tpu.memory_space<hbm>>
        %dma_start3A_357 = arith.constant 0 : i32
        %dma_start3A_358 = tpu.memref_slice %arg3[%add3A_20, %dma_start3A_357] : memref<2688x120xi32, #tpu.memory_space<hbm>> -> memref<12x120xi32, #tpu.memory_space<hbm>>
        tpu.enqueue_dma source(%dma_start3A_358 : memref<12x120xi32, #tpu.memory_space<hbm>>) target(%arg6 : memref<12x120xi32, #tpu.memory_space<vmem>>) target_semaphore(%run_scoped3A : memref<!tpu.dma_semaphore, #tpu.memory_space<semaphore_mem>>)
        %dma_wait3A_359 = arith.constant 0 : i32
        %dma_wait3A_360 = tpu.memref_slice %arg3[%add3A_20, %dma_wait3A_359] : memref<2688x120xi32, #tpu.memory_space<hbm>> -> memref<12x120xi32, #tpu.memory_space<hbm>>
        %dma_wait3A_361 = arith.constant 0 : i32
        %dma_wait3A_362 = tpu.memref_slice %arg3[%add3A_20, %dma_wait3A_361] : memref<2688x120xi32, #tpu.memory_space<hbm>> -> memref<12x120xi32, #tpu.memory_space<hbm>>
        tpu.wait_dma2 semaphore(%run_scoped3A : memref<!tpu.dma_semaphore, #tpu.memory_space<semaphore_mem>>) src(%dma_wait3A_362 : memref<12x120xi32, #tpu.memory_space<hbm>>) dst(%arg6 : memref<12x120xi32, #tpu.memory_space<vmem>>)
        tpu.yield
      }) : () -> ()
      "tpu.region"() ({
        %run_scoped3A = tpu.sem_alloc : memref<!tpu.dma_semaphore, #tpu.memory_space<semaphore_mem>>
        %dma_start3A_355 = arith.constant 0 : i32
        %dma_start3A_356 = tpu.memref_slice %arg4[%add3A_20, %dma_start3A_355] : memref<2688x120xi32, #tpu.memory_space<hbm>> -> memref<12x120xi32, #tpu.memory_space<hbm>>
        %dma_start3A_357 = arith.constant 0 : i32
        %dma_start3A_358 = tpu.memref_slice %arg4[%add3A_20, %dma_start3A_357] : memref<2688x120xi32, #tpu.memory_space<hbm>> -> memref<12x120xi32, #tpu.memory_space<hbm>>
        tpu.enqueue_dma source(%dma_start3A_358 : memref<12x120xi32, #tpu.memory_space<hbm>>) target(%arg7 : memref<12x120xi32, #tpu.memory_space<vmem>>) target_semaphore(%run_scoped3A : memref<!tpu.dma_semaphore, #tpu.memory_space<semaphore_mem>>)
        %dma_wait3A_359 = arith.constant 0 : i32
        %dma_wait3A_360 = tpu.memref_slice %arg4[%add3A_20, %dma_wait3A_359] : memref<2688x120xi32, #tpu.memory_space<hbm>> -> memref<12x120xi32, #tpu.memory_space<hbm>>
        %dma_wait3A_361 = arith.constant 0 : i32
        %dma_wait3A_362 = tpu.memref_slice %arg4[%add3A_20, %dma_wait3A_361] : memref<2688x120xi32, #tpu.memory_space<hbm>> -> memref<12x120xi32, #tpu.memory_space<hbm>>
        tpu.wait_dma2 semaphore(%run_scoped3A : memref<!tpu.dma_semaphore, #tpu.memory_space<semaphore_mem>>) src(%dma_wait3A_362 : memref<12x120xi32, #tpu.memory_space<hbm>>) dst(%arg7 : memref<12x120xi32, #tpu.memory_space<vmem>>)
        tpu.yield
      }) : () -> ()
      %dma_start3A = arith.constant 0 : i32
      %dma_start3A_21 = arith.constant 0 : i32
      %dma_start3A_22 = tpu.memref_slice %arg6[%dma_start3A, %dma_start3A_21] : memref<12x120xi32, #tpu.memory_space<vmem>> -> memref<1x120xi32, #tpu.memory_space<vmem>>
      %dma_start3A_23 = tpu.memref_squeeze %dma_start3A_22 : memref<1x120xi32, #tpu.memory_space<vmem>> -> memref<120xi32, #tpu.memory_space<vmem>>
      %dma_start3A_24 = arith.constant 0 : i32
      %dma_start3A_25 = arith.constant 0 : i32
      %dma_start3A_26 = tpu.memref_slice %arg2[%dma_start3A_24, %dma_start3A_25] : memref<10112x8xf32, #tpu.memory_space<hbm>> -> memref<10112x8xf32, #tpu.memory_space<hbm>>
      tpu.enqueue_indirect_dma source(%dma_start3A_26 : memref<10112x8xf32, #tpu.memory_space<hbm>>) target(%arg8 : memref<120x8xf32, #tpu.memory_space<vmem>>) offsets(%dma_start3A_23 : memref<120xi32, #tpu.memory_space<vmem>>) semaphore(%arg15 : memref<!tpu.dma_semaphore, #tpu.memory_space<semaphore_mem>>)
      %dma_start3A_27 = arith.constant 1 : i32
      %dma_start3A_28 = arith.constant 0 : i32
      %dma_start3A_29 = tpu.memref_slice %arg6[%dma_start3A_27, %dma_start3A_28] : memref<12x120xi32, #tpu.memory_space<vmem>> -> memref<1x120xi32, #tpu.memory_space<vmem>>
      %dma_start3A_30 = tpu.memref_squeeze %dma_start3A_29 : memref<1x120xi32, #tpu.memory_space<vmem>> -> memref<120xi32, #tpu.memory_space<vmem>>
      %dma_start3A_31 = arith.constant 0 : i32
      %dma_start3A_32 = arith.constant 0 : i32
      %dma_start3A_33 = tpu.memref_slice %arg2[%dma_start3A_31, %dma_start3A_32] : memref<10112x8xf32, #tpu.memory_space<hbm>> -> memref<10112x8xf32, #tpu.memory_space<hbm>>
      tpu.enqueue_indirect_dma source(%dma_start3A_33 : memref<10112x8xf32, #tpu.memory_space<hbm>>) target(%arg9 : memref<120x8xf32, #tpu.memory_space<vmem>>) offsets(%dma_start3A_30 : memref<120xi32, #tpu.memory_space<vmem>>) semaphore(%arg16 : memref<!tpu.dma_semaphore, #tpu.memory_space<semaphore_mem>>)
      %dma_start3A_34 = arith.constant 2 : i32
      %dma_start3A_35 = arith.constant 0 : i32
      %dma_start3A_36 = tpu.memref_slice %arg6[%dma_start3A_34, %dma_start3A_35] : memref<12x120xi32, #tpu.memory_space<vmem>> -> memref<1x120xi32, #tpu.memory_space<vmem>>
      %dma_start3A_37 = tpu.memref_squeeze %dma_start3A_36 : memref<1x120xi32, #tpu.memory_space<vmem>> -> memref<120xi32, #tpu.memory_space<vmem>>
      %dma_start3A_38 = arith.constant 0 : i32
      %dma_start3A_39 = arith.constant 0 : i32
      %dma_start3A_40 = tpu.memref_slice %arg2[%dma_start3A_38, %dma_start3A_39] : memref<10112x8xf32, #tpu.memory_space<hbm>> -> memref<10112x8xf32, #tpu.memory_space<hbm>>
      tpu.enqueue_indirect_dma source(%dma_start3A_40 : memref<10112x8xf32, #tpu.memory_space<hbm>>) target(%arg10 : memref<120x8xf32, #tpu.memory_space<vmem>>) offsets(%dma_start3A_37 : memref<120xi32, #tpu.memory_space<vmem>>) semaphore(%arg17 : memref<!tpu.dma_semaphore, #tpu.memory_space<semaphore_mem>>)
      %dma_start3A_41 = arith.constant 3 : i32
      %dma_start3A_42 = arith.constant 0 : i32
      %dma_start3A_43 = tpu.memref_slice %arg6[%dma_start3A_41, %dma_start3A_42] : memref<12x120xi32, #tpu.memory_space<vmem>> -> memref<1x120xi32, #tpu.memory_space<vmem>>
      %dma_start3A_44 = tpu.memref_squeeze %dma_start3A_43 : memref<1x120xi32, #tpu.memory_space<vmem>> -> memref<120xi32, #tpu.memory_space<vmem>>
      %dma_start3A_45 = arith.constant 0 : i32
      %dma_start3A_46 = arith.constant 0 : i32
      %dma_start3A_47 = tpu.memref_slice %arg2[%dma_start3A_45, %dma_start3A_46] : memref<10112x8xf32, #tpu.memory_space<hbm>> -> memref<10112x8xf32, #tpu.memory_space<hbm>>
      tpu.enqueue_indirect_dma source(%dma_start3A_47 : memref<10112x8xf32, #tpu.memory_space<hbm>>) target(%arg11 : memref<120x8xf32, #tpu.memory_space<vmem>>) offsets(%dma_start3A_44 : memref<120xi32, #tpu.memory_space<vmem>>) semaphore(%arg18 : memref<!tpu.dma_semaphore, #tpu.memory_space<semaphore_mem>>)
      %dma_start3A_48 = arith.constant 4 : i32
      %dma_start3A_49 = arith.constant 0 : i32
      %dma_start3A_50 = tpu.memref_slice %arg6[%dma_start3A_48, %dma_start3A_49] : memref<12x120xi32, #tpu.memory_space<vmem>> -> memref<1x120xi32, #tpu.memory_space<vmem>>
      %dma_start3A_51 = tpu.memref_squeeze %dma_start3A_50 : memref<1x120xi32, #tpu.memory_space<vmem>> -> memref<120xi32, #tpu.memory_space<vmem>>
      %dma_start3A_52 = arith.constant 0 : i32
      %dma_start3A_53 = arith.constant 0 : i32
      %dma_start3A_54 = tpu.memref_slice %arg2[%dma_start3A_52, %dma_start3A_53] : memref<10112x8xf32, #tpu.memory_space<hbm>> -> memref<10112x8xf32, #tpu.memory_space<hbm>>
      tpu.enqueue_indirect_dma source(%dma_start3A_54 : memref<10112x8xf32, #tpu.memory_space<hbm>>) target(%arg12 : memref<120x8xf32, #tpu.memory_space<vmem>>) offsets(%dma_start3A_51 : memref<120xi32, #tpu.memory_space<vmem>>) semaphore(%arg19 : memref<!tpu.dma_semaphore, #tpu.memory_space<semaphore_mem>>)
      %dma_wait3A = arith.constant 0 : i32
      %dma_wait3A_55 = arith.constant 0 : i32
      %dma_wait3A_56 = tpu.memref_slice %arg6[%dma_wait3A, %dma_wait3A_55] : memref<12x120xi32, #tpu.memory_space<vmem>> -> memref<1x120xi32, #tpu.memory_space<vmem>>
      %dma_wait3A_57 = tpu.memref_squeeze %dma_wait3A_56 : memref<1x120xi32, #tpu.memory_space<vmem>> -> memref<120xi32, #tpu.memory_space<vmem>>
      %dma_wait3A_58 = arith.constant 0 : i32
      %dma_wait3A_59 = arith.constant 0 : i32
      %dma_wait3A_60 = tpu.memref_slice %arg2[%dma_wait3A_58, %dma_wait3A_59] : memref<10112x8xf32, #tpu.memory_space<hbm>> -> memref<10112x8xf32, #tpu.memory_space<hbm>>
      tpu.wait_indirect_dma semaphore(%arg15 : memref<!tpu.dma_semaphore, #tpu.memory_space<semaphore_mem>>) src(%dma_wait3A_60 : memref<10112x8xf32, #tpu.memory_space<hbm>>) dst(%arg8 : memref<120x8xf32, #tpu.memory_space<vmem>>)
      %dma_start3A_61 = arith.constant 0 : i32
      %dma_start3A_62 = arith.constant 0 : i32
      %dma_start3A_63 = tpu.memref_slice %arg7[%dma_start3A_61, %dma_start3A_62] : memref<12x120xi32, #tpu.memory_space<vmem>> -> memref<1x120xi32, #tpu.memory_space<vmem>>
      %dma_start3A_64 = tpu.memref_squeeze %dma_start3A_63 : memref<1x120xi32, #tpu.memory_space<vmem>> -> memref<120xi32, #tpu.memory_space<vmem>>
      %dma_start3A_65 = arith.constant 0 : i32
      %dma_start3A_66 = arith.constant 0 : i32
      %dma_start3A_67 = tpu.memref_slice %arg14[%dma_start3A_65, %dma_start3A_66] : memref<10112x8xf32, #tpu.memory_space<vmem_shared>> -> memref<10112x8xf32, #tpu.memory_space<vmem_shared>>
      tpu.enqueue_indirect_dma source(%arg8 : memref<120x8xf32, #tpu.memory_space<vmem>>) target(%dma_start3A_67 : memref<10112x8xf32, #tpu.memory_space<vmem_shared>>) offsets(%dma_start3A_64 : memref<120xi32, #tpu.memory_space<vmem>>) semaphore(%arg21 : memref<!tpu.dma_semaphore, #tpu.memory_space<semaphore_mem>>) {add = true}
      %dma_start3A_68 = arith.constant 5 : i32
      %dma_start3A_69 = arith.constant 0 : i32
      %dma_start3A_70 = tpu.memref_slice %arg6[%dma_start3A_68, %dma_start3A_69] : memref<12x120xi32, #tpu.memory_space<vmem>> -> memref<1x120xi32, #tpu.memory_space<vmem>>
      %dma_start3A_71 = tpu.memref_squeeze %dma_start3A_70 : memref<1x120xi32, #tpu.memory_space<vmem>> -> memref<120xi32, #tpu.memory_space<vmem>>
      %dma_start3A_72 = arith.constant 0 : i32
      %dma_start3A_73 = arith.constant 0 : i32
      %dma_start3A_74 = tpu.memref_slice %arg2[%dma_start3A_72, %dma_start3A_73] : memref<10112x8xf32, #tpu.memory_space<hbm>> -> memref<10112x8xf32, #tpu.memory_space<hbm>>
      tpu.enqueue_indirect_dma source(%dma_start3A_74 : memref<10112x8xf32, #tpu.memory_space<hbm>>) target(%arg13 : memref<120x8xf32, #tpu.memory_space<vmem>>) offsets(%dma_start3A_71 : memref<120xi32, #tpu.memory_space<vmem>>) semaphore(%arg20 : memref<!tpu.dma_semaphore, #tpu.memory_space<semaphore_mem>>)
      %dma_wait3A_75 = arith.constant 0 : i32
      %dma_wait3A_76 = arith.constant 0 : i32
      %dma_wait3A_77 = tpu.memref_slice %arg6[%dma_wait3A_75, %dma_wait3A_76] : memref<12x120xi32, #tpu.memory_space<vmem>> -> memref<1x120xi32, #tpu.memory_space<vmem>>
      %dma_wait3A_78 = tpu.memref_squeeze %dma_wait3A_77 : memref<1x120xi32, #tpu.memory_space<vmem>> -> memref<120xi32, #tpu.memory_space<vmem>>
      %dma_wait3A_79 = arith.constant 0 : i32
      %dma_wait3A_80 = arith.constant 0 : i32
      %dma_wait3A_81 = tpu.memref_slice %arg2[%dma_wait3A_79, %dma_wait3A_80] : memref<10112x8xf32, #tpu.memory_space<hbm>> -> memref<10112x8xf32, #tpu.memory_space<hbm>>
      tpu.wait_indirect_dma semaphore(%arg16 : memref<!tpu.dma_semaphore, #tpu.memory_space<semaphore_mem>>) src(%dma_wait3A_81 : memref<10112x8xf32, #tpu.memory_space<hbm>>) dst(%arg9 : memref<120x8xf32, #tpu.memory_space<vmem>>)
      %dma_start3A_82 = arith.constant 1 : i32
      %dma_start3A_83 = arith.constant 0 : i32
      %dma_start3A_84 = tpu.memref_slice %arg7[%dma_start3A_82, %dma_start3A_83] : memref<12x120xi32, #tpu.memory_space<vmem>> -> memref<1x120xi32, #tpu.memory_space<vmem>>
      %dma_start3A_85 = tpu.memref_squeeze %dma_start3A_84 : memref<1x120xi32, #tpu.memory_space<vmem>> -> memref<120xi32, #tpu.memory_space<vmem>>
      %dma_start3A_86 = arith.constant 0 : i32
      %dma_start3A_87 = arith.constant 0 : i32
      %dma_start3A_88 = tpu.memref_slice %arg14[%dma_start3A_86, %dma_start3A_87] : memref<10112x8xf32, #tpu.memory_space<vmem_shared>> -> memref<10112x8xf32, #tpu.memory_space<vmem_shared>>
      tpu.enqueue_indirect_dma source(%arg9 : memref<120x8xf32, #tpu.memory_space<vmem>>) target(%dma_start3A_88 : memref<10112x8xf32, #tpu.memory_space<vmem_shared>>) offsets(%dma_start3A_85 : memref<120xi32, #tpu.memory_space<vmem>>) semaphore(%arg22 : memref<!tpu.dma_semaphore, #tpu.memory_space<semaphore_mem>>) {add = true}
      %dma_wait3A_89 = arith.constant 0 : i32
      %dma_wait3A_90 = arith.constant 0 : i32
      %dma_wait3A_91 = tpu.memref_slice %arg7[%dma_wait3A_89, %dma_wait3A_90] : memref<12x120xi32, #tpu.memory_space<vmem>> -> memref<1x120xi32, #tpu.memory_space<vmem>>
      %dma_wait3A_92 = tpu.memref_squeeze %dma_wait3A_91 : memref<1x120xi32, #tpu.memory_space<vmem>> -> memref<120xi32, #tpu.memory_space<vmem>>
      %dma_wait3A_93 = arith.constant 0 : i32
      %dma_wait3A_94 = arith.constant 0 : i32
      %dma_wait3A_95 = tpu.memref_slice %arg14[%dma_wait3A_93, %dma_wait3A_94] : memref<10112x8xf32, #tpu.memory_space<vmem_shared>> -> memref<10112x8xf32, #tpu.memory_space<vmem_shared>>
      tpu.wait_indirect_dma semaphore(%arg21 : memref<!tpu.dma_semaphore, #tpu.memory_space<semaphore_mem>>) src(%arg8 : memref<120x8xf32, #tpu.memory_space<vmem>>) dst(%dma_wait3A_95 : memref<10112x8xf32, #tpu.memory_space<vmem_shared>>)
      %dma_start3A_96 = arith.constant 6 : i32
      %dma_start3A_97 = arith.constant 0 : i32
      %dma_start3A_98 = tpu.memref_slice %arg6[%dma_start3A_96, %dma_start3A_97] : memref<12x120xi32, #tpu.memory_space<vmem>> -> memref<1x120xi32, #tpu.memory_space<vmem>>
      %dma_start3A_99 = tpu.memref_squeeze %dma_start3A_98 : memref<1x120xi32, #tpu.memory_space<vmem>> -> memref<120xi32, #tpu.memory_space<vmem>>
      %dma_start3A_100 = arith.constant 0 : i32
      %dma_start3A_101 = arith.constant 0 : i32
      %dma_start3A_102 = tpu.memref_slice %arg2[%dma_start3A_100, %dma_start3A_101] : memref<10112x8xf32, #tpu.memory_space<hbm>> -> memref<10112x8xf32, #tpu.memory_space<hbm>>
      tpu.enqueue_indirect_dma source(%dma_start3A_102 : memref<10112x8xf32, #tpu.memory_space<hbm>>) target(%arg8 : memref<120x8xf32, #tpu.memory_space<vmem>>) offsets(%dma_start3A_99 : memref<120xi32, #tpu.memory_space<vmem>>) semaphore(%arg15 : memref<!tpu.dma_semaphore, #tpu.memory_space<semaphore_mem>>)
      %dma_wait3A_103 = arith.constant 0 : i32
      %dma_wait3A_104 = arith.constant 0 : i32
      %dma_wait3A_105 = tpu.memref_slice %arg6[%dma_wait3A_103, %dma_wait3A_104] : memref<12x120xi32, #tpu.memory_space<vmem>> -> memref<1x120xi32, #tpu.memory_space<vmem>>
      %dma_wait3A_106 = tpu.memref_squeeze %dma_wait3A_105 : memref<1x120xi32, #tpu.memory_space<vmem>> -> memref<120xi32, #tpu.memory_space<vmem>>
      %dma_wait3A_107 = arith.constant 0 : i32
      %dma_wait3A_108 = arith.constant 0 : i32
      %dma_wait3A_109 = tpu.memref_slice %arg2[%dma_wait3A_107, %dma_wait3A_108] : memref<10112x8xf32, #tpu.memory_space<hbm>> -> memref<10112x8xf32, #tpu.memory_space<hbm>>
      tpu.wait_indirect_dma semaphore(%arg17 : memref<!tpu.dma_semaphore, #tpu.memory_space<semaphore_mem>>) src(%dma_wait3A_109 : memref<10112x8xf32, #tpu.memory_space<hbm>>) dst(%arg10 : memref<120x8xf32, #tpu.memory_space<vmem>>)
      %dma_start3A_110 = arith.constant 2 : i32
      %dma_start3A_111 = arith.constant 0 : i32
      %dma_start3A_112 = tpu.memref_slice %arg7[%dma_start3A_110, %dma_start3A_111] : memref<12x120xi32, #tpu.memory_space<vmem>> -> memref<1x120xi32, #tpu.memory_space<vmem>>
      %dma_start3A_113 = tpu.memref_squeeze %dma_start3A_112 : memref<1x120xi32, #tpu.memory_space<vmem>> -> memref<120xi32, #tpu.memory_space<vmem>>
      %dma_start3A_114 = arith.constant 0 : i32
      %dma_start3A_115 = arith.constant 0 : i32
      %dma_start3A_116 = tpu.memref_slice %arg14[%dma_start3A_114, %dma_start3A_115] : memref<10112x8xf32, #tpu.memory_space<vmem_shared>> -> memref<10112x8xf32, #tpu.memory_space<vmem_shared>>
      tpu.enqueue_indirect_dma source(%arg10 : memref<120x8xf32, #tpu.memory_space<vmem>>) target(%dma_start3A_116 : memref<10112x8xf32, #tpu.memory_space<vmem_shared>>) offsets(%dma_start3A_113 : memref<120xi32, #tpu.memory_space<vmem>>) semaphore(%arg23 : memref<!tpu.dma_semaphore, #tpu.memory_space<semaphore_mem>>) {add = true}
      %dma_wait3A_117 = arith.constant 0 : i32
      %dma_wait3A_118 = arith.constant 0 : i32
      %dma_wait3A_119 = tpu.memref_slice %arg7[%dma_wait3A_117, %dma_wait3A_118] : memref<12x120xi32, #tpu.memory_space<vmem>> -> memref<1x120xi32, #tpu.memory_space<vmem>>
      %dma_wait3A_120 = tpu.memref_squeeze %dma_wait3A_119 : memref<1x120xi32, #tpu.memory_space<vmem>> -> memref<120xi32, #tpu.memory_space<vmem>>
      %dma_wait3A_121 = arith.constant 0 : i32
      %dma_wait3A_122 = arith.constant 0 : i32
      %dma_wait3A_123 = tpu.memref_slice %arg14[%dma_wait3A_121, %dma_wait3A_122] : memref<10112x8xf32, #tpu.memory_space<vmem_shared>> -> memref<10112x8xf32, #tpu.memory_space<vmem_shared>>
      tpu.wait_indirect_dma semaphore(%arg22 : memref<!tpu.dma_semaphore, #tpu.memory_space<semaphore_mem>>) src(%arg9 : memref<120x8xf32, #tpu.memory_space<vmem>>) dst(%dma_wait3A_123 : memref<10112x8xf32, #tpu.memory_space<vmem_shared>>)
      %dma_start3A_124 = arith.constant 7 : i32
      %dma_start3A_125 = arith.constant 0 : i32
      %dma_start3A_126 = tpu.memref_slice %arg6[%dma_start3A_124, %dma_start3A_125] : memref<12x120xi32, #tpu.memory_space<vmem>> -> memref<1x120xi32, #tpu.memory_space<vmem>>
      %dma_start3A_127 = tpu.memref_squeeze %dma_start3A_126 : memref<1x120xi32, #tpu.memory_space<vmem>> -> memref<120xi32, #tpu.memory_space<vmem>>
      %dma_start3A_128 = arith.constant 0 : i32
      %dma_start3A_129 = arith.constant 0 : i32
      %dma_start3A_130 = tpu.memref_slice %arg2[%dma_start3A_128, %dma_start3A_129] : memref<10112x8xf32, #tpu.memory_space<hbm>> -> memref<10112x8xf32, #tpu.memory_space<hbm>>
      tpu.enqueue_indirect_dma source(%dma_start3A_130 : memref<10112x8xf32, #tpu.memory_space<hbm>>) target(%arg9 : memref<120x8xf32, #tpu.memory_space<vmem>>) offsets(%dma_start3A_127 : memref<120xi32, #tpu.memory_space<vmem>>) semaphore(%arg16 : memref<!tpu.dma_semaphore, #tpu.memory_space<semaphore_mem>>)
      %dma_wait3A_131 = arith.constant 0 : i32
      %dma_wait3A_132 = arith.constant 0 : i32
      %dma_wait3A_133 = tpu.memref_slice %arg6[%dma_wait3A_131, %dma_wait3A_132] : memref<12x120xi32, #tpu.memory_space<vmem>> -> memref<1x120xi32, #tpu.memory_space<vmem>>
      %dma_wait3A_134 = tpu.memref_squeeze %dma_wait3A_133 : memref<1x120xi32, #tpu.memory_space<vmem>> -> memref<120xi32, #tpu.memory_space<vmem>>
      %dma_wait3A_135 = arith.constant 0 : i32
      %dma_wait3A_136 = arith.constant 0 : i32
      %dma_wait3A_137 = tpu.memref_slice %arg2[%dma_wait3A_135, %dma_wait3A_136] : memref<10112x8xf32, #tpu.memory_space<hbm>> -> memref<10112x8xf32, #tpu.memory_space<hbm>>
      tpu.wait_indirect_dma semaphore(%arg18 : memref<!tpu.dma_semaphore, #tpu.memory_space<semaphore_mem>>) src(%dma_wait3A_137 : memref<10112x8xf32, #tpu.memory_space<hbm>>) dst(%arg11 : memref<120x8xf32, #tpu.memory_space<vmem>>)
      %dma_start3A_138 = arith.constant 3 : i32
      %dma_start3A_139 = arith.constant 0 : i32
      %dma_start3A_140 = tpu.memref_slice %arg7[%dma_start3A_138, %dma_start3A_139] : memref<12x120xi32, #tpu.memory_space<vmem>> -> memref<1x120xi32, #tpu.memory_space<vmem>>
      %dma_start3A_141 = tpu.memref_squeeze %dma_start3A_140 : memref<1x120xi32, #tpu.memory_space<vmem>> -> memref<120xi32, #tpu.memory_space<vmem>>
      %dma_start3A_142 = arith.constant 0 : i32
      %dma_start3A_143 = arith.constant 0 : i32
      %dma_start3A_144 = tpu.memref_slice %arg14[%dma_start3A_142, %dma_start3A_143] : memref<10112x8xf32, #tpu.memory_space<vmem_shared>> -> memref<10112x8xf32, #tpu.memory_space<vmem_shared>>
      tpu.enqueue_indirect_dma source(%arg11 : memref<120x8xf32, #tpu.memory_space<vmem>>) target(%dma_start3A_144 : memref<10112x8xf32, #tpu.memory_space<vmem_shared>>) offsets(%dma_start3A_141 : memref<120xi32, #tpu.memory_space<vmem>>) semaphore(%arg24 : memref<!tpu.dma_semaphore, #tpu.memory_space<semaphore_mem>>) {add = true}
      %dma_wait3A_145 = arith.constant 0 : i32
      %dma_wait3A_146 = arith.constant 0 : i32
      %dma_wait3A_147 = tpu.memref_slice %arg7[%dma_wait3A_145, %dma_wait3A_146] : memref<12x120xi32, #tpu.memory_space<vmem>> -> memref<1x120xi32, #tpu.memory_space<vmem>>
      %dma_wait3A_148 = tpu.memref_squeeze %dma_wait3A_147 : memref<1x120xi32, #tpu.memory_space<vmem>> -> memref<120xi32, #tpu.memory_space<vmem>>
      %dma_wait3A_149 = arith.constant 0 : i32
      %dma_wait3A_150 = arith.constant 0 : i32
      %dma_wait3A_151 = tpu.memref_slice %arg14[%dma_wait3A_149, %dma_wait3A_150] : memref<10112x8xf32, #tpu.memory_space<vmem_shared>> -> memref<10112x8xf32, #tpu.memory_space<vmem_shared>>
      tpu.wait_indirect_dma semaphore(%arg23 : memref<!tpu.dma_semaphore, #tpu.memory_space<semaphore_mem>>) src(%arg10 : memref<120x8xf32, #tpu.memory_space<vmem>>) dst(%dma_wait3A_151 : memref<10112x8xf32, #tpu.memory_space<vmem_shared>>)
      %dma_start3A_152 = arith.constant 8 : i32
      %dma_start3A_153 = arith.constant 0 : i32
      %dma_start3A_154 = tpu.memref_slice %arg6[%dma_start3A_152, %dma_start3A_153] : memref<12x120xi32, #tpu.memory_space<vmem>> -> memref<1x120xi32, #tpu.memory_space<vmem>>
      %dma_start3A_155 = tpu.memref_squeeze %dma_start3A_154 : memref<1x120xi32, #tpu.memory_space<vmem>> -> memref<120xi32, #tpu.memory_space<vmem>>
      %dma_start3A_156 = arith.constant 0 : i32
      %dma_start3A_157 = arith.constant 0 : i32
      %dma_start3A_158 = tpu.memref_slice %arg2[%dma_start3A_156, %dma_start3A_157] : memref<10112x8xf32, #tpu.memory_space<hbm>> -> memref<10112x8xf32, #tpu.memory_space<hbm>>
      tpu.enqueue_indirect_dma source(%dma_start3A_158 : memref<10112x8xf32, #tpu.memory_space<hbm>>) target(%arg10 : memref<120x8xf32, #tpu.memory_space<vmem>>) offsets(%dma_start3A_155 : memref<120xi32, #tpu.memory_space<vmem>>) semaphore(%arg17 : memref<!tpu.dma_semaphore, #tpu.memory_space<semaphore_mem>>)
      %dma_wait3A_159 = arith.constant 0 : i32
      %dma_wait3A_160 = arith.constant 0 : i32
      %dma_wait3A_161 = tpu.memref_slice %arg6[%dma_wait3A_159, %dma_wait3A_160] : memref<12x120xi32, #tpu.memory_space<vmem>> -> memref<1x120xi32, #tpu.memory_space<vmem>>
      %dma_wait3A_162 = tpu.memref_squeeze %dma_wait3A_161 : memref<1x120xi32, #tpu.memory_space<vmem>> -> memref<120xi32, #tpu.memory_space<vmem>>
      %dma_wait3A_163 = arith.constant 0 : i32
      %dma_wait3A_164 = arith.constant 0 : i32
      %dma_wait3A_165 = tpu.memref_slice %arg2[%dma_wait3A_163, %dma_wait3A_164] : memref<10112x8xf32, #tpu.memory_space<hbm>> -> memref<10112x8xf32, #tpu.memory_space<hbm>>
      tpu.wait_indirect_dma semaphore(%arg19 : memref<!tpu.dma_semaphore, #tpu.memory_space<semaphore_mem>>) src(%dma_wait3A_165 : memref<10112x8xf32, #tpu.memory_space<hbm>>) dst(%arg12 : memref<120x8xf32, #tpu.memory_space<vmem>>)
      %dma_start3A_166 = arith.constant 4 : i32
      %dma_start3A_167 = arith.constant 0 : i32
      %dma_start3A_168 = tpu.memref_slice %arg7[%dma_start3A_166, %dma_start3A_167] : memref<12x120xi32, #tpu.memory_space<vmem>> -> memref<1x120xi32, #tpu.memory_space<vmem>>
      %dma_start3A_169 = tpu.memref_squeeze %dma_start3A_168 : memref<1x120xi32, #tpu.memory_space<vmem>> -> memref<120xi32, #tpu.memory_space<vmem>>
      %dma_start3A_170 = arith.constant 0 : i32
      %dma_start3A_171 = arith.constant 0 : i32
      %dma_start3A_172 = tpu.memref_slice %arg14[%dma_start3A_170, %dma_start3A_171] : memref<10112x8xf32, #tpu.memory_space<vmem_shared>> -> memref<10112x8xf32, #tpu.memory_space<vmem_shared>>
      tpu.enqueue_indirect_dma source(%arg12 : memref<120x8xf32, #tpu.memory_space<vmem>>) target(%dma_start3A_172 : memref<10112x8xf32, #tpu.memory_space<vmem_shared>>) offsets(%dma_start3A_169 : memref<120xi32, #tpu.memory_space<vmem>>) semaphore(%arg25 : memref<!tpu.dma_semaphore, #tpu.memory_space<semaphore_mem>>) {add = true}
      %dma_wait3A_173 = arith.constant 0 : i32
      %dma_wait3A_174 = arith.constant 0 : i32
      %dma_wait3A_175 = tpu.memref_slice %arg7[%dma_wait3A_173, %dma_wait3A_174] : memref<12x120xi32, #tpu.memory_space<vmem>> -> memref<1x120xi32, #tpu.memory_space<vmem>>
      %dma_wait3A_176 = tpu.memref_squeeze %dma_wait3A_175 : memref<1x120xi32, #tpu.memory_space<vmem>> -> memref<120xi32, #tpu.memory_space<vmem>>
      %dma_wait3A_177 = arith.constant 0 : i32
      %dma_wait3A_178 = arith.constant 0 : i32
      %dma_wait3A_179 = tpu.memref_slice %arg14[%dma_wait3A_177, %dma_wait3A_178] : memref<10112x8xf32, #tpu.memory_space<vmem_shared>> -> memref<10112x8xf32, #tpu.memory_space<vmem_shared>>
      tpu.wait_indirect_dma semaphore(%arg24 : memref<!tpu.dma_semaphore, #tpu.memory_space<semaphore_mem>>) src(%arg11 : memref<120x8xf32, #tpu.memory_space<vmem>>) dst(%dma_wait3A_179 : memref<10112x8xf32, #tpu.memory_space<vmem_shared>>)
      %dma_start3A_180 = arith.constant 9 : i32
      %dma_start3A_181 = arith.constant 0 : i32
      %dma_start3A_182 = tpu.memref_slice %arg6[%dma_start3A_180, %dma_start3A_181] : memref<12x120xi32, #tpu.memory_space<vmem>> -> memref<1x120xi32, #tpu.memory_space<vmem>>
      %dma_start3A_183 = tpu.memref_squeeze %dma_start3A_182 : memref<1x120xi32, #tpu.memory_space<vmem>> -> memref<120xi32, #tpu.memory_space<vmem>>
      %dma_start3A_184 = arith.constant 0 : i32
      %dma_start3A_185 = arith.constant 0 : i32
      %dma_start3A_186 = tpu.memref_slice %arg2[%dma_start3A_184, %dma_start3A_185] : memref<10112x8xf32, #tpu.memory_space<hbm>> -> memref<10112x8xf32, #tpu.memory_space<hbm>>
      tpu.enqueue_indirect_dma source(%dma_start3A_186 : memref<10112x8xf32, #tpu.memory_space<hbm>>) target(%arg11 : memref<120x8xf32, #tpu.memory_space<vmem>>) offsets(%dma_start3A_183 : memref<120xi32, #tpu.memory_space<vmem>>) semaphore(%arg18 : memref<!tpu.dma_semaphore, #tpu.memory_space<semaphore_mem>>)
      %dma_wait3A_187 = arith.constant 0 : i32
      %dma_wait3A_188 = arith.constant 0 : i32
      %dma_wait3A_189 = tpu.memref_slice %arg6[%dma_wait3A_187, %dma_wait3A_188] : memref<12x120xi32, #tpu.memory_space<vmem>> -> memref<1x120xi32, #tpu.memory_space<vmem>>
      %dma_wait3A_190 = tpu.memref_squeeze %dma_wait3A_189 : memref<1x120xi32, #tpu.memory_space<vmem>> -> memref<120xi32, #tpu.memory_space<vmem>>
      %dma_wait3A_191 = arith.constant 0 : i32
      %dma_wait3A_192 = arith.constant 0 : i32
      %dma_wait3A_193 = tpu.memref_slice %arg2[%dma_wait3A_191, %dma_wait3A_192] : memref<10112x8xf32, #tpu.memory_space<hbm>> -> memref<10112x8xf32, #tpu.memory_space<hbm>>
      tpu.wait_indirect_dma semaphore(%arg20 : memref<!tpu.dma_semaphore, #tpu.memory_space<semaphore_mem>>) src(%dma_wait3A_193 : memref<10112x8xf32, #tpu.memory_space<hbm>>) dst(%arg13 : memref<120x8xf32, #tpu.memory_space<vmem>>)
      %dma_start3A_194 = arith.constant 5 : i32
      %dma_start3A_195 = arith.constant 0 : i32
      %dma_start3A_196 = tpu.memref_slice %arg7[%dma_start3A_194, %dma_start3A_195] : memref<12x120xi32, #tpu.memory_space<vmem>> -> memref<1x120xi32, #tpu.memory_space<vmem>>
      %dma_start3A_197 = tpu.memref_squeeze %dma_start3A_196 : memref<1x120xi32, #tpu.memory_space<vmem>> -> memref<120xi32, #tpu.memory_space<vmem>>
      %dma_start3A_198 = arith.constant 0 : i32
      %dma_start3A_199 = arith.constant 0 : i32
      %dma_start3A_200 = tpu.memref_slice %arg14[%dma_start3A_198, %dma_start3A_199] : memref<10112x8xf32, #tpu.memory_space<vmem_shared>> -> memref<10112x8xf32, #tpu.memory_space<vmem_shared>>
      tpu.enqueue_indirect_dma source(%arg13 : memref<120x8xf32, #tpu.memory_space<vmem>>) target(%dma_start3A_200 : memref<10112x8xf32, #tpu.memory_space<vmem_shared>>) offsets(%dma_start3A_197 : memref<120xi32, #tpu.memory_space<vmem>>) semaphore(%arg26 : memref<!tpu.dma_semaphore, #tpu.memory_space<semaphore_mem>>) {add = true}
      %dma_wait3A_201 = arith.constant 0 : i32
      %dma_wait3A_202 = arith.constant 0 : i32
      %dma_wait3A_203 = tpu.memref_slice %arg7[%dma_wait3A_201, %dma_wait3A_202] : memref<12x120xi32, #tpu.memory_space<vmem>> -> memref<1x120xi32, #tpu.memory_space<vmem>>
      %dma_wait3A_204 = tpu.memref_squeeze %dma_wait3A_203 : memref<1x120xi32, #tpu.memory_space<vmem>> -> memref<120xi32, #tpu.memory_space<vmem>>
      %dma_wait3A_205 = arith.constant 0 : i32
      %dma_wait3A_206 = arith.constant 0 : i32
      %dma_wait3A_207 = tpu.memref_slice %arg14[%dma_wait3A_205, %dma_wait3A_206] : memref<10112x8xf32, #tpu.memory_space<vmem_shared>> -> memref<10112x8xf32, #tpu.memory_space<vmem_shared>>
      tpu.wait_indirect_dma semaphore(%arg25 : memref<!tpu.dma_semaphore, #tpu.memory_space<semaphore_mem>>) src(%arg12 : memref<120x8xf32, #tpu.memory_space<vmem>>) dst(%dma_wait3A_207 : memref<10112x8xf32, #tpu.memory_space<vmem_shared>>)
      %dma_start3A_208 = arith.constant 10 : i32
      %dma_start3A_209 = arith.constant 0 : i32
      %dma_start3A_210 = tpu.memref_slice %arg6[%dma_start3A_208, %dma_start3A_209] : memref<12x120xi32, #tpu.memory_space<vmem>> -> memref<1x120xi32, #tpu.memory_space<vmem>>
      %dma_start3A_211 = tpu.memref_squeeze %dma_start3A_210 : memref<1x120xi32, #tpu.memory_space<vmem>> -> memref<120xi32, #tpu.memory_space<vmem>>
      %dma_start3A_212 = arith.constant 0 : i32
      %dma_start3A_213 = arith.constant 0 : i32
      %dma_start3A_214 = tpu.memref_slice %arg2[%dma_start3A_212, %dma_start3A_213] : memref<10112x8xf32, #tpu.memory_space<hbm>> -> memref<10112x8xf32, #tpu.memory_space<hbm>>
      tpu.enqueue_indirect_dma source(%dma_start3A_214 : memref<10112x8xf32, #tpu.memory_space<hbm>>) target(%arg12 : memref<120x8xf32, #tpu.memory_space<vmem>>) offsets(%dma_start3A_211 : memref<120xi32, #tpu.memory_space<vmem>>) semaphore(%arg19 : memref<!tpu.dma_semaphore, #tpu.memory_space<semaphore_mem>>)
      %dma_wait3A_215 = arith.constant 0 : i32
      %dma_wait3A_216 = arith.constant 0 : i32
      %dma_wait3A_217 = tpu.memref_slice %arg6[%dma_wait3A_215, %dma_wait3A_216] : memref<12x120xi32, #tpu.memory_space<vmem>> -> memref<1x120xi32, #tpu.memory_space<vmem>>
      %dma_wait3A_218 = tpu.memref_squeeze %dma_wait3A_217 : memref<1x120xi32, #tpu.memory_space<vmem>> -> memref<120xi32, #tpu.memory_space<vmem>>
      %dma_wait3A_219 = arith.constant 0 : i32
      %dma_wait3A_220 = arith.constant 0 : i32
      %dma_wait3A_221 = tpu.memref_slice %arg2[%dma_wait3A_219, %dma_wait3A_220] : memref<10112x8xf32, #tpu.memory_space<hbm>> -> memref<10112x8xf32, #tpu.memory_space<hbm>>
      tpu.wait_indirect_dma semaphore(%arg15 : memref<!tpu.dma_semaphore, #tpu.memory_space<semaphore_mem>>) src(%dma_wait3A_221 : memref<10112x8xf32, #tpu.memory_space<hbm>>) dst(%arg8 : memref<120x8xf32, #tpu.memory_space<vmem>>)
      %dma_start3A_222 = arith.constant 6 : i32
      %dma_start3A_223 = arith.constant 0 : i32
      %dma_start3A_224 = tpu.memref_slice %arg7[%dma_start3A_222, %dma_start3A_223] : memref<12x120xi32, #tpu.memory_space<vmem>> -> memref<1x120xi32, #tpu.memory_space<vmem>>
      %dma_start3A_225 = tpu.memref_squeeze %dma_start3A_224 : memref<1x120xi32, #tpu.memory_space<vmem>> -> memref<120xi32, #tpu.memory_space<vmem>>
      %dma_start3A_226 = arith.constant 0 : i32
      %dma_start3A_227 = arith.constant 0 : i32
      %dma_start3A_228 = tpu.memref_slice %arg14[%dma_start3A_226, %dma_start3A_227] : memref<10112x8xf32, #tpu.memory_space<vmem_shared>> -> memref<10112x8xf32, #tpu.memory_space<vmem_shared>>
      tpu.enqueue_indirect_dma source(%arg8 : memref<120x8xf32, #tpu.memory_space<vmem>>) target(%dma_start3A_228 : memref<10112x8xf32, #tpu.memory_space<vmem_shared>>) offsets(%dma_start3A_225 : memref<120xi32, #tpu.memory_space<vmem>>) semaphore(%arg21 : memref<!tpu.dma_semaphore, #tpu.memory_space<semaphore_mem>>) {add = true}
      %dma_wait3A_229 = arith.constant 0 : i32
      %dma_wait3A_230 = arith.constant 0 : i32
      %dma_wait3A_231 = tpu.memref_slice %arg7[%dma_wait3A_229, %dma_wait3A_230] : memref<12x120xi32, #tpu.memory_space<vmem>> -> memref<1x120xi32, #tpu.memory_space<vmem>>
      %dma_wait3A_232 = tpu.memref_squeeze %dma_wait3A_231 : memref<1x120xi32, #tpu.memory_space<vmem>> -> memref<120xi32, #tpu.memory_space<vmem>>
      %dma_wait3A_233 = arith.constant 0 : i32
      %dma_wait3A_234 = arith.constant 0 : i32
      %dma_wait3A_235 = tpu.memref_slice %arg14[%dma_wait3A_233, %dma_wait3A_234] : memref<10112x8xf32, #tpu.memory_space<vmem_shared>> -> memref<10112x8xf32, #tpu.memory_space<vmem_shared>>
      tpu.wait_indirect_dma semaphore(%arg26 : memref<!tpu.dma_semaphore, #tpu.memory_space<semaphore_mem>>) src(%arg13 : memref<120x8xf32, #tpu.memory_space<vmem>>) dst(%dma_wait3A_235 : memref<10112x8xf32, #tpu.memory_space<vmem_shared>>)
      %dma_start3A_236 = arith.constant 11 : i32
      %dma_start3A_237 = arith.constant 0 : i32
      %dma_start3A_238 = tpu.memref_slice %arg6[%dma_start3A_236, %dma_start3A_237] : memref<12x120xi32, #tpu.memory_space<vmem>> -> memref<1x120xi32, #tpu.memory_space<vmem>>
      %dma_start3A_239 = tpu.memref_squeeze %dma_start3A_238 : memref<1x120xi32, #tpu.memory_space<vmem>> -> memref<120xi32, #tpu.memory_space<vmem>>
      %dma_start3A_240 = arith.constant 0 : i32
      %dma_start3A_241 = arith.constant 0 : i32
      %dma_start3A_242 = tpu.memref_slice %arg2[%dma_start3A_240, %dma_start3A_241] : memref<10112x8xf32, #tpu.memory_space<hbm>> -> memref<10112x8xf32, #tpu.memory_space<hbm>>
      tpu.enqueue_indirect_dma source(%dma_start3A_242 : memref<10112x8xf32, #tpu.memory_space<hbm>>) target(%arg13 : memref<120x8xf32, #tpu.memory_space<vmem>>) offsets(%dma_start3A_239 : memref<120xi32, #tpu.memory_space<vmem>>) semaphore(%arg20 : memref<!tpu.dma_semaphore, #tpu.memory_space<semaphore_mem>>)
      %dma_wait3A_243 = arith.constant 0 : i32
      %dma_wait3A_244 = arith.constant 0 : i32
      %dma_wait3A_245 = tpu.memref_slice %arg6[%dma_wait3A_243, %dma_wait3A_244] : memref<12x120xi32, #tpu.memory_space<vmem>> -> memref<1x120xi32, #tpu.memory_space<vmem>>
      %dma_wait3A_246 = tpu.memref_squeeze %dma_wait3A_245 : memref<1x120xi32, #tpu.memory_space<vmem>> -> memref<120xi32, #tpu.memory_space<vmem>>
      %dma_wait3A_247 = arith.constant 0 : i32
      %dma_wait3A_248 = arith.constant 0 : i32
      %dma_wait3A_249 = tpu.memref_slice %arg2[%dma_wait3A_247, %dma_wait3A_248] : memref<10112x8xf32, #tpu.memory_space<hbm>> -> memref<10112x8xf32, #tpu.memory_space<hbm>>
      tpu.wait_indirect_dma semaphore(%arg16 : memref<!tpu.dma_semaphore, #tpu.memory_space<semaphore_mem>>) src(%dma_wait3A_249 : memref<10112x8xf32, #tpu.memory_space<hbm>>) dst(%arg9 : memref<120x8xf32, #tpu.memory_space<vmem>>)
      %dma_start3A_250 = arith.constant 7 : i32
      %dma_start3A_251 = arith.constant 0 : i32
      %dma_start3A_252 = tpu.memref_slice %arg7[%dma_start3A_250, %dma_start3A_251] : memref<12x120xi32, #tpu.memory_space<vmem>> -> memref<1x120xi32, #tpu.memory_space<vmem>>
      %dma_start3A_253 = tpu.memref_squeeze %dma_start3A_252 : memref<1x120xi32, #tpu.memory_space<vmem>> -> memref<120xi32, #tpu.memory_space<vmem>>
      %dma_start3A_254 = arith.constant 0 : i32
      %dma_start3A_255 = arith.constant 0 : i32
      %dma_start3A_256 = tpu.memref_slice %arg14[%dma_start3A_254, %dma_start3A_255] : memref<10112x8xf32, #tpu.memory_space<vmem_shared>> -> memref<10112x8xf32, #tpu.memory_space<vmem_shared>>
      tpu.enqueue_indirect_dma source(%arg9 : memref<120x8xf32, #tpu.memory_space<vmem>>) target(%dma_start3A_256 : memref<10112x8xf32, #tpu.memory_space<vmem_shared>>) offsets(%dma_start3A_253 : memref<120xi32, #tpu.memory_space<vmem>>) semaphore(%arg22 : memref<!tpu.dma_semaphore, #tpu.memory_space<semaphore_mem>>) {add = true}
      %dma_wait3A_257 = arith.constant 0 : i32
      %dma_wait3A_258 = arith.constant 0 : i32
      %dma_wait3A_259 = tpu.memref_slice %arg6[%dma_wait3A_257, %dma_wait3A_258] : memref<12x120xi32, #tpu.memory_space<vmem>> -> memref<1x120xi32, #tpu.memory_space<vmem>>
      %dma_wait3A_260 = tpu.memref_squeeze %dma_wait3A_259 : memref<1x120xi32, #tpu.memory_space<vmem>> -> memref<120xi32, #tpu.memory_space<vmem>>
      %dma_wait3A_261 = arith.constant 0 : i32
      %dma_wait3A_262 = arith.constant 0 : i32
      %dma_wait3A_263 = tpu.memref_slice %arg2[%dma_wait3A_261, %dma_wait3A_262] : memref<10112x8xf32, #tpu.memory_space<hbm>> -> memref<10112x8xf32, #tpu.memory_space<hbm>>
      tpu.wait_indirect_dma semaphore(%arg17 : memref<!tpu.dma_semaphore, #tpu.memory_space<semaphore_mem>>) src(%dma_wait3A_263 : memref<10112x8xf32, #tpu.memory_space<hbm>>) dst(%arg10 : memref<120x8xf32, #tpu.memory_space<vmem>>)
      %dma_start3A_264 = arith.constant 8 : i32
      %dma_start3A_265 = arith.constant 0 : i32
      %dma_start3A_266 = tpu.memref_slice %arg7[%dma_start3A_264, %dma_start3A_265] : memref<12x120xi32, #tpu.memory_space<vmem>> -> memref<1x120xi32, #tpu.memory_space<vmem>>
      %dma_start3A_267 = tpu.memref_squeeze %dma_start3A_266 : memref<1x120xi32, #tpu.memory_space<vmem>> -> memref<120xi32, #tpu.memory_space<vmem>>
      %dma_start3A_268 = arith.constant 0 : i32
      %dma_start3A_269 = arith.constant 0 : i32
      %dma_start3A_270 = tpu.memref_slice %arg14[%dma_start3A_268, %dma_start3A_269] : memref<10112x8xf32, #tpu.memory_space<vmem_shared>> -> memref<10112x8xf32, #tpu.memory_space<vmem_shared>>
      tpu.enqueue_indirect_dma source(%arg10 : memref<120x8xf32, #tpu.memory_space<vmem>>) target(%dma_start3A_270 : memref<10112x8xf32, #tpu.memory_space<vmem_shared>>) offsets(%dma_start3A_267 : memref<120xi32, #tpu.memory_space<vmem>>) semaphore(%arg23 : memref<!tpu.dma_semaphore, #tpu.memory_space<semaphore_mem>>) {add = true}
      %dma_wait3A_271 = arith.constant 0 : i32
      %dma_wait3A_272 = arith.constant 0 : i32
      %dma_wait3A_273 = tpu.memref_slice %arg6[%dma_wait3A_271, %dma_wait3A_272] : memref<12x120xi32, #tpu.memory_space<vmem>> -> memref<1x120xi32, #tpu.memory_space<vmem>>
      %dma_wait3A_274 = tpu.memref_squeeze %dma_wait3A_273 : memref<1x120xi32, #tpu.memory_space<vmem>> -> memref<120xi32, #tpu.memory_space<vmem>>
      %dma_wait3A_275 = arith.constant 0 : i32
      %dma_wait3A_276 = arith.constant 0 : i32
      %dma_wait3A_277 = tpu.memref_slice %arg2[%dma_wait3A_275, %dma_wait3A_276] : memref<10112x8xf32, #tpu.memory_space<hbm>> -> memref<10112x8xf32, #tpu.memory_space<hbm>>
      tpu.wait_indirect_dma semaphore(%arg18 : memref<!tpu.dma_semaphore, #tpu.memory_space<semaphore_mem>>) src(%dma_wait3A_277 : memref<10112x8xf32, #tpu.memory_space<hbm>>) dst(%arg11 : memref<120x8xf32, #tpu.memory_space<vmem>>)
      %dma_start3A_278 = arith.constant 9 : i32
      %dma_start3A_279 = arith.constant 0 : i32
      %dma_start3A_280 = tpu.memref_slice %arg7[%dma_start3A_278, %dma_start3A_279] : memref<12x120xi32, #tpu.memory_space<vmem>> -> memref<1x120xi32, #tpu.memory_space<vmem>>
      %dma_start3A_281 = tpu.memref_squeeze %dma_start3A_280 : memref<1x120xi32, #tpu.memory_space<vmem>> -> memref<120xi32, #tpu.memory_space<vmem>>
      %dma_start3A_282 = arith.constant 0 : i32
      %dma_start3A_283 = arith.constant 0 : i32
      %dma_start3A_284 = tpu.memref_slice %arg14[%dma_start3A_282, %dma_start3A_283] : memref<10112x8xf32, #tpu.memory_space<vmem_shared>> -> memref<10112x8xf32, #tpu.memory_space<vmem_shared>>
      tpu.enqueue_indirect_dma source(%arg11 : memref<120x8xf32, #tpu.memory_space<vmem>>) target(%dma_start3A_284 : memref<10112x8xf32, #tpu.memory_space<vmem_shared>>) offsets(%dma_start3A_281 : memref<120xi32, #tpu.memory_space<vmem>>) semaphore(%arg24 : memref<!tpu.dma_semaphore, #tpu.memory_space<semaphore_mem>>) {add = true}
      %dma_wait3A_285 = arith.constant 0 : i32
      %dma_wait3A_286 = arith.constant 0 : i32
      %dma_wait3A_287 = tpu.memref_slice %arg6[%dma_wait3A_285, %dma_wait3A_286] : memref<12x120xi32, #tpu.memory_space<vmem>> -> memref<1x120xi32, #tpu.memory_space<vmem>>
      %dma_wait3A_288 = tpu.memref_squeeze %dma_wait3A_287 : memref<1x120xi32, #tpu.memory_space<vmem>> -> memref<120xi32, #tpu.memory_space<vmem>>
      %dma_wait3A_289 = arith.constant 0 : i32
      %dma_wait3A_290 = arith.constant 0 : i32
      %dma_wait3A_291 = tpu.memref_slice %arg2[%dma_wait3A_289, %dma_wait3A_290] : memref<10112x8xf32, #tpu.memory_space<hbm>> -> memref<10112x8xf32, #tpu.memory_space<hbm>>
      tpu.wait_indirect_dma semaphore(%arg19 : memref<!tpu.dma_semaphore, #tpu.memory_space<semaphore_mem>>) src(%dma_wait3A_291 : memref<10112x8xf32, #tpu.memory_space<hbm>>) dst(%arg12 : memref<120x8xf32, #tpu.memory_space<vmem>>)
      %dma_start3A_292 = arith.constant 10 : i32
      %dma_start3A_293 = arith.constant 0 : i32
      %dma_start3A_294 = tpu.memref_slice %arg7[%dma_start3A_292, %dma_start3A_293] : memref<12x120xi32, #tpu.memory_space<vmem>> -> memref<1x120xi32, #tpu.memory_space<vmem>>
      %dma_start3A_295 = tpu.memref_squeeze %dma_start3A_294 : memref<1x120xi32, #tpu.memory_space<vmem>> -> memref<120xi32, #tpu.memory_space<vmem>>
      %dma_start3A_296 = arith.constant 0 : i32
      %dma_start3A_297 = arith.constant 0 : i32
      %dma_start3A_298 = tpu.memref_slice %arg14[%dma_start3A_296, %dma_start3A_297] : memref<10112x8xf32, #tpu.memory_space<vmem_shared>> -> memref<10112x8xf32, #tpu.memory_space<vmem_shared>>
      tpu.enqueue_indirect_dma source(%arg12 : memref<120x8xf32, #tpu.memory_space<vmem>>) target(%dma_start3A_298 : memref<10112x8xf32, #tpu.memory_space<vmem_shared>>) offsets(%dma_start3A_295 : memref<120xi32, #tpu.memory_space<vmem>>) semaphore(%arg25 : memref<!tpu.dma_semaphore, #tpu.memory_space<semaphore_mem>>) {add = true}
      %dma_wait3A_299 = arith.constant 0 : i32
      %dma_wait3A_300 = arith.constant 0 : i32
      %dma_wait3A_301 = tpu.memref_slice %arg6[%dma_wait3A_299, %dma_wait3A_300] : memref<12x120xi32, #tpu.memory_space<vmem>> -> memref<1x120xi32, #tpu.memory_space<vmem>>
      %dma_wait3A_302 = tpu.memref_squeeze %dma_wait3A_301 : memref<1x120xi32, #tpu.memory_space<vmem>> -> memref<120xi32, #tpu.memory_space<vmem>>
      %dma_wait3A_303 = arith.constant 0 : i32
      %dma_wait3A_304 = arith.constant 0 : i32
      %dma_wait3A_305 = tpu.memref_slice %arg2[%dma_wait3A_303, %dma_wait3A_304] : memref<10112x8xf32, #tpu.memory_space<hbm>> -> memref<10112x8xf32, #tpu.memory_space<hbm>>
      tpu.wait_indirect_dma semaphore(%arg20 : memref<!tpu.dma_semaphore, #tpu.memory_space<semaphore_mem>>) src(%dma_wait3A_305 : memref<10112x8xf32, #tpu.memory_space<hbm>>) dst(%arg13 : memref<120x8xf32, #tpu.memory_space<vmem>>)
      %dma_start3A_306 = arith.constant 11 : i32
      %dma_start3A_307 = arith.constant 0 : i32
      %dma_start3A_308 = tpu.memref_slice %arg7[%dma_start3A_306, %dma_start3A_307] : memref<12x120xi32, #tpu.memory_space<vmem>> -> memref<1x120xi32, #tpu.memory_space<vmem>>
      %dma_start3A_309 = tpu.memref_squeeze %dma_start3A_308 : memref<1x120xi32, #tpu.memory_space<vmem>> -> memref<120xi32, #tpu.memory_space<vmem>>
      %dma_start3A_310 = arith.constant 0 : i32
      %dma_start3A_311 = arith.constant 0 : i32
      %dma_start3A_312 = tpu.memref_slice %arg14[%dma_start3A_310, %dma_start3A_311] : memref<10112x8xf32, #tpu.memory_space<vmem_shared>> -> memref<10112x8xf32, #tpu.memory_space<vmem_shared>>
      tpu.enqueue_indirect_dma source(%arg13 : memref<120x8xf32, #tpu.memory_space<vmem>>) target(%dma_start3A_312 : memref<10112x8xf32, #tpu.memory_space<vmem_shared>>) offsets(%dma_start3A_309 : memref<120xi32, #tpu.memory_space<vmem>>) semaphore(%arg26 : memref<!tpu.dma_semaphore, #tpu.memory_space<semaphore_mem>>) {add = true}
      %dma_wait3A_313 = arith.constant 0 : i32
      %dma_wait3A_314 = arith.constant 0 : i32
      %dma_wait3A_315 = tpu.memref_slice %arg7[%dma_wait3A_313, %dma_wait3A_314] : memref<12x120xi32, #tpu.memory_space<vmem>> -> memref<1x120xi32, #tpu.memory_space<vmem>>
      %dma_wait3A_316 = tpu.memref_squeeze %dma_wait3A_315 : memref<1x120xi32, #tpu.memory_space<vmem>> -> memref<120xi32, #tpu.memory_space<vmem>>
      %dma_wait3A_317 = arith.constant 0 : i32
      %dma_wait3A_318 = arith.constant 0 : i32
      %dma_wait3A_319 = tpu.memref_slice %arg14[%dma_wait3A_317, %dma_wait3A_318] : memref<10112x8xf32, #tpu.memory_space<vmem_shared>> -> memref<10112x8xf32, #tpu.memory_space<vmem_shared>>
      tpu.wait_indirect_dma semaphore(%arg21 : memref<!tpu.dma_semaphore, #tpu.memory_space<semaphore_mem>>) src(%arg8 : memref<120x8xf32, #tpu.memory_space<vmem>>) dst(%dma_wait3A_319 : memref<10112x8xf32, #tpu.memory_space<vmem_shared>>)
      %dma_wait3A_320 = arith.constant 0 : i32
      %dma_wait3A_321 = arith.constant 0 : i32
      %dma_wait3A_322 = tpu.memref_slice %arg7[%dma_wait3A_320, %dma_wait3A_321] : memref<12x120xi32, #tpu.memory_space<vmem>> -> memref<1x120xi32, #tpu.memory_space<vmem>>
      %dma_wait3A_323 = tpu.memref_squeeze %dma_wait3A_322 : memref<1x120xi32, #tpu.memory_space<vmem>> -> memref<120xi32, #tpu.memory_space<vmem>>
      %dma_wait3A_324 = arith.constant 0 : i32
      %dma_wait3A_325 = arith.constant 0 : i32
      %dma_wait3A_326 = tpu.memref_slice %arg14[%dma_wait3A_324, %dma_wait3A_325] : memref<10112x8xf32, #tpu.memory_space<vmem_shared>> -> memref<10112x8xf32, #tpu.memory_space<vmem_shared>>
      tpu.wait_indirect_dma semaphore(%arg22 : memref<!tpu.dma_semaphore, #tpu.memory_space<semaphore_mem>>) src(%arg9 : memref<120x8xf32, #tpu.memory_space<vmem>>) dst(%dma_wait3A_326 : memref<10112x8xf32, #tpu.memory_space<vmem_shared>>)
      %dma_wait3A_327 = arith.constant 0 : i32
      %dma_wait3A_328 = arith.constant 0 : i32
      %dma_wait3A_329 = tpu.memref_slice %arg7[%dma_wait3A_327, %dma_wait3A_328] : memref<12x120xi32, #tpu.memory_space<vmem>> -> memref<1x120xi32, #tpu.memory_space<vmem>>
      %dma_wait3A_330 = tpu.memref_squeeze %dma_wait3A_329 : memref<1x120xi32, #tpu.memory_space<vmem>> -> memref<120xi32, #tpu.memory_space<vmem>>
      %dma_wait3A_331 = arith.constant 0 : i32
      %dma_wait3A_332 = arith.constant 0 : i32
      %dma_wait3A_333 = tpu.memref_slice %arg14[%dma_wait3A_331, %dma_wait3A_332] : memref<10112x8xf32, #tpu.memory_space<vmem_shared>> -> memref<10112x8xf32, #tpu.memory_space<vmem_shared>>
      tpu.wait_indirect_dma semaphore(%arg23 : memref<!tpu.dma_semaphore, #tpu.memory_space<semaphore_mem>>) src(%arg10 : memref<120x8xf32, #tpu.memory_space<vmem>>) dst(%dma_wait3A_333 : memref<10112x8xf32, #tpu.memory_space<vmem_shared>>)
      %dma_wait3A_334 = arith.constant 0 : i32
      %dma_wait3A_335 = arith.constant 0 : i32
      %dma_wait3A_336 = tpu.memref_slice %arg7[%dma_wait3A_334, %dma_wait3A_335] : memref<12x120xi32, #tpu.memory_space<vmem>> -> memref<1x120xi32, #tpu.memory_space<vmem>>
      %dma_wait3A_337 = tpu.memref_squeeze %dma_wait3A_336 : memref<1x120xi32, #tpu.memory_space<vmem>> -> memref<120xi32, #tpu.memory_space<vmem>>
      %dma_wait3A_338 = arith.constant 0 : i32
      %dma_wait3A_339 = arith.constant 0 : i32
      %dma_wait3A_340 = tpu.memref_slice %arg14[%dma_wait3A_338, %dma_wait3A_339] : memref<10112x8xf32, #tpu.memory_space<vmem_shared>> -> memref<10112x8xf32, #tpu.memory_space<vmem_shared>>
      tpu.wait_indirect_dma semaphore(%arg24 : memref<!tpu.dma_semaphore, #tpu.memory_space<semaphore_mem>>) src(%arg11 : memref<120x8xf32, #tpu.memory_space<vmem>>) dst(%dma_wait3A_340 : memref<10112x8xf32, #tpu.memory_space<vmem_shared>>)
      %dma_wait3A_341 = arith.constant 0 : i32
      %dma_wait3A_342 = arith.constant 0 : i32
      %dma_wait3A_343 = tpu.memref_slice %arg7[%dma_wait3A_341, %dma_wait3A_342] : memref<12x120xi32, #tpu.memory_space<vmem>> -> memref<1x120xi32, #tpu.memory_space<vmem>>
      %dma_wait3A_344 = tpu.memref_squeeze %dma_wait3A_343 : memref<1x120xi32, #tpu.memory_space<vmem>> -> memref<120xi32, #tpu.memory_space<vmem>>
      %dma_wait3A_345 = arith.constant 0 : i32
      %dma_wait3A_346 = arith.constant 0 : i32
      %dma_wait3A_347 = tpu.memref_slice %arg14[%dma_wait3A_345, %dma_wait3A_346] : memref<10112x8xf32, #tpu.memory_space<vmem_shared>> -> memref<10112x8xf32, #tpu.memory_space<vmem_shared>>
      tpu.wait_indirect_dma semaphore(%arg25 : memref<!tpu.dma_semaphore, #tpu.memory_space<semaphore_mem>>) src(%arg12 : memref<120x8xf32, #tpu.memory_space<vmem>>) dst(%dma_wait3A_347 : memref<10112x8xf32, #tpu.memory_space<vmem_shared>>)
      %dma_wait3A_348 = arith.constant 0 : i32
      %dma_wait3A_349 = arith.constant 0 : i32
      %dma_wait3A_350 = tpu.memref_slice %arg7[%dma_wait3A_348, %dma_wait3A_349] : memref<12x120xi32, #tpu.memory_space<vmem>> -> memref<1x120xi32, #tpu.memory_space<vmem>>
      %dma_wait3A_351 = tpu.memref_squeeze %dma_wait3A_350 : memref<1x120xi32, #tpu.memory_space<vmem>> -> memref<120xi32, #tpu.memory_space<vmem>>
      %dma_wait3A_352 = arith.constant 0 : i32
      %dma_wait3A_353 = arith.constant 0 : i32
      %dma_wait3A_354 = tpu.memref_slice %arg14[%dma_wait3A_352, %dma_wait3A_353] : memref<10112x8xf32, #tpu.memory_space<vmem_shared>> -> memref<10112x8xf32, #tpu.memory_space<vmem_shared>>
      tpu.wait_indirect_dma semaphore(%arg26 : memref<!tpu.dma_semaphore, #tpu.memory_space<semaphore_mem>>) src(%arg13 : memref<120x8xf32, #tpu.memory_space<vmem>>) dst(%dma_wait3A_354 : memref<10112x8xf32, #tpu.memory_space<vmem_shared>>)
    }
    %scan3A_9 = arith.constant 7 : i32
    %barrier3A_10 = arith.constant 0 : index
    tpu.barrier barrier_id(%barrier3A_10)
    %mul3A_11 = arith.constant 632 : i32
    %mul3A_12 = arith.muli %arg1, %mul3A_11 : i32
    %mul3A_13 = arith.constant 632 : i32
    %mul3A_14 = arith.muli %arg1, %mul3A_13 : i32
    "tpu.region"() ({
      %run_scoped3A = tpu.sem_alloc : memref<!tpu.dma_semaphore, #tpu.memory_space<semaphore_mem>>
      %dma_start3A = arith.constant 0 : i32
      %dma_start3A_15 = tpu.memref_slice %arg5[%arg0, %mul3A_14, %dma_start3A] : memref<2x10112x8xf32, #tpu.memory_space<hbm>> -> memref<1x632x8xf32, #tpu.memory_space<hbm>>
      %dma_start3A_16 = tpu.memref_squeeze %dma_start3A_15 : memref<1x632x8xf32, #tpu.memory_space<hbm>> -> memref<632x8xf32, #tpu.memory_space<hbm>>
      %dma_start3A_17 = arith.constant 0 : i32
      %dma_start3A_18 = tpu.memref_slice %arg14[%mul3A_12, %dma_start3A_17] : memref<10112x8xf32, #tpu.memory_space<vmem_shared>> -> memref<632x8xf32, #tpu.memory_space<vmem_shared>>
      tpu.enqueue_dma source(%dma_start3A_18 : memref<632x8xf32, #tpu.memory_space<vmem_shared>>) target(%dma_start3A_16 : memref<632x8xf32, #tpu.memory_space<hbm>>) target_semaphore(%run_scoped3A : memref<!tpu.dma_semaphore, #tpu.memory_space<semaphore_mem>>)
      %dma_wait3A = arith.constant 0 : i32
      %dma_wait3A_19 = tpu.memref_slice %arg5[%arg0, %mul3A_14, %dma_wait3A] : memref<2x10112x8xf32, #tpu.memory_space<hbm>> -> memref<1x632x8xf32, #tpu.memory_space<hbm>>
      %dma_wait3A_20 = tpu.memref_squeeze %dma_wait3A_19 : memref<1x632x8xf32, #tpu.memory_space<hbm>> -> memref<632x8xf32, #tpu.memory_space<hbm>>
      %dma_wait3A_21 = arith.constant 0 : i32
      %dma_wait3A_22 = tpu.memref_slice %arg14[%mul3A_12, %dma_wait3A_21] : memref<10112x8xf32, #tpu.memory_space<vmem_shared>> -> memref<632x8xf32, #tpu.memory_space<vmem_shared>>
      tpu.wait_dma2 semaphore(%run_scoped3A : memref<!tpu.dma_semaphore, #tpu.memory_space<semaphore_mem>>) src(%dma_wait3A_22 : memref<632x8xf32, #tpu.memory_space<vmem_shared>>) dst(%dma_wait3A_20 : memref<632x8xf32, #tpu.memory_space<hbm>>)
      tpu.yield
    }) : () -> ()
    return
  }
}

#map = affine_map<(d0, d1) -> (0, 0)>
#map1 = affine_map<(d0, d1) -> (0, 0, 0)>
module attributes {stable_mosaic.version = 14 : i64} {
  func.func @deg_k(%arg0: i32, %arg1: i32, %arg2: memref<2688x120xi32, #tpu.memory_space<hbm>>, %arg3: memref<10112x8xf32, #tpu.memory_space<hbm>>, %arg4: memref<120x8xf32, #tpu.memory_space<hbm>>, %arg5: memref<2x10112x8xf32, #tpu.memory_space<hbm>>, %arg6: memref<84x120xi32, #tpu.memory_space<vmem>>, %arg7: memref<120x8xf32, #tpu.memory_space<vmem>>, %arg8: memref<10112x8xf32, #tpu.memory_space<vmem_shared>>, %arg9: memref<!tpu.dma_semaphore, #tpu.memory_space<semaphore_mem>>) attributes {dimension_semantics = [#tpu.dimension_semantics<core_parallel>, #tpu.dimension_semantics<subcore_parallel>], iteration_bounds = array<i64: 2, 16>, scalar_prefetch = 0 : i64, scratch_operands = 4 : i64, tpu.core_type = #tpu.core_type<sc_vector_subcore>, window_params = [{transform_indices = #map}, {transform_indices = #map}, {transform_indices = #map}, {transform_indices = #map1}]} {
    %mul3A = arith.constant 16 : i32
    %mul3A_0 = arith.muli %arg0, %mul3A : i32
    %add3A = arith.addi %mul3A_0, %arg1 : i32
    %mul3A_1 = arith.constant 632 : i32
    %mul3A_2 = arith.muli %arg1, %mul3A_1 : i32
    %mul3A_3 = arith.constant 632 : i32
    %mul3A_4 = arith.muli %arg1, %mul3A_3 : i32
    "tpu.region"() ({
      %run_scoped3A = tpu.sem_alloc : memref<!tpu.dma_semaphore, #tpu.memory_space<semaphore_mem>>
      %dma_start3A = arith.constant 0 : i32
      %dma_start3A_23 = tpu.memref_slice %arg8[%mul3A_4, %dma_start3A] : memref<10112x8xf32, #tpu.memory_space<vmem_shared>> -> memref<632x8xf32, #tpu.memory_space<vmem_shared>>
      %dma_start3A_24 = arith.constant 0 : i32
      %dma_start3A_25 = tpu.memref_slice %arg3[%mul3A_2, %dma_start3A_24] : memref<10112x8xf32, #tpu.memory_space<hbm>> -> memref<632x8xf32, #tpu.memory_space<hbm>>
      tpu.enqueue_dma source(%dma_start3A_25 : memref<632x8xf32, #tpu.memory_space<hbm>>) target(%dma_start3A_23 : memref<632x8xf32, #tpu.memory_space<vmem_shared>>) target_semaphore(%run_scoped3A : memref<!tpu.dma_semaphore, #tpu.memory_space<semaphore_mem>>)
      %dma_wait3A = arith.constant 0 : i32
      %dma_wait3A_26 = tpu.memref_slice %arg8[%mul3A_4, %dma_wait3A] : memref<10112x8xf32, #tpu.memory_space<vmem_shared>> -> memref<632x8xf32, #tpu.memory_space<vmem_shared>>
      %dma_wait3A_27 = arith.constant 0 : i32
      %dma_wait3A_28 = tpu.memref_slice %arg3[%mul3A_2, %dma_wait3A_27] : memref<10112x8xf32, #tpu.memory_space<hbm>> -> memref<632x8xf32, #tpu.memory_space<hbm>>
      tpu.wait_dma2 semaphore(%run_scoped3A : memref<!tpu.dma_semaphore, #tpu.memory_space<semaphore_mem>>) src(%dma_wait3A_28 : memref<632x8xf32, #tpu.memory_space<hbm>>) dst(%dma_wait3A_26 : memref<632x8xf32, #tpu.memory_space<vmem_shared>>)
      tpu.yield
    }) : () -> ()
    %mul3A_5 = arith.constant 84 : i32
    %mul3A_6 = arith.muli %add3A, %mul3A_5 : i32
    "tpu.region"() ({
      %run_scoped3A = tpu.sem_alloc : memref<!tpu.dma_semaphore, #tpu.memory_space<semaphore_mem>>
      %dma_start3A = arith.constant 0 : i32
      %dma_start3A_23 = tpu.memref_slice %arg2[%mul3A_6, %dma_start3A] : memref<2688x120xi32, #tpu.memory_space<hbm>> -> memref<84x120xi32, #tpu.memory_space<hbm>>
      %dma_start3A_24 = arith.constant 0 : i32
      %dma_start3A_25 = tpu.memref_slice %arg2[%mul3A_6, %dma_start3A_24] : memref<2688x120xi32, #tpu.memory_space<hbm>> -> memref<84x120xi32, #tpu.memory_space<hbm>>
      tpu.enqueue_dma source(%dma_start3A_25 : memref<84x120xi32, #tpu.memory_space<hbm>>) target(%arg6 : memref<84x120xi32, #tpu.memory_space<vmem>>) target_semaphore(%run_scoped3A : memref<!tpu.dma_semaphore, #tpu.memory_space<semaphore_mem>>)
      %dma_wait3A = arith.constant 0 : i32
      %dma_wait3A_26 = tpu.memref_slice %arg2[%mul3A_6, %dma_wait3A] : memref<2688x120xi32, #tpu.memory_space<hbm>> -> memref<84x120xi32, #tpu.memory_space<hbm>>
      %dma_wait3A_27 = arith.constant 0 : i32
      %dma_wait3A_28 = tpu.memref_slice %arg2[%mul3A_6, %dma_wait3A_27] : memref<2688x120xi32, #tpu.memory_space<hbm>> -> memref<84x120xi32, #tpu.memory_space<hbm>>
      tpu.wait_dma2 semaphore(%run_scoped3A : memref<!tpu.dma_semaphore, #tpu.memory_space<semaphore_mem>>) src(%dma_wait3A_28 : memref<84x120xi32, #tpu.memory_space<hbm>>) dst(%arg6 : memref<84x120xi32, #tpu.memory_space<vmem>>)
      tpu.yield
    }) : () -> ()
    "tpu.region"() ({
      %run_scoped3A = tpu.sem_alloc : memref<!tpu.dma_semaphore, #tpu.memory_space<semaphore_mem>>
      tpu.enqueue_dma source(%arg4 : memref<120x8xf32, #tpu.memory_space<hbm>>) target(%arg7 : memref<120x8xf32, #tpu.memory_space<vmem>>) target_semaphore(%run_scoped3A : memref<!tpu.dma_semaphore, #tpu.memory_space<semaphore_mem>>)
      tpu.wait_dma2 semaphore(%run_scoped3A : memref<!tpu.dma_semaphore, #tpu.memory_space<semaphore_mem>>) src(%arg4 : memref<120x8xf32, #tpu.memory_space<hbm>>) dst(%arg7 : memref<120x8xf32, #tpu.memory_space<vmem>>)
      tpu.yield
    }) : () -> ()
    %barrier3A = arith.constant 0 : index
    tpu.barrier barrier_id(%barrier3A)
    %scan3A = arith.constant 0 : i32
    %scan3A_7 = arith.constant 0 : i32
    %scan3A_8 = arith.constant 84 : i32
    %scan3A_9 = arith.addi %scan3A_7, %scan3A_8 : i32
    %scan3A_10 = arith.constant 1 : i32
    scf.for %scan3A_23 = %scan3A_7 to %scan3A_9 step %scan3A_10  : i32 {
      %dma_start3A = arith.constant 0 : i32
      %dma_start3A_24 = tpu.memref_slice %arg6[%scan3A_23, %dma_start3A] : memref<84x120xi32, #tpu.memory_space<vmem>> -> memref<1x120xi32, #tpu.memory_space<vmem>>
      %dma_start3A_25 = tpu.memref_squeeze %dma_start3A_24 : memref<1x120xi32, #tpu.memory_space<vmem>> -> memref<120xi32, #tpu.memory_space<vmem>>
      %dma_start3A_26 = arith.constant 0 : i32
      %dma_start3A_27 = arith.constant 0 : i32
      %dma_start3A_28 = tpu.memref_slice %arg8[%dma_start3A_26, %dma_start3A_27] : memref<10112x8xf32, #tpu.memory_space<vmem_shared>> -> memref<10112x8xf32, #tpu.memory_space<vmem_shared>>
      tpu.enqueue_indirect_dma source(%arg7 : memref<120x8xf32, #tpu.memory_space<vmem>>) target(%dma_start3A_28 : memref<10112x8xf32, #tpu.memory_space<vmem_shared>>) offsets(%dma_start3A_25 : memref<120xi32, #tpu.memory_space<vmem>>) semaphore(%arg9 : memref<!tpu.dma_semaphore, #tpu.memory_space<semaphore_mem>>) {add = true}
    }
    %scan3A_11 = arith.constant 84 : i32
    %scan3A_12 = arith.constant 0 : i32
    %scan3A_13 = arith.constant 0 : i32
    %scan3A_14 = arith.constant 84 : i32
    %scan3A_15 = arith.addi %scan3A_13, %scan3A_14 : i32
    %scan3A_16 = arith.constant 1 : i32
    scf.for %scan3A_23 = %scan3A_13 to %scan3A_15 step %scan3A_16  : i32 {
      %dma_wait3A = arith.constant 0 : i32
      %dma_wait3A_24 = arith.constant 0 : i32
      %dma_wait3A_25 = tpu.memref_slice %arg6[%dma_wait3A, %dma_wait3A_24] : memref<84x120xi32, #tpu.memory_space<vmem>> -> memref<1x120xi32, #tpu.memory_space<vmem>>
      %dma_wait3A_26 = tpu.memref_squeeze %dma_wait3A_25 : memref<1x120xi32, #tpu.memory_space<vmem>> -> memref<120xi32, #tpu.memory_space<vmem>>
      %dma_wait3A_27 = arith.constant 0 : i32
      %dma_wait3A_28 = arith.constant 0 : i32
      %dma_wait3A_29 = tpu.memref_slice %arg8[%dma_wait3A_27, %dma_wait3A_28] : memref<10112x8xf32, #tpu.memory_space<vmem_shared>> -> memref<10112x8xf32, #tpu.memory_space<vmem_shared>>
      tpu.wait_indirect_dma semaphore(%arg9 : memref<!tpu.dma_semaphore, #tpu.memory_space<semaphore_mem>>) src(%arg7 : memref<120x8xf32, #tpu.memory_space<vmem>>) dst(%dma_wait3A_29 : memref<10112x8xf32, #tpu.memory_space<vmem_shared>>)
    }
    %scan3A_17 = arith.constant 84 : i32
    %barrier3A_18 = arith.constant 0 : index
    tpu.barrier barrier_id(%barrier3A_18)
    %mul3A_19 = arith.constant 632 : i32
    %mul3A_20 = arith.muli %arg1, %mul3A_19 : i32
    %mul3A_21 = arith.constant 632 : i32
    %mul3A_22 = arith.muli %arg1, %mul3A_21 : i32
    "tpu.region"() ({
      %run_scoped3A = tpu.sem_alloc : memref<!tpu.dma_semaphore, #tpu.memory_space<semaphore_mem>>
      %dma_start3A = arith.constant 0 : i32
      %dma_start3A_23 = tpu.memref_slice %arg5[%arg0, %mul3A_22, %dma_start3A] : memref<2x10112x8xf32, #tpu.memory_space<hbm>> -> memref<1x632x8xf32, #tpu.memory_space<hbm>>
      %dma_start3A_24 = tpu.memref_squeeze %dma_start3A_23 : memref<1x632x8xf32, #tpu.memory_space<hbm>> -> memref<632x8xf32, #tpu.memory_space<hbm>>
      %dma_start3A_25 = arith.constant 0 : i32
      %dma_start3A_26 = tpu.memref_slice %arg8[%mul3A_20, %dma_start3A_25] : memref<10112x8xf32, #tpu.memory_space<vmem_shared>> -> memref<632x8xf32, #tpu.memory_space<vmem_shared>>
      tpu.enqueue_dma source(%dma_start3A_26 : memref<632x8xf32, #tpu.memory_space<vmem_shared>>) target(%dma_start3A_24 : memref<632x8xf32, #tpu.memory_space<hbm>>) target_semaphore(%run_scoped3A : memref<!tpu.dma_semaphore, #tpu.memory_space<semaphore_mem>>)
      %dma_wait3A = arith.constant 0 : i32
      %dma_wait3A_27 = tpu.memref_slice %arg5[%arg0, %mul3A_22, %dma_wait3A] : memref<2x10112x8xf32, #tpu.memory_space<hbm>> -> memref<1x632x8xf32, #tpu.memory_space<hbm>>
      %dma_wait3A_28 = tpu.memref_squeeze %dma_wait3A_27 : memref<1x632x8xf32, #tpu.memory_space<hbm>> -> memref<632x8xf32, #tpu.memory_space<hbm>>
      %dma_wait3A_29 = arith.constant 0 : i32
      %dma_wait3A_30 = tpu.memref_slice %arg8[%mul3A_20, %dma_wait3A_29] : memref<10112x8xf32, #tpu.memory_space<vmem_shared>> -> memref<632x8xf32, #tpu.memory_space<vmem_shared>>
      tpu.wait_dma2 semaphore(%run_scoped3A : memref<!tpu.dma_semaphore, #tpu.memory_space<semaphore_mem>>) src(%dma_wait3A_30 : memref<632x8xf32, #tpu.memory_space<vmem_shared>>) dst(%dma_wait3A_28 : memref<632x8xf32, #tpu.memory_space<hbm>>)
      tpu.yield
    }) : () -> ()
    return
  }
}

module attributes {stable_mosaic.version = 14 : i64} {
  func.func @body(%arg0: i32, %arg1: memref<1264x128xf32, #tpu.memory_space<vmem>>, %arg2: memref<128x128xf32, #tpu.memory_space<vmem>>, %arg3: memref<1264x128xf32, #tpu.memory_space<vmem>>) attributes {dimension_semantics = [#tpu.dimension_semantics<arbitrary>], iteration_bounds = array<i64: 8>, scalar_prefetch = 0 : i64, scratch_operands = 0 : i64, tpu.core_type = #tpu.core_type<tc>, window_params = [{transform_indices = @transform_0, window_bounds = array<i64: 1264, 128>}, {pipeline_mode = #tpu.pipeline_mode<synchronous>, transform_indices = @transform_1, window_bounds = array<i64: 128, 128>}, {transform_indices = @transform_2, window_bounds = array<i64: 1264, 128>}]} {
    %get3A = arith.constant 0 : index
    %get3A_0 = arith.constant 0 : index
    %get3A_1 = vector.load %arg1[%get3A, %get3A_0] : memref<1264x128xf32, #tpu.memory_space<vmem>>, vector<1264x128xf32>
    %get3A_2 = arith.constant 0 : index
    %get3A_3 = arith.constant 0 : index
    %get3A_4 = vector.load %arg2[%get3A_2, %get3A_3] : memref<128x128xf32, #tpu.memory_space<vmem>>, vector<128x128xf32>
    %dot_general3A = arith.constant dense<0.000000e+00> : vector<1264x128xf32>
    %dot_general3A_5 = tpu.matmul %get3A_1, %get3A_4, %dot_general3A {dimension_numbers = #tpu.dot_dimension_numbers<[1], [0], [0], [1], [0, 0, 1, 1], [], []>, transpose_lhs_hint = false} : vector<1264x128xf32>, vector<128x128xf32>, vector<1264x128xf32> -> vector<1264x128xf32>
    %swap3A = arith.constant 0 : index
    %swap3A_6 = arith.constant 0 : index
    %swap3A_7 = vector.load %arg3[%swap3A, %swap3A_6] : memref<1264x128xf32, #tpu.memory_space<vmem>>, vector<1264x128xf32>
    tpu.vector_store %arg3[%swap3A, %swap3A_6], %dot_general3A_5 {strides = array<i32>} : memref<1264x128xf32, #tpu.memory_space<vmem>>, vector<1264x128xf32>,
    return
  }
  func.func @transform_0(%arg0: i32) -> (i32, i32) {
    %c0_i32 = arith.constant 0 : i32
    %c0_i32_0 = arith.constant 0 : i32
    return %arg0, %c0_i32 : i32, i32
  }
  func.func @transform_1(%arg0: i32) -> (i32, i32) {
    %c0_i32 = arith.constant 0 : i32
    %c0_i32_0 = arith.constant 0 : i32
    %c0_i32_1 = arith.constant 0 : i32
    return %c0_i32, %c0_i32_0 : i32, i32
  }
  func.func @transform_2(%arg0: i32) -> (i32, i32) {
    %c0_i32 = arith.constant 0 : i32
    %c0_i32_0 = arith.constant 0 : i32
    return %arg0, %c0_i32 : i32, i32
  }
}

module attributes {stable_mosaic.version = 14 : i64} {
  func.func @body(%arg0: i32, %arg1: memref<2x1264x8xf32, #tpu.memory_space<vmem>>, %arg2: memref<1264x128xf32, #tpu.memory_space<vmem>>, %arg3: memref<1264x128xf32, #tpu.memory_space<vmem>>) attributes {dimension_semantics = [#tpu.dimension_semantics<arbitrary>], iteration_bounds = array<i64: 8>, scalar_prefetch = 0 : i64, scratch_operands = 0 : i64, tpu.core_type = #tpu.core_type<tc>, window_params = [{transform_indices = @transform_0, window_bounds = array<i64: 2, 1264, 8>}, {transform_indices = @transform_1, window_bounds = array<i64: 1264, 128>}, {transform_indices = @transform_2, window_bounds = array<i64: 1264, 128>}]} {
    %get3A = arith.constant 0 : index
    %get3A_0 = arith.constant 0 : index
    %get3A_1 = arith.constant 0 : index
    %get3A_2 = vector.load %arg1[%get3A, %get3A_0, %get3A_1] : memref<2x1264x8xf32, #tpu.memory_space<vmem>>, vector<1x1264x1xf32>
    %get3A_3 = vector.shape_cast %get3A_2 : vector<1x1264x1xf32> to vector<1264x1xf32>
    %get3A_4 = arith.constant 1 : index
    %get3A_5 = arith.constant 0 : index
    %get3A_6 = arith.constant 0 : index
    %get3A_7 = vector.load %arg1[%get3A_4, %get3A_5, %get3A_6] : memref<2x1264x8xf32, #tpu.memory_space<vmem>>, vector<1x1264x1xf32>
    %get3A_8 = vector.shape_cast %get3A_7 : vector<1x1264x1xf32> to vector<1264x1xf32>
    %add3A = arith.addf %get3A_3, %get3A_8 : vector<1264x1xf32>
    %add3A_9 = arith.constant 1.000000e+00 : f32
    %add3A_10 = vector.broadcast %add3A_9 : f32 to vector<1264x1xf32>
    %add3A_11 = arith.addf %add3A, %add3A_10 : vector<1264x1xf32>
    %rsqrt3A = math.rsqrt %add3A_11 : vector<1264x1xf32>
    %get3A_12 = arith.constant 0 : index
    %get3A_13 = arith.constant 0 : index
    %get3A_14 = vector.load %arg2[%get3A_12, %get3A_13] : memref<1264x128xf32, #tpu.memory_space<vmem>>, vector<1264x128xf32>
    %mul3A = vector.broadcast %rsqrt3A : vector<1264x1xf32> to vector<1264x128xf32>
    %mul3A_15 = arith.mulf %mul3A, %get3A_14 : vector<1264x128xf32>
    %swap3A = arith.constant 0 : index
    %swap3A_16 = arith.constant 0 : index
    %swap3A_17 = vector.load %arg3[%swap3A, %swap3A_16] : memref<1264x128xf32, #tpu.memory_space<vmem>>, vector<1264x128xf32>
    tpu.vector_store %arg3[%swap3A, %swap3A_16], %mul3A_15 {strides = array<i32>} : memref<1264x128xf32, #tpu.memory_space<vmem>>, vector<1264x128xf32>,
    return
  }
  func.func @transform_0(%arg0: i32) -> (i32, i32, i32) {
    %c0_i32 = arith.constant 0 : i32
    %c0_i32_0 = arith.constant 0 : i32
    %c0_i32_1 = arith.constant 0 : i32
    return %c0_i32, %arg0, %c0_i32_0 : i32, i32, i32
  }
  func.func @transform_1(%arg0: i32) -> (i32, i32) {
    %c0_i32 = arith.constant 0 : i32
    %c0_i32_0 = arith.constant 0 : i32
    return %arg0, %c0_i32 : i32, i32
  }
  func.func @transform_2(%arg0: i32) -> (i32, i32) {
    %c0_i32 = arith.constant 0 : i32
    %c0_i32_0 = arith.constant 0 : i32
    return %arg0, %c0_i32 : i32, i32
  }
}

module attributes {stable_mosaic.version = 14 : i64} {
  func.func @body(%arg0: i32, %arg1: memref<2x1264x128xf32, #tpu.memory_space<vmem>>, %arg2: memref<1264x128xf32, #tpu.memory_space<vmem>>, %arg3: memref<2x1264x8xf32, #tpu.memory_space<vmem>>, %arg4: memref<128x8xf32, #tpu.memory_space<vmem>>, %arg5: memref<1x128xf32, #tpu.memory_space<vmem>>, %arg6: memref<1264x8xf32, #tpu.memory_space<vmem>>) attributes {dimension_semantics = [#tpu.dimension_semantics<arbitrary>], iteration_bounds = array<i64: 8>, scalar_prefetch = 0 : i64, scratch_operands = 0 : i64, tpu.core_type = #tpu.core_type<tc>, window_params = [{transform_indices = @transform_0, window_bounds = array<i64: 2, 1264, 128>}, {transform_indices = @transform_1, window_bounds = array<i64: 1264, 128>}, {transform_indices = @transform_2, window_bounds = array<i64: 2, 1264, 8>}, {pipeline_mode = #tpu.pipeline_mode<synchronous>, transform_indices = @transform_3, window_bounds = array<i64: 128, 8>}, {pipeline_mode = #tpu.pipeline_mode<synchronous>, transform_indices = @transform_4, window_bounds = array<i64: 1, 128>}, {transform_indices = @transform_5, window_bounds = array<i64: 1264, 8>}]} {
    %get3A = arith.constant 0 : index
    %get3A_0 = arith.constant 0 : index
    %get3A_1 = arith.constant 0 : index
    %get3A_2 = vector.load %arg3[%get3A, %get3A_0, %get3A_1] : memref<2x1264x8xf32, #tpu.memory_space<vmem>>, vector<1x1264x1xf32>
    %get3A_3 = vector.shape_cast %get3A_2 : vector<1x1264x1xf32> to vector<1264x1xf32>
    %get3A_4 = arith.constant 1 : index
    %get3A_5 = arith.constant 0 : index
    %get3A_6 = arith.constant 0 : index
    %get3A_7 = vector.load %arg3[%get3A_4, %get3A_5, %get3A_6] : memref<2x1264x8xf32, #tpu.memory_space<vmem>>, vector<1x1264x1xf32>
    %get3A_8 = vector.shape_cast %get3A_7 : vector<1x1264x1xf32> to vector<1264x1xf32>
    %add3A = arith.addf %get3A_3, %get3A_8 : vector<1264x1xf32>
    %add3A_9 = arith.constant 1.000000e+00 : f32
    %add3A_10 = vector.broadcast %add3A_9 : f32 to vector<1264x1xf32>
    %add3A_11 = arith.addf %add3A, %add3A_10 : vector<1264x1xf32>
    %rsqrt3A = math.rsqrt %add3A_11 : vector<1264x1xf32>
    %get3A_12 = arith.constant 0 : index
    %get3A_13 = arith.constant 0 : index
    %get3A_14 = arith.constant 0 : index
    %get3A_15 = vector.load %arg1[%get3A_12, %get3A_13, %get3A_14] : memref<2x1264x128xf32, #tpu.memory_space<vmem>>, vector<1x1264x128xf32>
    %get3A_16 = vector.shape_cast %get3A_15 : vector<1x1264x128xf32> to vector<1264x128xf32>
    %get3A_17 = arith.constant 1 : index
    %get3A_18 = arith.constant 0 : index
    %get3A_19 = arith.constant 0 : index
    %get3A_20 = vector.load %arg1[%get3A_17, %get3A_18, %get3A_19] : memref<2x1264x128xf32, #tpu.memory_space<vmem>>, vector<1x1264x128xf32>
    %get3A_21 = vector.shape_cast %get3A_20 : vector<1x1264x128xf32> to vector<1264x128xf32>
    %add3A_22 = arith.addf %get3A_16, %get3A_21 : vector<1264x128xf32>
    %get3A_23 = arith.constant 0 : index
    %get3A_24 = arith.constant 0 : index
    %get3A_25 = vector.load %arg2[%get3A_23, %get3A_24] : memref<1264x128xf32, #tpu.memory_space<vmem>>, vector<1264x128xf32>
    %sub3A = arith.subf %add3A_22, %get3A_25 : vector<1264x128xf32>
    %mul3A = vector.broadcast %rsqrt3A : vector<1264x1xf32> to vector<1264x128xf32>
    %mul3A_26 = arith.mulf %mul3A, %sub3A : vector<1264x128xf32>
    %get3A_27 = arith.constant 0 : index
    %get3A_28 = arith.constant 0 : index
    %get3A_29 = vector.load %arg5[%get3A_27, %get3A_28] : memref<1x128xf32, #tpu.memory_space<vmem>>, vector<1x128xf32>
    %add3A_30 = vector.broadcast %get3A_29 : vector<1x128xf32> to vector<1264x128xf32>
    %add3A_31 = arith.addf %mul3A_26, %add3A_30 : vector<1264x128xf32>
    %max3A = arith.constant 0.000000e+00 : f32
    %max3A_32 = vector.broadcast %max3A : f32 to vector<1264x128xf32>
    %max3A_33 = arith.maximumf %add3A_31, %max3A_32 : vector<1264x128xf32>
    %get3A_34 = arith.constant 0 : index
    %get3A_35 = arith.constant 0 : index
    %get3A_36 = vector.load %arg4[%get3A_34, %get3A_35] : memref<128x8xf32, #tpu.memory_space<vmem>>, vector<128x8xf32>
    %dot_general3A = arith.constant dense<0.000000e+00> : vector<1264x8xf32>
    %dot_general3A_37 = tpu.matmul %max3A_33, %get3A_36, %dot_general3A {dimension_numbers = #tpu.dot_dimension_numbers<[1], [0], [0], [1], [0, 0, 1, 1], [], []>, transpose_lhs_hint = false} : vector<1264x128xf32>, vector<128x8xf32>, vector<1264x8xf32> -> vector<1264x8xf32>
    %mul3A_38 = vector.broadcast %rsqrt3A : vector<1264x1xf32> to vector<1264x8xf32>
    %mul3A_39 = arith.mulf %mul3A_38, %dot_general3A_37 : vector<1264x8xf32>
    %swap3A = arith.constant 0 : index
    %swap3A_40 = arith.constant 0 : index
    %swap3A_41 = vector.load %arg6[%swap3A, %swap3A_40] : memref<1264x8xf32, #tpu.memory_space<vmem>>, vector<1264x8xf32>
    tpu.vector_store %arg6[%swap3A, %swap3A_40], %mul3A_39 {strides = array<i32>} : memref<1264x8xf32, #tpu.memory_space<vmem>>, vector<1264x8xf32>,
    return
  }
  func.func @transform_0(%arg0: i32) -> (i32, i32, i32) {
    %c0_i32 = arith.constant 0 : i32
    %c0_i32_0 = arith.constant 0 : i32
    %c0_i32_1 = arith.constant 0 : i32
    return %c0_i32, %arg0, %c0_i32_0 : i32, i32, i32
  }
  func.func @transform_1(%arg0: i32) -> (i32, i32) {
    %c0_i32 = arith.constant 0 : i32
    %c0_i32_0 = arith.constant 0 : i32
    return %arg0, %c0_i32 : i32, i32
  }
  func.func @transform_2(%arg0: i32) -> (i32, i32, i32) {
    %c0_i32 = arith.constant 0 : i32
    %c0_i32_0 = arith.constant 0 : i32
    %c0_i32_1 = arith.constant 0 : i32
    return %c0_i32, %arg0, %c0_i32_0 : i32, i32, i32
  }
  func.func @transform_3(%arg0: i32) -> (i32, i32) {
    %c0_i32 = arith.constant 0 : i32
    %c0_i32_0 = arith.constant 0 : i32
    %c0_i32_1 = arith.constant 0 : i32
    return %c0_i32, %c0_i32_0 : i32, i32
  }
  func.func @transform_4(%arg0: i32) -> (i32, i32) {
    %c0_i32 = arith.constant 0 : i32
    %c0_i32_0 = arith.constant 0 : i32
    %c0_i32_1 = arith.constant 0 : i32
    return %c0_i32, %c0_i32_0 : i32, i32
  }
  func.func @transform_5(%arg0: i32) -> (i32, i32) {
    %c0_i32 = arith.constant 0 : i32
    %c0_i32_0 = arith.constant 0 : i32
    return %arg0, %c0_i32 : i32, i32
  }
}

module attributes {stable_mosaic.version = 14 : i64} {
  func.func @body(%arg0: i32, %arg1: memref<2x1264x8xf32, #tpu.memory_space<vmem>>, %arg2: memref<1264x8xf32, #tpu.memory_space<vmem>>, %arg3: memref<2x1264x8xf32, #tpu.memory_space<vmem>>, %arg4: memref<1x8xf32, #tpu.memory_space<vmem>>, %arg5: memref<1264x2xf32, #tpu.memory_space<vmem>>) attributes {dimension_semantics = [#tpu.dimension_semantics<arbitrary>], iteration_bounds = array<i64: 8>, scalar_prefetch = 0 : i64, scratch_operands = 0 : i64, tpu.core_type = #tpu.core_type<tc>, window_params = [{transform_indices = @transform_0, window_bounds = array<i64: 2, 1264, 8>}, {transform_indices = @transform_1, window_bounds = array<i64: 1264, 8>}, {transform_indices = @transform_2, window_bounds = array<i64: 2, 1264, 8>}, {pipeline_mode = #tpu.pipeline_mode<synchronous>, transform_indices = @transform_3, window_bounds = array<i64: 1, 8>}, {transform_indices = @transform_4, window_bounds = array<i64: 1264, 2>}]} {
    %get3A = arith.constant 0 : index
    %get3A_0 = arith.constant 0 : index
    %get3A_1 = arith.constant 0 : index
    %get3A_2 = vector.load %arg3[%get3A, %get3A_0, %get3A_1] : memref<2x1264x8xf32, #tpu.memory_space<vmem>>, vector<1x1264x1xf32>
    %get3A_3 = vector.shape_cast %get3A_2 : vector<1x1264x1xf32> to vector<1264x1xf32>
    %get3A_4 = arith.constant 1 : index
    %get3A_5 = arith.constant 0 : index
    %get3A_6 = arith.constant 0 : index
    %get3A_7 = vector.load %arg3[%get3A_4, %get3A_5, %get3A_6] : memref<2x1264x8xf32, #tpu.memory_space<vmem>>, vector<1x1264x1xf32>
    %get3A_8 = vector.shape_cast %get3A_7 : vector<1x1264x1xf32> to vector<1264x1xf32>
    %add3A = arith.addf %get3A_3, %get3A_8 : vector<1264x1xf32>
    %add3A_9 = arith.constant 1.000000e+00 : f32
    %add3A_10 = vector.broadcast %add3A_9 : f32 to vector<1264x1xf32>
    %add3A_11 = arith.addf %add3A, %add3A_10 : vector<1264x1xf32>
    %rsqrt3A = math.rsqrt %add3A_11 : vector<1264x1xf32>
    %get3A_12 = arith.constant 0 : index
    %get3A_13 = arith.constant 0 : index
    %get3A_14 = arith.constant 0 : index
    %get3A_15 = vector.load %arg1[%get3A_12, %get3A_13, %get3A_14] : memref<2x1264x8xf32, #tpu.memory_space<vmem>>, vector<1x1264x8xf32>
    %get3A_16 = vector.shape_cast %get3A_15 : vector<1x1264x8xf32> to vector<1264x8xf32>
    %get3A_17 = arith.constant 1 : index
    %get3A_18 = arith.constant 0 : index
    %get3A_19 = arith.constant 0 : index
    %get3A_20 = vector.load %arg1[%get3A_17, %get3A_18, %get3A_19] : memref<2x1264x8xf32, #tpu.memory_space<vmem>>, vector<1x1264x8xf32>
    %get3A_21 = vector.shape_cast %get3A_20 : vector<1x1264x8xf32> to vector<1264x8xf32>
    %add3A_22 = arith.addf %get3A_16, %get3A_21 : vector<1264x8xf32>
    %get3A_23 = arith.constant 0 : index
    %get3A_24 = arith.constant 0 : index
    %get3A_25 = vector.load %arg2[%get3A_23, %get3A_24] : memref<1264x8xf32, #tpu.memory_space<vmem>>, vector<1264x8xf32>
    %sub3A = arith.subf %add3A_22, %get3A_25 : vector<1264x8xf32>
    %mul3A = vector.broadcast %rsqrt3A : vector<1264x1xf32> to vector<1264x8xf32>
    %mul3A_26 = arith.mulf %mul3A, %sub3A : vector<1264x8xf32>
    %get3A_27 = arith.constant 0 : index
    %get3A_28 = arith.constant 0 : index
    %get3A_29 = vector.load %arg4[%get3A_27, %get3A_28] : memref<1x8xf32, #tpu.memory_space<vmem>>, vector<1x8xf32>
    %add3A_30 = vector.broadcast %get3A_29 : vector<1x8xf32> to vector<1264x8xf32>
    %add3A_31 = arith.addf %mul3A_26, %add3A_30 : vector<1264x8xf32>
    %iota3A = tpu.iota {dimensions = array<i32: 1>} : vector<1264x8xi32>
    %lt3A = arith.constant 2 : i32
    %lt3A_32 = vector.broadcast %lt3A : i32 to vector<1264x8xi32>
    %lt3A_33 = arith.cmpi slt, %iota3A, %lt3A_32 : vector<1264x8xi32>
    %broadcast_in_dim3A = arith.constant 0xFF800000 : f32
    %broadcast_in_dim3A_34 = vector.broadcast %broadcast_in_dim3A : f32 to vector<1264x8xf32>
    %select_n3A = arith.select %lt3A_33, %add3A_31, %broadcast_in_dim3A_34 : vector<1264x8xi1>, vector<1264x8xf32>
    %reduce_max3A = arith.constant dense<0xFF800000> : vector<1264xf32>
    %reduce_max3A_35 = vector.multi_reduction <maximumf>, %select_n3A, %reduce_max3A [1] : vector<1264x8xf32> to vector<1264xf32>
    %broadcast_in_dim3A_36 = vector.shape_cast %reduce_max3A_35 : vector<1264xf32> to vector<1264x1xf32>
    %sub3A_37 = vector.broadcast %broadcast_in_dim3A_36 : vector<1264x1xf32> to vector<1264x8xf32>
    %sub3A_38 = arith.subf %select_n3A, %sub3A_37 : vector<1264x8xf32>
    %exp3A = math.exp %sub3A_38 : vector<1264x8xf32>
    %jit3A = arith.constant 0.000000e+00 : f32
    %broadcast_in_dim3A_39 = vector.broadcast %jit3A : f32 to vector<1264x8xf32>
    %select_n3A_40 = arith.select %lt3A_33, %exp3A, %broadcast_in_dim3A_39 : vector<1264x8xi1>, vector<1264x8xf32>
    %reduce_sum3A = arith.constant dense<0.000000e+00> : vector<1264xf32>
    %reduce_sum3A_41 = vector.multi_reduction <add>, %select_n3A_40, %reduce_sum3A [1] : vector<1264x8xf32> to vector<1264xf32>
    %broadcast_in_dim3A_42 = vector.shape_cast %reduce_sum3A_41 : vector<1264xf32> to vector<1264x1xf32>
    %div3A = vector.broadcast %broadcast_in_dim3A_42 : vector<1264x1xf32> to vector<1264x8xf32>
    %div3A_43 = arith.divf %select_n3A_40, %div3A : vector<1264x8xf32>
    %slice3A = vector.extract_strided_slice %div3A_43 {offsets = [0, 0], sizes = [1264, 2], strides = [1, 1]} : vector<1264x8xf32> to vector<1264x2xf32>
    %swap3A = arith.constant 0 : index
    %swap3A_44 = arith.constant 0 : index
    %swap3A_45 = vector.load %arg5[%swap3A, %swap3A_44] : memref<1264x2xf32, #tpu.memory_space<vmem>>, vector<1264x2xf32>
    tpu.vector_store %arg5[%swap3A, %swap3A_44], %slice3A {strides = array<i32>} : memref<1264x2xf32, #tpu.memory_space<vmem>>, vector<1264x2xf32>,
    return
  }
  func.func @transform_0(%arg0: i32) -> (i32, i32, i32) {
    %c0_i32 = arith.constant 0 : i32
    %c0_i32_0 = arith.constant 0 : i32
    %c0_i32_1 = arith.constant 0 : i32
    return %c0_i32, %arg0, %c0_i32_0 : i32, i32, i32
  }
  func.func @transform_1(%arg0: i32) -> (i32, i32) {
    %c0_i32 = arith.constant 0 : i32
    %c0_i32_0 = arith.constant 0 : i32
    return %arg0, %c0_i32 : i32, i32
  }
  func.func @transform_2(%arg0: i32) -> (i32, i32, i32) {
    %c0_i32 = arith.constant 0 : i32
    %c0_i32_0 = arith.constant 0 : i32
    %c0_i32_1 = arith.constant 0 : i32
    return %c0_i32, %arg0, %c0_i32_0 : i32, i32, i32
  }
  func.func @transform_3(%arg0: i32) -> (i32, i32) {
    %c0_i32 = arith.constant 0 : i32
    %c0_i32_0 = arith.constant 0 : i32
    %c0_i32_1 = arith.constant 0 : i32
    return %c0_i32, %c0_i32_0 : i32, i32
  }
  func.func @transform_4(%arg0: i32) -> (i32, i32) {
    %c0_i32 = arith.constant 0 : i32
    %c0_i32_0 = arith.constant 0 : i32
    return %arg0, %c0_i32 : i32, i32
  }
}

</mosaic_0001>

<sc_bundles>
// kernel: kernel.12.cloned.1.call-start
scs
__scs_entry_jumppad:
0x0: {  	(pc) =	sbr.rel $0x88, $3  }
0x1: {  	(tag) =	ssettag $0x0;
	lr =	simm.s32 $0x1  }
0x2: {  	[smem:$0x3F9B] =	sst lr;
	_ =	strace $0xD0000000  }
0x3: {  	_ = 	snop  }
0x4: {  	_ = 	snop  }
0x5: {  	_ = 	snop  }
0x6: {  	_ = 	snop  }
0x7: {  	_ = 	snop  }
__scs_overlays_trampoline_lowered:
0x8: {  	[smem:$0x3FAA] =	sst s0  }
0x9: {  	[smem:$0x3FAB] =	sst s1  }
0xa: {  	[smem:$0x3FAC] =	sst s2  }
0xb: {  	[smem:$0x3FAD] =	sst s3  }
0xc: {  	[smem:$0x3FAE] =	sst s4  }
0xd: {  	[smem:$0x3FAF] =	sst s5  }
0xe: {  	[smem:$0x3FB0] =	sst s6  }
0xf: {  	[smem:$0x3FB1] =	sst s7  }
0x10: {  	[smem:$0x3FB2] =	sst s8  }
0x11: {  	[smem:$0x3FB3] =	sst s9;
	s0 =	simm.s32 @!p0 $0x0  }
0x12: {  	s1 =	sld [smem:$0x3F99];
	s0 =	simm.s32 @p0 $0x1  }
0x13: {  	[smem:$0x3FB4] =	sst s0;
	s0 =	simm.s32 @!p1 $0x0  }
0x14: {  	s2 =	sld [smem:$0x3F98];
	s0 =	simm.s32 @p1 $0x1  }
0x15: {  	[smem:$0x3FB5] =	sst s0;
	s0 =	simm.s32 @!p2 $0x0  }
0x16: {  	s3 =	sld [smem:$0x3FDB];
	s0 =	simm.s32 @p2 $0x1  }
0x17: {  	s4 =	simm.s32 $0x1BF5;
	[smem:$0x3FB7] =	sst s0  }
0x18: {  	s0 =	sld [smem:$0x3F9A];
	_ =	swait.ge [sflag:s4], $0x0  }
0x19: {  	s7 =	sld [smem:$0x3F9B]  }
0x1a: {  	s8 =	sadd.s32 $0xFFFFE003, lr  }
0x1b: {  	s9 =	sadd.s32 $0xFFFFFEF7, lr;
	s5 =	simm.s32 $0xFFFFFFFF;
	p2 =	slt.u32 s8, $0xFFFFF086  }
0x1c: {  	p1 =	slt.u32 s9, $0xF7A;
	s5 =	simm.s32 @!p2 $0x0  }
0x1d: {  	s5 =	simm.s32 @p1 $0x1;
	p0 =	seq.s32 s7, s2  }
0x1e: {  	s7 =	smul.u32 @!p0 $0xF7A, s2;
	p2 =	seq.s32 @!p0 s5, $0x0  }
0x1f: {  	s9 =	smul.u32 $0xF7A, s1;
	s8 =	simm.s32 @!p0 $0x1BF5;
	p2 =	por !p2, p0  }
0x20: {  	[sflag:s8] =	ssyncset.s32 @!p0 $0xFFFFF086;
	s6 =	sadd.s32 @!p0 s3, s7;
	s7 =	simm.s32 @!p0 $0x108  }
0x21: {  	s3 =	sadd.s32 s3, s9;
	s6 =	sadd.s32 @!p0 $0x88, s6;
	s7 =	simm.s32 @p2 $0x1082  }
0x22: {  	[simem:s7], [sflag:s8] =	dma.local @!p0 [hbm:s6], $0xF7A  }
0x23: {  	s9 =	sor.u32 $0xD0000000, s2;
	s6 =	simm.s32 $0x108;
	_ =	swait.ge @!p0 [sflag:s8], $0x0  }
0x24: {  	s3 =	sadd.s32 $0x88, s3;
	s6 =	simm.s32 @!p1 $0x1082;
	[sflag:s4] =	ssyncset.s32 $0xFFFFF086  }
0x25: {  	[simem:s6], [sflag:s4] =	dma.local [hbm:s3], $0xF7A  }
0x26: {  	[smem:$0x3F9B] =	sst s1;
	(tag) =	ssettag s2;
	_ =	strace s9  }
0x27: {  	s1 =	sld [smem:$0x3FAB]  }
0x28: {  	s2 =	sld [smem:$0x3FAC]  }
0x29: {  	s4 =	sld [smem:$0x3FAE]  }
0x2a: {  	p0 =	seq.s32 s5, $0x0;
	s5 =	sld [smem:$0x3FAF]  }
0x2b: {  	s6 =	sld [smem:$0x3FB0]  }
0x2c: {  	s7 =	sld [smem:$0x3FB1]  }
0x2d: {  	s3 =	simm.s32 $0x108;
	s8 =	sld [smem:$0x3FB2]  }
0x2e: {  	s3 =	simm.s32 @!p0 $0x1082;
	s9 =	sld [smem:$0x3FB3]  }
0x2f: {  	lr =	sadd.s32 s0, s3;
	s0 =	sld [smem:$0x3FAA]  }
0x30: {  	s3 =	sld [smem:$0x3FAD]  }
0x31: {  	[smem:$0x3FB6] =	sst s10  }
0x32: {  	s10 =	sld [smem:$0x3FB4];
	_ =	sdelay $0x3  }
0x33: {  	p0 =	seq.s32 s10, $0x1;
	s10 =	sld [smem:$0x3FB6];
	_ =	sdelay $0x3  }
0x34: {  	[smem:$0x3FB6] =	sst s10  }
0x35: {  	s10 =	sld [smem:$0x3FB5];
	_ =	sdelay $0x3  }
0x36: {  	p1 =	seq.s32 s10, $0x1;
	s10 =	sld [smem:$0x3FB6];
	_ =	sdelay $0x3  }
0x37: {  	[smem:$0x3FB6] =	sst s10  }
0x38: {  	s10 =	sld [smem:$0x3FB7]  }
0x39: {  	_ = 	snop;
	(pc) =	sbr.ind lr, $3  }
0x3a: {  	_ = 	snop  }
0x3b: {  	_ = 	snop  }
0x3c: {  	p2 =	seq.s32 s10, $0x1;
	s10 =	sld [smem:$0x3FB6]  }
0x3d: {  	_ =	shalt  }
0x3e: {  	_ =	shalt  }
0x3f: {  	_ =	shalt  }
0x40: {  	_ =	shalt  }
0x41: {  	_ =	shalt  }
0x42: {  	_ =	shalt  }
0x43: {  	_ =	shalt  }
0x44: {  	_ =	shalt  }
0x45: {  	_ =	shalt  }
0x46: {  	_ =	shalt  }
0x47: {  	_ =	shalt  }
0x48: {  	_ =	shalt  }
0x49: {  	_ =	shalt  }
0x4a: {  	_ =	shalt  }
0x4b: {  	_ =	shalt  }
0x4c: {  	_ =	shalt  }
0x4d: {  	_ =	shalt  }
0x4e: {  	_ =	shalt  }
0x4f: {  	_ =	shalt  }
0x50: {  	_ =	shalt  }
0x51: {  	_ =	shalt  }
0x52: {  	_ =	shalt  }
0x53: {  	_ =	shalt  }
0x54: {  	_ =	shalt  }
0x55: {  	_ =	shalt  }
0x56: {  	_ =	shalt  }
0x57: {  	_ =	shalt  }
0x58: {  	_ =	shalt  }
0x59: {  	_ =	shalt  }
0x5a: {  	_ =	shalt  }
0x5b: {  	_ =	shalt  }
0x5c: {  	_ =	shalt  }
0x5d: {  	_ =	shalt  }
0x5e: {  	_ =	shalt  }
0x5f: {  	_ =	shalt  }
0x60: {  	_ =	shalt  }
0x61: {  	_ =	shalt  }
0x62: {  	_ =	shalt  }
0x63: {  	_ =	shalt  }
0x64: {  	_ =	shalt  }
0x65: {  	_ =	shalt  }
0x66: {  	_ =	shalt  }
0x67: {  	_ =	shalt  }
0x68: {  	_ =	shalt  }
0x69: {  	_ =	shalt  }
0x6a: {  	_ =	shalt  }
0x6b: {  	_ =	shalt  }
0x6c: {  	_ =	shalt  }
0x6d: {  	_ =	shalt  }
0x6e: {  	_ =	shalt  }
0x6f: {  	_ =	shalt  }
0x70: {  	_ =	shalt  }
0x71: {  	_ =	shalt  }
0x72: {  	_ =	shalt  }
0x73: {  	_ =	shalt  }
0x74: {  	_ =	shalt  }
0x75: {  	_ =	shalt  }
0x76: {  	_ =	shalt  }
0x77: {  	_ =	shalt  }
0x78: {  	_ =	shalt  }
0x79: {  	_ =	shalt  }
0x7a: {  	_ =	shalt  }
0x7b: {  	_ =	shalt  }
0x7c: {  	_ =	shalt  }
0x7d: {  	_ =	shalt  }
0x7e: {  	_ =	shalt  }
0x7f: {  	_ =	shalt  }
0x80: {  	_ =	shalt  }
0x81: {  	_ =	shalt  }
0x82: {  	_ =	shalt  }
0x83: {  	_ =	shalt  }
0x84: {  	_ =	shalt  }
0x85: {  	_ =	shalt  }
0x86: {  	_ =	shalt  }
0x87: {  	_ =	shalt  }
.Lfunc_end0:
.L_simem_size_0:
called_computation.1_lowered:
.L_overlay_start_0:
0x88: {  	s2 =	sld [smem:$0x3FD9]  }
0x89: {  	s3 =	sld [smem:$0x3FFE];
	_ =	sdelay $0x1  }
0x8a: {  	s1 =	srdreg.scid  }
0x8b: {  	s0 =	sand.u32 $0x1, s1  }
0x8c: {  	s16 =	sshll.u32 s0, $0xA;
	s2 =	sadd.s32 s3, s2  }
0x8d: {  	s2 =	sadd.s32 s2, s16  }
0x8e: {  	[smem:$0x3FC2] =	sst s2  }
0x8f: {  	_ = 	snop  }
0x90: {  	(tm) =	ssettm $0x1  }
0x91: {  	s17 =	sld [smem:$0x3FFB];
	_ =	sdelay $0x3  }
0x92: {  	_ =	strace s17  }
0x93: {  	s2 =	sld [smem:$0x3FFC];
	_ =	sdelay $0x3  }
0x94: {  	_ =	strace s2  }
0x95: {  	s2 =	sld [smem:$0x3FFD];
	_ =	sdelay $0x3  }
0x96: {  	_ =	strace s2  }
0x97: {  	_ =	strace $0x8FFFFFFF  }
0x98: {  	s18 =	sld [smem:$0x3FDB];
	_ =	sdelay $0x1  }
0x99: {  	s19 =	simm.s32 $_scs_section_size  }
0x9a: {  	s4 =	simm.s32 $_size__tile_overlayer_lowered;
	s5 =	simm.s32 $_tile_overlayer_lowered  }
0x9b: {  	s22 =	simm.s32 $0x1BFF;
	s21 =	sshll.u32 s5, $0x1;
	s2 =	sadd.s32 s19, s18  }
0x9c: {  	s6 =	simm.s32 $0x0;
	s20 =	sshll.u32 s4, $0x1;
	s4 =	sadd.s32 s21, s2  }
0x9d: {  	[timem:s6], [sflag:s22] =	dma.local [hbm:s4], s20  }
0x9e: {  	_ =	swait.ge [sflag:s22], s20  }
0x9f: {  	s3 =	ssub.s32 $0x0, s20;
	[sflag:s22] =	ssyncset.done $0x0  }
0xa0: {  	[sflag:s22] =	ssyncadd.s32 s3;
	_ =	sdelay $0x1  }
0xa1: {  	s23 =	simm.s32 $0x1B8B  }
0xa2: {  	_ =	swait.ge [sflag:s23], $0x1  }
0xa3: {  	[sflag:s23] =	ssyncset.done $0x0  }
0xa4: {  	s25 =	simm.s32 $0x1B8E;
	s24 =	sld [smem:$0x3FFE];
	[sflag:s23] =	ssyncadd.s32 $0xFFFFFFFF  }
0xa5: {  	s26 =	simm.s32 $execute0_lowered;
	[smem:$0x3FD2] =	sst s25  }
0xa6: {  	s4 =	sshll.u32 s26, $0x1;
	_ =	strace $0x80000049;
	[dreg:$0x1] =	wrdreg $0xFFFFFFFF  }
0xa7: {  	s28 =	simm.s32 $_size_execute0_lowered;
	s2 =	sadd.s32 s2, s4;
	[dreg:$0x0] =	wrdreg $0x0  }
0xa8: {  	s4 =	sshll.u32 s28, $0x1;
	[dreg:$0x2] =	wrdreg s2  }
0xa9: {  	[dreg:$0x3] =	wrdreg s4  }
0xaa: {  	[dreg:$0x4] =	wrdreg $0xC0  }
0xab: {  	_ =	task [dreg:s6], $0x5FFFF  }
0xac: {  	[dreg:$0x1] =	wrdreg $0xFFFFFFFF  }
0xad: {  	[dreg:$0x0] =	wrdreg $0x60  }
0xae: {  	[dreg:$0x2] =	wrdreg s24  }
0xaf: {  	[dreg:$0x3] =	wrdreg $0xBF400  }
0xb0: {  	[dreg:$0x4] =	wrdreg $0x9  }
0xb1: {  	_ =	task.clear_ibuf [dreg:s6], $0x5FFFF;
	_ =	strace $0x90000049  }
0xb2: {  	s29 =	simm.s32 $0x9;
	_ =	strace $0x8000004B  }
0xb3: {  	_ =	swait.ge [sflag:s29], $0x1  }
0xb4: {  	[sflag:s29] =	ssyncadd.s32 $0xFFFFFFFF  }
0xb5: {  	_ =	strace $0x9000004B  }
0xb6: {  	_ =	sfence  }
0xb7: {  	s30 =	sld [smem:$0x0];
	_ =	sdelay $0x2  }
0xb8: {  	s31 =	sshll.u32 s1, $0xD;
	s1 =	sshrl.u32 s1, $0x2  }
0xb9: {  	s3 =	sand.u32 $0x4000, s31;
	s1 =	sadd.s32 s1, s30  }
0xba: {  	s0 =	sor.u32 s3, s0;
	s1 =	sshll.u32 s1, $0x11  }
0xbb: {  	s0 =	sor.u32 s1, s0  }
0xbc: {  	s0 =	sadd.s32 $0x8F2B, s0  }
0xbd: {  	[sflag:s0] =	ssyncadd.remote.s32 $0x1  }
0xbe: {  	_ =	sfence.sel $0xFFFF  }
0xbf: {  	[dreg:$0x0] =	wrdreg $0xFFFFFFFF;
	(pc) =	sbr.abs _section_cstart, $3  }
0xc0: {  	[dreg:$0x1] =	wrdreg $0xFFFFFFFF  }
0xc1: {  	_ =	task.clear_ibuf [dreg:s6], $0x2FFFF;
	_ =	strace $0x9FFFFFFF  }
0xc2: {  	(tm) =	ssettm $0x7FFFFFFF  }
0xc3: {  	_ =	shalt  }
tec
execute0_lowered:
.L_overlay_start_1:
0x0: {  	(tag) =	ssettag $0x1  }
0x1: {  	s0 =	rddreg [dreg:$0x0]  }
0x2: {  	s1 =	srdreg.scid;
	s9 =	stileid.u32  }
0x3: {  	s2 =	rddreg [dreg:$0x1];
	s3 =	simm.s32 $0x0;
	s10 =	simm.s32 $0x7  }
0x4: {  	s11 =	simm.s32 $0x5A0;
	s12 =	simm.s32 $0x78;
	s18 =	simm.s32 $0xF0  }
0x5: {  	s19 =	simm.s32 $0x168;
	s20 =	simm.s32 $0x618;
	s21 =	simm.s32 $0x1E0  }
0x6: {  	s22 =	simm.s32 $0x690;
	s23 =	simm.s32 $0x258;
	s24 =	simm.s32 $0x708  }
0x7: {  	s25 =	simm.s32 $0x2D0;
	s26 =	simm.s32 $0x780;
	[smem:$0x7FF] =	sst s3  }
0x8: {  	s28 =	simm.s32 $0x8E8;
	_ =	strace $0x8000004A;
	[dreg:$0x5] =	wrdreg s18  }
0x9: {  	s29 =	simm.s32 $0x4B0;
	s30 =	simm.s32 $0x960;
	[dreg:$0x6] =	wrdreg s19  }
0xa: {  	s31 =	simm.s32 $0x528;
	s1 =	sand.u32 $0x1, s1;
	[dreg:$0x7] =	wrdreg s20  }
0xb: {  	s5 =	smul.u32 $0x13C00, s9;
	s4 =	sadd.s32 $0x65000, s0;
	[dreg:$0x8] =	wrdreg s21  }
0xc: {  	s8 =	smul.u32 $0x4EC, s9;
	s15 =	sshll.u32 s9, $0x6;
	[dreg:$0x9] =	wrdreg s22  }
0xd: {  	s9 =	simm.s32 $0x0;
	s6 =	smul.u32 $0x13C000, s1;
	[dreg:$0xa] =	wrdreg s23  }
0xe: {  	s7 =	smul.u32 $0x4EC0, s1;
	s1 =	ssub.s32 $0x2, s1;
	[dreg:$0xb] =	wrdreg s24  }
0xf: {  	s18 =	simm.s32 $0x2;
	s19 =	simm.s32 $0x5;
	[dreg:$0xc] =	wrdreg s25  }
0x10: {  	s20 =	simm.s32 $0x3;
	s21 =	simm.s32 $0x6;
	[dreg:$0xd] =	wrdreg s26  }
0x11: {  	s22 =	simm.s32 $0x348;
	s23 =	simm.s32 $0x7F8;
	s24 =	simm.s32 $0x3C0  }
0x12: {  	s25 =	simm.s32 $0x870;
	s26 =	simm.s32 $0x438;
	s13 =	sshrl.u32 s1, $0x1  }
0x13: {  	s14 =	sadd.s32 s5, s2;
	s6 =	sadd.s32 s5, s6;
	s7 =	sadd.s32 s7, s0  }
0x14: {  	s1 =	ssub.s32 s1, s13;
	s5 =	sshrl.u32 s5, $0x3;
	s13 =	simm.s32 $0xB40  }
0x15: {  	s6 =	sshrl.u32 s6, $0x3;
	s5 =	sadd.s32 s4, s5;
	s7 =	sadd.s32 s8, s7  }
0x16: {  	s8 =	sor.u32 $0x1C07, s15;
	s1 =	smax.u32 s1, $0x1;
	[dreg:$0xe] =	wrdreg s5  }
0x17: {  	s15 =	simm.s32 $0x8340;
	s0 =	sadd.s32 s6, s0;
	[dreg:$0x11] =	wrdreg s1  }
0x18: {  	s16 =	sadd.s32 $0x2400, s7;
	s17 =	sadd.s32 $0xC200, s7;
	[dreg:$0xf] =	wrdreg s8  }
0x19: {  	s7 =	sshrl.u32 s14, $0x3;
	s14 =	simm.s32 $0x4740;
	[dreg:$0x3] =	wrdreg s16  }
0x1a: {  	s1 =	simm.s32 $0x9D8;
	s5 =	simm.s32 $0xAC8;
	[dreg:$0x4] =	wrdreg s17  }
0x1b: {  	s0 =	sadd.s32 $0x8C800, s0;
	s16 =	simm.s32 $0x1;
	[dreg:$0x12] =	wrdreg s7  }
0x1c: {  	s17 =	simm.s32 $0x4;
	[dreg:$0x10] =	wrdreg s0;
	s0 =	simm.s32 $0xA50  }
.LBB2_1:
0x1d: {  	[dreg:$0x13] =	wrdreg s9  }
0x1e: {  	s6 =	rddreg [dreg:$0xe]  }
0x1f: {  	[spmem:s7], [sflag:s8] =	dma.local [hbm:s6], $0x2780  }
0x20: {  	_ =	swait.ge [sflag:s10], $0x2780  }
0x21: {  	[sflag:s10] =	ssyncset.done $0x0  }
0x22: {  	[sflag:s10] =	ssyncadd.s32 $0xFFFFD880  }
0x23: {  	[bflag:$0x0] =	sbarrier.arrive $0xFFFF  }
0x24: {  	s8 =	rddreg [dreg:$0x3]  }
0x25: {  	s6 =	sadd.s32 $0x0, s8  }
0x26: {  	[tilespmem:s3], [sflag:$0x7] =	stream.linear.gather [hbm4b:s6+s3], $0x5A0, $0x38;
	[tilespmem:$0x1FB40] =	vst v63  }
0x27: {  	_ =	swait.ge [sflag:s10], $0x5A0  }
0x28: {  	s9 =	rddreg [dreg:$0x4];
	[sflag:s10] =	ssyncset.done $0x0  }
0x29: {  	[sflag:s10] =	ssyncadd.s32 $0xFFFFFA60;
	s6 =	sadd.s32 $0x0, s9  }
0x2a: {  	[tilespmem:s11], [sflag:$0x7] =	stream.linear.gather [hbm4b:s6+s3], $0x5A0, $0x38;
	[tilespmem:$0x1FB40] =	vst v63  }
0x2b: {  	_ =	swait.ge [sflag:s10], $0x5A0  }
0x2c: {  	[sflag:s10] =	ssyncset.done $0x0  }
0x2d: {  	[sflag:s10] =	ssyncadd.s32 $0xFFFFFA60  }
0x2e: {  	[tilespmem:s13], [sflag:$0x1] =	stream.indirect.gather [hbm4b:s4+s12], $0x80, s3, s12, $0xb8;
	[tilespmem:$0x1FB40] =	vst v63  }
0x2f: {  	_ = 	snop  }
0x30: {  	[tilespmem:s14], [sflag:$0x2] =	stream.indirect.gather [hbm4b:s4+s12], $0x80, s12, s12, $0xb8;
	[tilespmem:$0x1FB40] =	vst v63  }
0x31: {  	s7 =	rddreg [dreg:$0x5]  }
0x32: {  	[tilespmem:s15], [sflag:$0x3] =	stream.indirect.gather [hbm4b:s4+s12], $0x80, s7, s12, $0xb8;
	[tilespmem:$0x1FB40] =	vst v63  }
0x33: {  	_ =	swait.ge [sflag:s16], $0x3C00  }
0x34: {  	[sflag:s16] =	ssyncset.done $0x0  }
0x35: {  	[sflag:s16] =	ssyncadd.s32 $0xFFFFC400  }
0x36: {  	[spmem:s2] =	stream.indirect.scatter.add.f32 [tilespmem:s13], [sflag:$0x4], $0x80, s11, s12, $0xb8;
	[tilespmem:$0x1FB40] =	vst v63  }
0x37: {  	_ =	swait.ge [sflag:s17], $0x3C00  }
0x38: {  	[sflag:s17] =	ssyncset.done $0x0  }
0x39: {  	s8 =	rddreg [dreg:$0x6];
	[sflag:s17] =	ssyncadd.s32 $0xFFFFC400  }
0x3a: {  	[tilespmem:s13], [sflag:$0x1] =	stream.indirect.gather [hbm4b:s4+s12], $0x80, s8, s12, $0xb8;
	[tilespmem:$0x1FB40] =	vst v63  }
0x3b: {  	_ =	swait.ge [sflag:s18], $0x3C00  }
0x3c: {  	[sflag:s18] =	ssyncset.done $0x0  }
0x3d: {  	s9 =	rddreg [dreg:$0x7];
	[sflag:s18] =	ssyncadd.s32 $0xFFFFC400  }
0x3e: {  	[spmem:s2] =	stream.indirect.scatter.add.f32 [tilespmem:s14], [sflag:$0x5], $0x80, s9, s12, $0xb8;
	[tilespmem:$0x1FB40] =	vst v63  }
0x3f: {  	_ =	swait.ge [sflag:s19], $0x3C00  }
0x40: {  	[sflag:s19] =	ssyncset.done $0x0  }
0x41: {  	s7 =	rddreg [dreg:$0x8];
	[sflag:s19] =	ssyncadd.s32 $0xFFFFC400  }
0x42: {  	[tilespmem:s14], [sflag:$0x2] =	stream.indirect.gather [hbm4b:s4+s12], $0x80, s7, s12, $0xb8;
	[tilespmem:$0x1FB40] =	vst v63  }
0x43: {  	_ =	swait.ge [sflag:s20], $0x3C00  }
0x44: {  	[sflag:s20] =	ssyncset.done $0x0  }
0x45: {  	s8 =	rddreg [dreg:$0x9];
	[sflag:s20] =	ssyncadd.s32 $0xFFFFC400  }
0x46: {  	[spmem:s2] =	stream.indirect.scatter.add.f32 [tilespmem:s15], [sflag:$0x6], $0x80, s8, s12, $0xb8;
	[tilespmem:$0x1FB40] =	vst v63  }
0x47: {  	_ =	swait.ge [sflag:s21], $0x3C00  }
0x48: {  	[sflag:s21] =	ssyncset.done $0x0  }
0x49: {  	s9 =	rddreg [dreg:$0xa];
	[sflag:s21] =	ssyncadd.s32 $0xFFFFC400  }
0x4a: {  	[tilespmem:s15], [sflag:$0x3] =	stream.indirect.gather [hbm4b:s4+s12], $0x80, s9, s12, $0xb8;
	[tilespmem:$0x1FB40] =	vst v63  }
0x4b: {  	_ =	swait.ge [sflag:s16], $0x3C00  }
0x4c: {  	[sflag:s16] =	ssyncset.done $0x0  }
0x4d: {  	s7 =	rddreg [dreg:$0xb];
	[sflag:s16] =	ssyncadd.s32 $0xFFFFC400  }
0x4e: {  	[spmem:s2] =	stream.indirect.scatter.add.f32 [tilespmem:s13], [sflag:$0x4], $0x80, s7, s12, $0xb8;
	[tilespmem:$0x1FB40] =	vst v63  }
0x4f: {  	_ =	swait.ge [sflag:s17], $0x3C00  }
0x50: {  	[sflag:s17] =	ssyncset.done $0x0  }
0x51: {  	s8 =	rddreg [dreg:$0xc];
	[sflag:s17] =	ssyncadd.s32 $0xFFFFC400  }
0x52: {  	[tilespmem:s13], [sflag:$0x1] =	stream.indirect.gather [hbm4b:s4+s12], $0x80, s8, s12, $0xb8;
	[tilespmem:$0x1FB40] =	vst v63  }
0x53: {  	_ =	swait.ge [sflag:s18], $0x3C00  }
0x54: {  	[sflag:s18] =	ssyncset.done $0x0  }
0x55: {  	s9 =	rddreg [dreg:$0xd];
	[sflag:s18] =	ssyncadd.s32 $0xFFFFC400  }
0x56: {  	[spmem:s2] =	stream.indirect.scatter.add.f32 [tilespmem:s14], [sflag:$0x5], $0x80, s9, s12, $0xb8;
	[tilespmem:$0x1FB40] =	vst v63  }
0x57: {  	_ =	swait.ge [sflag:s19], $0x3C00  }
0x58: {  	[sflag:s19] =	ssyncset.done $0x0  }
0x59: {  	[sflag:s19] =	ssyncadd.s32 $0xFFFFC400  }
0x5a: {  	[tilespmem:s14], [sflag:$0x2] =	stream.indirect.gather [hbm4b:s4+s12], $0x80, s22, s12, $0xb8;
	[tilespmem:$0x1FB40] =	vst v63  }
0x5b: {  	_ =	swait.ge [sflag:s20], $0x3C00  }
0x5c: {  	[sflag:s20] =	ssyncset.done $0x0  }
0x5d: {  	[sflag:s20] =	ssyncadd.s32 $0xFFFFC400  }
0x5e: {  	[spmem:s2] =	stream.indirect.scatter.add.f32 [tilespmem:s15], [sflag:$0x6], $0x80, s23, s12, $0xb8;
	[tilespmem:$0x1FB40] =	vst v63  }
0x5f: {  	_ =	swait.ge [sflag:s21], $0x3C00  }
0x60: {  	[sflag:s21] =	ssyncset.done $0x0  }
0x61: {  	[sflag:s21] =	ssyncadd.s32 $0xFFFFC400  }
0x62: {  	[tilespmem:s15], [sflag:$0x3] =	stream.indirect.gather [hbm4b:s4+s12], $0x80, s24, s12, $0xb8;
	[tilespmem:$0x1FB40] =	vst v63  }
0x63: {  	_ =	swait.ge [sflag:s16], $0x3C00  }
0x64: {  	[sflag:s16] =	ssyncset.done $0x0  }
0x65: {  	[sflag:s16] =	ssyncadd.s32 $0xFFFFC400  }
0x66: {  	[spmem:s2] =	stream.indirect.scatter.add.f32 [tilespmem:s13], [sflag:$0x4], $0x80, s25, s12, $0xb8;
	[tilespmem:$0x1FB40] =	vst v63  }
0x67: {  	_ =	swait.ge [sflag:s17], $0x3C00  }
0x68: {  	[sflag:s17] =	ssyncset.done $0x0  }
0x69: {  	[sflag:s17] =	ssyncadd.s32 $0xFFFFC400  }
0x6a: {  	[tilespmem:s13], [sflag:$0x1] =	stream.indirect.gather [hbm4b:s4+s12], $0x80, s26, s12, $0xb8;
	[tilespmem:$0x1FB40] =	vst v63  }
0x6b: {  	_ =	swait.ge [sflag:s18], $0x3C00  }
0x6c: {  	[sflag:s18] =	ssyncset.done $0x0  }
0x6d: {  	[sflag:s18] =	ssyncadd.s32 $0xFFFFC400  }
0x6e: {  	[spmem:s2] =	stream.indirect.scatter.add.f32 [tilespmem:s14], [sflag:$0x5], $0x80, s28, s12, $0xb8;
	[tilespmem:$0x1FB40] =	vst v63  }
0x6f: {  	_ =	swait.ge [sflag:s19], $0x3C00  }
0x70: {  	[sflag:s19] =	ssyncset.done $0x0  }
0x71: {  	[sflag:s19] =	ssyncadd.s32 $0xFFFFC400  }
0x72: {  	[tilespmem:s14], [sflag:$0x2] =	stream.indirect.gather [hbm4b:s4+s12], $0x80, s29, s12, $0xb8;
	[tilespmem:$0x1FB40] =	vst v63  }
0x73: {  	_ =	swait.ge [sflag:s20], $0x3C00  }
0x74: {  	[sflag:s20] =	ssyncset.done $0x0  }
0x75: {  	[sflag:s20] =	ssyncadd.s32 $0xFFFFC400  }
0x76: {  	[spmem:s2] =	stream.indirect.scatter.add.f32 [tilespmem:s15], [sflag:$0x6], $0x80, s30, s12, $0xb8;
	[tilespmem:$0x1FB40] =	vst v63  }
0x77: {  	_ =	swait.ge [sflag:s21], $0x3C00  }
0x78: {  	[sflag:s21] =	ssyncset.done $0x0  }
0x79: {  	[sflag:s21] =	ssyncadd.s32 $0xFFFFC400  }
0x7a: {  	[tilespmem:s15], [sflag:$0x3] =	stream.indirect.gather [hbm4b:s4+s12], $0x80, s31, s12, $0xb8;
	[tilespmem:$0x1FB40] =	vst v63  }
0x7b: {  	_ =	swait.ge [sflag:s16], $0x3C00  }
0x7c: {  	[sflag:s16] =	ssyncset.done $0x0  }
0x7d: {  	[sflag:s16] =	ssyncadd.s32 $0xFFFFC400  }
0x7e: {  	[spmem:s2] =	stream.indirect.scatter.add.f32 [tilespmem:s13], [sflag:$0x4], $0x80, s1, s12, $0xb8;
	[tilespmem:$0x1FB40] =	vst v63  }
0x7f: {  	_ =	swait.ge [sflag:s18], $0x3C00  }
0x80: {  	[sflag:s18] =	ssyncset.done $0x0  }
0x81: {  	[sflag:s18] =	ssyncadd.s32 $0xFFFFC400  }
0x82: {  	[spmem:s2] =	stream.indirect.scatter.add.f32 [tilespmem:s14], [sflag:$0x5], $0x80, s0, s12, $0xb8;
	[tilespmem:$0x1FB40] =	vst v63  }
0x83: {  	_ =	swait.ge [sflag:s20], $0x3C00  }
0x84: {  	[sflag:s20] =	ssyncset.done $0x0  }
0x85: {  	[sflag:s20] =	ssyncadd.s32 $0xFFFFC400  }
0x86: {  	[spmem:s2] =	stream.indirect.scatter.add.f32 [tilespmem:s15], [sflag:$0x6], $0x80, s5, s12, $0xb8;
	[tilespmem:$0x1FB40] =	vst v63  }
0x87: {  	_ =	swait.ge [sflag:s17], $0x3C00  }
0x88: {  	[sflag:s17] =	ssyncset.done $0x0  }
0x89: {  	[sflag:s17] =	ssyncadd.s32 $0xFFFFC400  }
0x8a: {  	_ =	swait.ge [sflag:s19], $0x3C00  }
0x8b: {  	[sflag:s19] =	ssyncset.done $0x0  }
0x8c: {  	[sflag:s19] =	ssyncadd.s32 $0xFFFFC400  }
0x8d: {  	s6 =	simm.s32 $0x168;
	_ =	swait.ge [sflag:s21], $0x3C00  }
0x8e: {  	s8 =	simm.s32 $0xB4;
	s9 =	rddreg [dreg:$0x3];
	[sflag:s21] =	ssyncset.done $0x0  }
.LBB2_2:
0x8f: {  	[sflag:s21] =	ssyncadd.s32 $0xFFFFC400;
	s9 =	sadd.s32 s8, s9  }
0x90: {  	[tilespmem:s3], [sflag:$0x7] =	stream.linear.gather [hbm4b:s9+s3], $0x5A0, $0x38;
	[tilespmem:$0x1FB40] =	vst v63  }
0x91: {  	_ =	swait.ge [sflag:s10], $0x5A0  }
0x92: {  	s9 =	rddreg [dreg:$0x4];
	[sflag:s10] =	ssyncset.done $0x0  }
0x93: {  	[sflag:s10] =	ssyncadd.s32 $0xFFFFFA60;
	s9 =	sadd.s32 s8, s9  }
0x94: {  	[tilespmem:s11], [sflag:$0x7] =	stream.linear.gather [hbm4b:s9+s3], $0x5A0, $0x38;
	[tilespmem:$0x1FB40] =	vst v63  }
0x95: {  	_ =	swait.ge [sflag:s10], $0x5A0  }
0x96: {  	[sflag:s10] =	ssyncset.done $0x0  }
0x97: {  	[sflag:s10] =	ssyncadd.s32 $0xFFFFFA60  }
0x98: {  	[tilespmem:s13], [sflag:$0x1] =	stream.indirect.gather [hbm4b:s4+s12], $0x80, s3, s12, $0xb8;
	[tilespmem:$0x1FB40] =	vst v63  }
0x99: {  	_ = 	snop  }
0x9a: {  	[tilespmem:s14], [sflag:$0x2] =	stream.indirect.gather [hbm4b:s4+s12], $0x80, s12, s12, $0xb8;
	[tilespmem:$0x1FB40] =	vst v63  }
0x9b: {  	s9 =	rddreg [dreg:$0x5]  }
0x9c: {  	[tilespmem:s15], [sflag:$0x3] =	stream.indirect.gather [hbm4b:s4+s12], $0x80, s9, s12, $0xb8;
	[tilespmem:$0x1FB40] =	vst v63  }
0x9d: {  	_ =	swait.ge [sflag:s16], $0x3C00  }
0x9e: {  	[sflag:s16] =	ssyncset.done $0x0  }
0x9f: {  	[sflag:s16] =	ssyncadd.s32 $0xFFFFC400  }
0xa0: {  	[spmem:s2] =	stream.indirect.scatter.add.f32 [tilespmem:s13], [sflag:$0x4], $0x80, s11, s12, $0xb8;
	[tilespmem:$0x1FB40] =	vst v63  }
0xa1: {  	_ =	swait.ge [sflag:s17], $0x3C00  }
0xa2: {  	[sflag:s17] =	ssyncset.done $0x0  }
0xa3: {  	s9 =	rddreg [dreg:$0x6];
	[sflag:s17] =	ssyncadd.s32 $0xFFFFC400  }
0xa4: {  	[tilespmem:s13], [sflag:$0x1] =	stream.indirect.gather [hbm4b:s4+s12], $0x80, s9, s12, $0xb8;
	[tilespmem:$0x1FB40] =	vst v63  }
0xa5: {  	_ =	swait.ge [sflag:s18], $0x3C00  }
0xa6: {  	[sflag:s18] =	ssyncset.done $0x0  }
0xa7: {  	s9 =	rddreg [dreg:$0x7];
	[sflag:s18] =	ssyncadd.s32 $0xFFFFC400  }
0xa8: {  	[spmem:s2] =	stream.indirect.scatter.add.f32 [tilespmem:s14], [sflag:$0x5], $0x80, s9, s12, $0xb8;
	[tilespmem:$0x1FB40] =	vst v63  }
0xa9: {  	_ =	swait.ge [sflag:s19], $0x3C00  }
0xaa: {  	[sflag:s19] =	ssyncset.done $0x0  }
0xab: {  	s9 =	rddreg [dreg:$0x8];
	[sflag:s19] =	ssyncadd.s32 $0xFFFFC400  }
0xac: {  	[tilespmem:s14], [sflag:$0x2] =	stream.indirect.gather [hbm4b:s4+s12], $0x80, s9, s12, $0xb8;
	[tilespmem:$0x1FB40] =	vst v63  }
0xad: {  	_ =	swait.ge [sflag:s20], $0x3C00  }
0xae: {  	[sflag:s20] =	ssyncset.done $0x0  }
0xaf: {  	s9 =	rddreg [dreg:$0x9];
	[sflag:s20] =	ssyncadd.s32 $0xFFFFC400  }
0xb0: {  	[spmem:s2] =	stream.indirect.scatter.add.f32 [tilespmem:s15], [sflag:$0x6], $0x80, s9, s12, $0xb8;
	[tilespmem:$0x1FB40] =	vst v63  }
0xb1: {  	_ =	swait.ge [sflag:s21], $0x3C00  }
0xb2: {  	[sflag:s21] =	ssyncset.done $0x0  }
0xb3: {  	s9 =	rddreg [dreg:$0xa];
	[sflag:s21] =	ssyncadd.s32 $0xFFFFC400  }
0xb4: {  	[tilespmem:s15], [sflag:$0x3] =	stream.indirect.gather [hbm4b:s4+s12], $0x80, s9, s12, $0xb8;
	[tilespmem:$0x1FB40] =	vst v63  }
0xb5: {  	_ =	swait.ge [sflag:s16], $0x3C00  }
0xb6: {  	[sflag:s16] =	ssyncset.done $0x0  }
0xb7: {  	s9 =	rddreg [dreg:$0xb];
	[sflag:s16] =	ssyncadd.s32 $0xFFFFC400  }
0xb8: {  	[spmem:s2] =	stream.indirect.scatter.add.f32 [tilespmem:s13], [sflag:$0x4], $0x80, s9, s12, $0xb8;
	[tilespmem:$0x1FB40] =	vst v63  }
0xb9: {  	_ =	swait.ge [sflag:s17], $0x3C00  }
0xba: {  	[sflag:s17] =	ssyncset.done $0x0  }
0xbb: {  	s9 =	rddreg [dreg:$0xc];
	[sflag:s17] =	ssyncadd.s32 $0xFFFFC400  }
0xbc: {  	[tilespmem:s13], [sflag:$0x1] =	stream.indirect.gather [hbm4b:s4+s12], $0x80, s9, s12, $0xb8;
	[tilespmem:$0x1FB40] =	vst v63  }
0xbd: {  	_ =	swait.ge [sflag:s18], $0x3C00  }
0xbe: {  	[sflag:s18] =	ssyncset.done $0x0  }
0xbf: {  	s9 =	rddreg [dreg:$0xd];
	[sflag:s18] =	ssyncadd.s32 $0xFFFFC400  }
0xc0: {  	[spmem:s2] =	stream.indirect.scatter.add.f32 [tilespmem:s14], [sflag:$0x5], $0x80, s9, s12, $0xb8;
	[tilespmem:$0x1FB40] =	vst v63  }
0xc1: {  	_ =	swait.ge [sflag:s19], $0x3C00  }
0xc2: {  	[sflag:s19] =	ssyncset.done $0x0  }
0xc3: {  	[sflag:s19] =	ssyncadd.s32 $0xFFFFC400  }
0xc4: {  	[tilespmem:s14], [sflag:$0x2] =	stream.indirect.gather [hbm4b:s4+s12], $0x80, s22, s12, $0xb8;
	[tilespmem:$0x1FB40] =	vst v63  }
0xc5: {  	_ =	swait.ge [sflag:s20], $0x3C00  }
0xc6: {  	[sflag:s20] =	ssyncset.done $0x0  }
0xc7: {  	[sflag:s20] =	ssyncadd.s32 $0xFFFFC400  }
0xc8: {  	[spmem:s2] =	stream.indirect.scatter.add.f32 [tilespmem:s15], [sflag:$0x6], $0x80, s23, s12, $0xb8;
	[tilespmem:$0x1FB40] =	vst v63  }
0xc9: {  	_ =	swait.ge [sflag:s21], $0x3C00  }
0xca: {  	[sflag:s21] =	ssyncset.done $0x0  }
0xcb: {  	[sflag:s21] =	ssyncadd.s32 $0xFFFFC400  }
0xcc: {  	[tilespmem:s15], [sflag:$0x3] =	stream.indirect.gather [hbm4b:s4+s12], $0x80, s24, s12, $0xb8;
	[tilespmem:$0x1FB40] =	vst v63  }
0xcd: {  	_ =	swait.ge [sflag:s16], $0x3C00  }
0xce: {  	[sflag:s16] =	ssyncset.done $0x0  }
0xcf: {  	[sflag:s16] =	ssyncadd.s32 $0xFFFFC400  }
0xd0: {  	[spmem:s2] =	stream.indirect.scatter.add.f32 [tilespmem:s13], [sflag:$0x4], $0x80, s25, s12, $0xb8;
	[tilespmem:$0x1FB40] =	vst v63  }
0xd1: {  	_ =	swait.ge [sflag:s17], $0x3C00  }
0xd2: {  	[sflag:s17] =	ssyncset.done $0x0  }
0xd3: {  	[sflag:s17] =	ssyncadd.s32 $0xFFFFC400  }
0xd4: {  	[tilespmem:s13], [sflag:$0x1] =	stream.indirect.gather [hbm4b:s4+s12], $0x80, s26, s12, $0xb8;
	[tilespmem:$0x1FB40] =	vst v63  }
0xd5: {  	_ =	swait.ge [sflag:s18], $0x3C00  }
0xd6: {  	[sflag:s18] =	ssyncset.done $0x0  }
0xd7: {  	[sflag:s18] =	ssyncadd.s32 $0xFFFFC400  }
0xd8: {  	[spmem:s2] =	stream.indirect.scatter.add.f32 [tilespmem:s14], [sflag:$0x5], $0x80, s28, s12, $0xb8;
	[tilespmem:$0x1FB40] =	vst v63  }
0xd9: {  	_ =	swait.ge [sflag:s19], $0x3C00  }
0xda: {  	[sflag:s19] =	ssyncset.done $0x0  }
0xdb: {  	[sflag:s19] =	ssyncadd.s32 $0xFFFFC400  }
0xdc: {  	[tilespmem:s14], [sflag:$0x2] =	stream.indirect.gather [hbm4b:s4+s12], $0x80, s29, s12, $0xb8;
	[tilespmem:$0x1FB40] =	vst v63  }
0xdd: {  	_ =	swait.ge [sflag:s20], $0x3C00  }
0xde: {  	[sflag:s20] =	ssyncset.done $0x0  }
0xdf: {  	[sflag:s20] =	ssyncadd.s32 $0xFFFFC400  }
0xe0: {  	[spmem:s2] =	stream.indirect.scatter.add.f32 [tilespmem:s15], [sflag:$0x6], $0x80, s30, s12, $0xb8;
	[tilespmem:$0x1FB40] =	vst v63  }
0xe1: {  	_ =	swait.ge [sflag:s21], $0x3C00  }
0xe2: {  	[sflag:s21] =	ssyncset.done $0x0  }
0xe3: {  	[sflag:s21] =	ssyncadd.s32 $0xFFFFC400  }
0xe4: {  	[tilespmem:s15], [sflag:$0x3] =	stream.indirect.gather [hbm4b:s4+s12], $0x80, s31, s12, $0xb8;
	[tilespmem:$0x1FB40] =	vst v63  }
0xe5: {  	_ =	swait.ge [sflag:s16], $0x3C00  }
0xe6: {  	[sflag:s16] =	ssyncset.done $0x0  }
0xe7: {  	[sflag:s16] =	ssyncadd.s32 $0xFFFFC400  }
0xe8: {  	[spmem:s2] =	stream.indirect.scatter.add.f32 [tilespmem:s13], [sflag:$0x4], $0x80, s1, s12, $0xb8;
	[tilespmem:$0x1FB40] =	vst v63  }
0xe9: {  	_ =	swait.ge [sflag:s18], $0x3C00  }
0xea: {  	[sflag:s18] =	ssyncset.done $0x0  }
0xeb: {  	[sflag:s18] =	ssyncadd.s32 $0xFFFFC400  }
0xec: {  	[spmem:s2] =	stream.indirect.scatter.add.f32 [tilespmem:s14], [sflag:$0x5], $0x80, s0, s12, $0xb8;
	[tilespmem:$0x1FB40] =	vst v63  }
0xed: {  	_ =	swait.ge [sflag:s20], $0x3C00  }
0xee: {  	[sflag:s20] =	ssyncset.done $0x0  }
0xef: {  	[sflag:s20] =	ssyncadd.s32 $0xFFFFC400  }
0xf0: {  	[spmem:s2] =	stream.indirect.scatter.add.f32 [tilespmem:s15], [sflag:$0x6], $0x80, s5, s12, $0xb8;
	[tilespmem:$0x1FB40] =	vst v63  }
0xf1: {  	_ =	swait.ge [sflag:s17], $0x3C00  }
0xf2: {  	[sflag:s17] =	ssyncset.done $0x0  }
0xf3: {  	p0 =	sne.s32 s6, $0x438;
	[sflag:s17] =	ssyncadd.s32 $0xFFFFC400  }
.Ltmp0:
0xf4: {  	_ =	swait.ge [sflag:s19], $0x3C00;
	(pc) =	sbr.rel @p0 .LBB2_2-.Ltmp0, $4  }
0xf5: {  	[sflag:s19] =	ssyncset.done $0x0  }
0xf6: {  	[sflag:s19] =	ssyncadd.s32 $0xFFFFC400  }
0xf7: {  	s7 =	smov.u32 s6;
	s6 =	sadd.s32 $0xB4, s6;
	_ =	swait.ge [sflag:s21], $0x3C00  }
0xf8: {  	s8 =	smov.u32 s7;
	s9 =	rddreg [dreg:$0x3];
	[sflag:s21] =	ssyncset.done $0x0  }
0xf9: {  	[sflag:s21] =	ssyncadd.s32 $0xFFFFC400;
	s6 =	sadd.s32 s8, s9  }
0xfa: {  	[tilespmem:s3], [sflag:$0x7] =	stream.linear.gather [hbm4b:s6+s3], $0x5A0, $0x38;
	[tilespmem:$0x1FB40] =	vst v63  }
0xfb: {  	_ =	swait.ge [sflag:s10], $0x5A0  }
0xfc: {  	s7 =	rddreg [dreg:$0x4];
	[sflag:s10] =	ssyncset.done $0x0  }
0xfd: {  	s6 =	sadd.s32 s8, s7;
	[sflag:s10] =	ssyncadd.s32 $0xFFFFFA60  }
0xfe: {  	[tilespmem:s11], [sflag:$0x7] =	stream.linear.gather [hbm4b:s6+s3], $0x5A0, $0x38;
	[tilespmem:$0x1FB40] =	vst v63  }
0xff: {  	_ =	swait.ge [sflag:s10], $0x5A0  }
0x100: {  	[sflag:s10] =	ssyncset.done $0x0  }
0x101: {  	[sflag:s10] =	ssyncadd.s32 $0xFFFFFA60  }
0x102: {  	[tilespmem:s13], [sflag:$0x1] =	stream.indirect.gather [hbm4b:s4+s12], $0x80, s3, s12, $0xb8;
	[tilespmem:$0x1FB40] =	vst v63  }
0x103: {  	_ = 	snop  }
0x104: {  	[tilespmem:s14], [sflag:$0x2] =	stream.indirect.gather [hbm4b:s4+s12], $0x80, s12, s12, $0xb8;
	[tilespmem:$0x1FB40] =	vst v63  }
0x105: {  	s9 =	rddreg [dreg:$0x5]  }
0x106: {  	[tilespmem:s15], [sflag:$0x3] =	stream.indirect.gather [hbm4b:s4+s12], $0x80, s9, s12, $0xb8;
	[tilespmem:$0x1FB40] =	vst v63  }
0x107: {  	_ =	swait.ge [sflag:s16], $0x3C00  }
0x108: {  	[sflag:s16] =	ssyncset.done $0x0  }
0x109: {  	[sflag:s16] =	ssyncadd.s32 $0xFFFFC400  }
0x10a: {  	[spmem:s2] =	stream.indirect.scatter.add.f32 [tilespmem:s13], [sflag:$0x4], $0x80, s11, s12, $0xb8;
	[tilespmem:$0x1FB40] =	vst v63  }
0x10b: {  	_ =	swait.ge [sflag:s17], $0x3C00  }
0x10c: {  	[sflag:s17] =	ssyncset.done $0x0  }
0x10d: {  	s7 =	rddreg [dreg:$0x6];
	[sflag:s17] =	ssyncadd.s32 $0xFFFFC400  }
0x10e: {  	[tilespmem:s13], [sflag:$0x1] =	stream.indirect.gather [hbm4b:s4+s12], $0x80, s7, s12, $0xb8;
	[tilespmem:$0x1FB40] =	vst v63  }
0x10f: {  	_ =	swait.ge [sflag:s18], $0x3C00  }
0x110: {  	[sflag:s18] =	ssyncset.done $0x0  }
0x111: {  	s8 =	rddreg [dreg:$0x7];
	[sflag:s18] =	ssyncadd.s32 $0xFFFFC400  }
0x112: {  	[spmem:s2] =	stream.indirect.scatter.add.f32 [tilespmem:s14], [sflag:$0x5], $0x80, s8, s12, $0xb8;
	[tilespmem:$0x1FB40] =	vst v63  }
0x113: {  	_ =	swait.ge [sflag:s19], $0x3C00  }
0x114: {  	[sflag:s19] =	ssyncset.done $0x0  }
0x115: {  	s9 =	rddreg [dreg:$0x8];
	[sflag:s19] =	ssyncadd.s32 $0xFFFFC400  }
0x116: {  	[tilespmem:s14], [sflag:$0x2] =	stream.indirect.gather [hbm4b:s4+s12], $0x80, s9, s12, $0xb8;
	[tilespmem:$0x1FB40] =	vst v63  }
0x117: {  	_ =	swait.ge [sflag:s20], $0x3C00  }
0x118: {  	[sflag:s20] =	ssyncset.done $0x0  }
0x119: {  	s7 =	rddreg [dreg:$0x9];
	[sflag:s20] =	ssyncadd.s32 $0xFFFFC400  }
0x11a: {  	[spmem:s2] =	stream.indirect.scatter.add.f32 [tilespmem:s15], [sflag:$0x6], $0x80, s7, s12, $0xb8;
	[tilespmem:$0x1FB40] =	vst v63  }
0x11b: {  	_ =	swait.ge [sflag:s21], $0x3C00  }
0x11c: {  	[sflag:s21] =	ssyncset.done $0x0  }
0x11d: {  	s8 =	rddreg [dreg:$0xa];
	[sflag:s21] =	ssyncadd.s32 $0xFFFFC400  }
0x11e: {  	[tilespmem:s15], [sflag:$0x3] =	stream.indirect.gather [hbm4b:s4+s12], $0x80, s8, s12, $0xb8;
	[tilespmem:$0x1FB40] =	vst v63  }
0x11f: {  	_ =	swait.ge [sflag:s16], $0x3C00  }
0x120: {  	[sflag:s16] =	ssyncset.done $0x0  }
0x121: {  	s9 =	rddreg [dreg:$0xb];
	[sflag:s16] =	ssyncadd.s32 $0xFFFFC400  }
0x122: {  	[spmem:s2] =	stream.indirect.scatter.add.f32 [tilespmem:s13], [sflag:$0x4], $0x80, s9, s12, $0xb8;
	[tilespmem:$0x1FB40] =	vst v63  }
0x123: {  	_ =	swait.ge [sflag:s17], $0x3C00  }
0x124: {  	[sflag:s17] =	ssyncset.done $0x0  }
0x125: {  	s7 =	rddreg [dreg:$0xc];
	[sflag:s17] =	ssyncadd.s32 $0xFFFFC400  }
0x126: {  	[tilespmem:s13], [sflag:$0x1] =	stream.indirect.gather [hbm4b:s4+s12], $0x80, s7, s12, $0xb8;
	[tilespmem:$0x1FB40] =	vst v63  }
0x127: {  	_ =	swait.ge [sflag:s18], $0x3C00  }
0x128: {  	[sflag:s18] =	ssyncset.done $0x0  }
0x129: {  	s8 =	rddreg [dreg:$0xd];
	[sflag:s18] =	ssyncadd.s32 $0xFFFFC400  }
0x12a: {  	[spmem:s2] =	stream.indirect.scatter.add.f32 [tilespmem:s14], [sflag:$0x5], $0x80, s8, s12, $0xb8;
	[tilespmem:$0x1FB40] =	vst v63  }
0x12b: {  	_ =	swait.ge [sflag:s19], $0x3C00  }
0x12c: {  	[sflag:s19] =	ssyncset.done $0x0  }
0x12d: {  	[sflag:s19] =	ssyncadd.s32 $0xFFFFC400  }
0x12e: {  	[tilespmem:s14], [sflag:$0x2] =	stream.indirect.gather [hbm4b:s4+s12], $0x80, s22, s12, $0xb8;
	[tilespmem:$0x1FB40] =	vst v63  }
0x12f: {  	_ =	swait.ge [sflag:s20], $0x3C00  }
0x130: {  	[sflag:s20] =	ssyncset.done $0x0  }
0x131: {  	[sflag:s20] =	ssyncadd.s32 $0xFFFFC400  }
0x132: {  	[spmem:s2] =	stream.indirect.scatter.add.f32 [tilespmem:s15], [sflag:$0x6], $0x80, s23, s12, $0xb8;
	[tilespmem:$0x1FB40] =	vst v63  }
0x133: {  	_ =	swait.ge [sflag:s21], $0x3C00  }
0x134: {  	[sflag:s21] =	ssyncset.done $0x0  }
0x135: {  	[sflag:s21] =	ssyncadd.s32 $0xFFFFC400  }
0x136: {  	[tilespmem:s15], [sflag:$0x3] =	stream.indirect.gather [hbm4b:s4+s12], $0x80, s24, s12, $0xb8;
	[tilespmem:$0x1FB40] =	vst v63  }
0x137: {  	_ =	swait.ge [sflag:s16], $0x3C00  }
0x138: {  	[sflag:s16] =	ssyncset.done $0x0  }
0x139: {  	[sflag:s16] =	ssyncadd.s32 $0xFFFFC400  }
0x13a: {  	[spmem:s2] =	stream.indirect.scatter.add.f32 [tilespmem:s13], [sflag:$0x4], $0x80, s25, s12, $0xb8;
	[tilespmem:$0x1FB40] =	vst v63  }
0x13b: {  	_ =	swait.ge [sflag:s17], $0x3C00  }
0x13c: {  	[sflag:s17] =	ssyncset.done $0x0  }
0x13d: {  	[sflag:s17] =	ssyncadd.s32 $0xFFFFC400  }
0x13e: {  	[tilespmem:s13], [sflag:$0x1] =	stream.indirect.gather [hbm4b:s4+s12], $0x80, s26, s12, $0xb8;
	[tilespmem:$0x1FB40] =	vst v63  }
0x13f: {  	_ =	swait.ge [sflag:s18], $0x3C00  }
0x140: {  	[sflag:s18] =	ssyncset.done $0x0  }
0x141: {  	[sflag:s18] =	ssyncadd.s32 $0xFFFFC400  }
0x142: {  	[spmem:s2] =	stream.indirect.scatter.add.f32 [tilespmem:s14], [sflag:$0x5], $0x80, s28, s12, $0xb8;
	[tilespmem:$0x1FB40] =	vst v63  }
0x143: {  	_ =	swait.ge [sflag:s19], $0x3C00  }
0x144: {  	[sflag:s19] =	ssyncset.done $0x0  }
0x145: {  	[sflag:s19] =	ssyncadd.s32 $0xFFFFC400  }
0x146: {  	[tilespmem:s14], [sflag:$0x2] =	stream.indirect.gather [hbm4b:s4+s12], $0x80, s29, s12, $0xb8;
	[tilespmem:$0x1FB40] =	vst v63  }
0x147: {  	_ =	swait.ge [sflag:s20], $0x3C00  }
0x148: {  	[sflag:s20] =	ssyncset.done $0x0  }
0x149: {  	[sflag:s20] =	ssyncadd.s32 $0xFFFFC400  }
0x14a: {  	[spmem:s2] =	stream.indirect.scatter.add.f32 [tilespmem:s15], [sflag:$0x6], $0x80, s30, s12, $0xb8;
	[tilespmem:$0x1FB40] =	vst v63  }
0x14b: {  	_ =	swait.ge [sflag:s21], $0x3C00  }
0x14c: {  	[sflag:s21] =	ssyncset.done $0x0  }
0x14d: {  	[sflag:s21] =	ssyncadd.s32 $0xFFFFC400  }
0x14e: {  	[tilespmem:s15], [sflag:$0x3] =	stream.indirect.gather [hbm4b:s4+s12], $0x80, s31, s12, $0xb8;
	[tilespmem:$0x1FB40] =	vst v63  }
0x14f: {  	_ =	swait.ge [sflag:s16], $0x3C00  }
0x150: {  	[sflag:s16] =	ssyncset.done $0x0  }
0x151: {  	[sflag:s16] =	ssyncadd.s32 $0xFFFFC400  }
0x152: {  	[spmem:s2] =	stream.indirect.scatter.add.f32 [tilespmem:s13], [sflag:$0x4], $0x80, s1, s12, $0xb8;
	[tilespmem:$0x1FB40] =	vst v63  }
0x153: {  	_ =	swait.ge [sflag:s18], $0x3C00  }
0x154: {  	[sflag:s18] =	ssyncset.done $0x0  }
0x155: {  	[sflag:s18] =	ssyncadd.s32 $0xFFFFC400  }
0x156: {  	[spmem:s2] =	stream.indirect.scatter.add.f32 [tilespmem:s14], [sflag:$0x5], $0x80, s0, s12, $0xb8;
	[tilespmem:$0x1FB40] =	vst v63  }
0x157: {  	_ =	swait.ge [sflag:s20], $0x3C00  }
0x158: {  	[sflag:s20] =	ssyncset.done $0x0  }
0x159: {  	[sflag:s20] =	ssyncadd.s32 $0xFFFFC400  }
0x15a: {  	[spmem:s2] =	stream.indirect.scatter.add.f32 [tilespmem:s15], [sflag:$0x6], $0x80, s5, s12, $0xb8;
	[tilespmem:$0x1FB40] =	vst v63  }
0x15b: {  	_ =	swait.ge [sflag:s17], $0x3C00  }
0x15c: {  	[sflag:s17] =	ssyncset.done $0x0  }
0x15d: {  	[sflag:s17] =	ssyncadd.s32 $0xFFFFC400  }
0x15e: {  	_ =	swait.ge [sflag:s19], $0x3C00  }
0x15f: {  	[sflag:s19] =	ssyncset.done $0x0  }
0x160: {  	[sflag:s19] =	ssyncadd.s32 $0xFFFFC400  }
0x161: {  	_ =	swait.ge [sflag:s21], $0x3C00  }
0x162: {  	[sflag:s21] =	ssyncset.done $0x0  }
0x163: {  	[sflag:s21] =	ssyncadd.s32 $0xFFFFC400  }
0x164: {  	[bflag:$0x0] =	sbarrier.arrive $0xFFFF  }
0x165: {  	s8 =	rddreg [dreg:$0xf]  }
0x166: {  	s9 =	rddreg [dreg:$0x10]  }
0x167: {  	s7 =	rddreg [dreg:$0x12]  }
0x168: {  	[hbm:s9], [sflag:s8] =	dma.local [spmem:s7], $0x2780  }
0x169: {  	_ =	swait.ge [sflag:s10], $0x2780  }
0x16a: {  	s6 =	rddreg [dreg:$0x13]  }
0x16b: {  	s9 =	sadd.s32 $0x1, s6;
	s6 =	rddreg [dreg:$0x11]  }
0x16c: {  	p0 =	sne.s32 s9, s6  }
.Ltmp1:
0x16d: {  	_ = 	snop;
	(pc) =	sbr.rel @p0 .LBB2_1-.Ltmp1, $3  }
0x16e: {  	_ =	sdelay $0x1  }
0x16f: {  	[sflag:s10] =	ssyncset.done $0x0  }
0x170: {  	[sflag:s10] =	ssyncadd.s32 $0xFFFFD880  }
0x171: {  	_ =	sfence.sel $0x180000  }
0x172: {  	[bflag:$0x0] =	sbarrier.arrive $0xFFFF  }
0x173: {  	_ =	strace $0x9000004A  }
0x174: {  	s0 =	stileid.u32;
	[bflag:$0x2] =	sbarrier.arrive $0xFFFF  }
0x175: {  	p0 =	sne.s32 s0, $0x0;
	s0 =	rddreg [dreg:$0x2]  }
0x176: {  	s0 =	sadd.s32 @!p0 $0x100000, s0  }
0x177: {  	[sflag:s0] =	ssyncadd.tile.s32 @!p0 $0x1;
	_ =	shalt  }
.Lfunc_end2:
_tile_overlayer_lowered:
.L_overlay_start_2:
0x178: {  	(tag) =	ssettag $0x2  }
0x179: {  	s0 =	rddreg [dreg:$0x0];
	s2 =	stileid.u32  }
0x17a: {  	s1 =	rddreg [dreg:$0x1];
	p0 =	sne.s32 s2, $0x0  }
0x17b: {  	s3 =	rddreg [dreg:$0x2];
	[bflag:$0x3] =	sbarrier.arrive $0xFFFF;
	s2 =	simm.s32 @!p0 $0x1C07  }
0x17c: {  	[timem:s3], [sflag:s2] =	dma.local @!p0 [hbm:s0], s1  }
0x17d: {  	s0 =	simm.s32 @!p0 $0x7  }
0x17e: {  	_ =	swait.ge @!p0 [sflag:s0], s1  }
0x17f: {  	s1 =	ssub.s32 @!p0 $0x0, s1;
	[sflag:s0] =	ssyncset.done @!p0 $0x0  }
0x180: {  	[sflag:s0] =	ssyncadd.s32 @!p0 s1  }
0x181: {  	[bflag:$0x3] =	sbarrier.arrive $0xFFFF  }
0x182: {  	_ =	shalt  }

// kernel: kernel.15.cloned.1.call-start
scs
__scs_entry_jumppad:
0x0: {  	(pc) =	sbr.rel $0x88, $3  }
0x1: {  	(tag) =	ssettag $0x0;
	lr =	simm.s32 $0x1  }
0x2: {  	[smem:$0x3F9B] =	sst lr;
	_ =	strace $0xD0000000  }
0x3: {  	_ = 	snop  }
0x4: {  	_ = 	snop  }
0x5: {  	_ = 	snop  }
0x6: {  	_ = 	snop  }
0x7: {  	_ = 	snop  }
__scs_overlays_trampoline_lowered:
0x8: {  	[smem:$0x3FAA] =	sst s0  }
0x9: {  	[smem:$0x3FAB] =	sst s1  }
0xa: {  	[smem:$0x3FAC] =	sst s2  }
0xb: {  	[smem:$0x3FAD] =	sst s3  }
0xc: {  	[smem:$0x3FAE] =	sst s4  }
0xd: {  	[smem:$0x3FAF] =	sst s5  }
0xe: {  	[smem:$0x3FB0] =	sst s6  }
0xf: {  	[smem:$0x3FB1] =	sst s7  }
0x10: {  	[smem:$0x3FB2] =	sst s8  }
0x11: {  	[smem:$0x3FB3] =	sst s9;
	s0 =	simm.s32 @!p0 $0x0  }
0x12: {  	s1 =	sld [smem:$0x3F99];
	s0 =	simm.s32 @p0 $0x1  }
0x13: {  	[smem:$0x3FB4] =	sst s0;
	s0 =	simm.s32 @!p1 $0x0  }
0x14: {  	s2 =	sld [smem:$0x3F98];
	s0 =	simm.s32 @p1 $0x1  }
0x15: {  	[smem:$0x3FB5] =	sst s0;
	s0 =	simm.s32 @!p2 $0x0  }
0x16: {  	s3 =	sld [smem:$0x3FDB];
	s0 =	simm.s32 @p2 $0x1  }
0x17: {  	s4 =	simm.s32 $0x1BF5;
	[smem:$0x3FB7] =	sst s0  }
0x18: {  	s0 =	sld [smem:$0x3F9A];
	_ =	swait.ge [sflag:s4], $0x0  }
0x19: {  	s7 =	sld [smem:$0x3F9B]  }
0x1a: {  	s8 =	sadd.s32 $0xFFFFE003, lr  }
0x1b: {  	s9 =	sadd.s32 $0xFFFFFEF7, lr;
	s5 =	simm.s32 $0xFFFFFFFF;
	p2 =	slt.u32 s8, $0xFFFFF086  }
0x1c: {  	p1 =	slt.u32 s9, $0xF7A;
	s5 =	simm.s32 @!p2 $0x0  }
0x1d: {  	s5 =	simm.s32 @p1 $0x1;
	p0 =	seq.s32 s7, s2  }
0x1e: {  	s7 =	smul.u32 @!p0 $0xF7A, s2;
	p2 =	seq.s32 @!p0 s5, $0x0  }
0x1f: {  	s9 =	smul.u32 $0xF7A, s1;
	s8 =	simm.s32 @!p0 $0x1BF5;
	p2 =	por !p2, p0  }
0x20: {  	[sflag:s8] =	ssyncset.s32 @!p0 $0xFFFFF086;
	s6 =	sadd.s32 @!p0 s3, s7;
	s7 =	simm.s32 @!p0 $0x108  }
0x21: {  	s3 =	sadd.s32 s3, s9;
	s6 =	sadd.s32 @!p0 $0x88, s6;
	s7 =	simm.s32 @p2 $0x1082  }
0x22: {  	[simem:s7], [sflag:s8] =	dma.local @!p0 [hbm:s6], $0xF7A  }
0x23: {  	s9 =	sor.u32 $0xD0000000, s2;
	s6 =	simm.s32 $0x108;
	_ =	swait.ge @!p0 [sflag:s8], $0x0  }
0x24: {  	s3 =	sadd.s32 $0x88, s3;
	s6 =	simm.s32 @!p1 $0x1082;
	[sflag:s4] =	ssyncset.s32 $0xFFFFF086  }
0x25: {  	[simem:s6], [sflag:s4] =	dma.local [hbm:s3], $0xF7A  }
0x26: {  	[smem:$0x3F9B] =	sst s1;
	(tag) =	ssettag s2;
	_ =	strace s9  }
0x27: {  	s1 =	sld [smem:$0x3FAB]  }
0x28: {  	s2 =	sld [smem:$0x3FAC]  }
0x29: {  	s4 =	sld [smem:$0x3FAE]  }
0x2a: {  	p0 =	seq.s32 s5, $0x0;
	s5 =	sld [smem:$0x3FAF]  }
0x2b: {  	s6 =	sld [smem:$0x3FB0]  }
0x2c: {  	s7 =	sld [smem:$0x3FB1]  }
0x2d: {  	s3 =	simm.s32 $0x108;
	s8 =	sld [smem:$0x3FB2]  }
0x2e: {  	s3 =	simm.s32 @!p0 $0x1082;
	s9 =	sld [smem:$0x3FB3]  }
0x2f: {  	lr =	sadd.s32 s0, s3;
	s0 =	sld [smem:$0x3FAA]  }
0x30: {  	s3 =	sld [smem:$0x3FAD]  }
0x31: {  	[smem:$0x3FB6] =	sst s10  }
0x32: {  	s10 =	sld [smem:$0x3FB4];
	_ =	sdelay $0x3  }
0x33: {  	p0 =	seq.s32 s10, $0x1;
	s10 =	sld [smem:$0x3FB6];
	_ =	sdelay $0x3  }
0x34: {  	[smem:$0x3FB6] =	sst s10  }
0x35: {  	s10 =	sld [smem:$0x3FB5];
	_ =	sdelay $0x3  }
0x36: {  	p1 =	seq.s32 s10, $0x1;
	s10 =	sld [smem:$0x3FB6];
	_ =	sdelay $0x3  }
0x37: {  	[smem:$0x3FB6] =	sst s10  }
0x38: {  	s10 =	sld [smem:$0x3FB7]  }
0x39: {  	_ = 	snop;
	(pc) =	sbr.ind lr, $3  }
0x3a: {  	_ = 	snop  }
0x3b: {  	_ = 	snop  }
0x3c: {  	p2 =	seq.s32 s10, $0x1;
	s10 =	sld [smem:$0x3FB6]  }
0x3d: {  	_ =	shalt  }
0x3e: {  	_ =	shalt  }
0x3f: {  	_ =	shalt  }
0x40: {  	_ =	shalt  }
0x41: {  	_ =	shalt  }
0x42: {  	_ =	shalt  }
0x43: {  	_ =	shalt  }
0x44: {  	_ =	shalt  }
0x45: {  	_ =	shalt  }
0x46: {  	_ =	shalt  }
0x47: {  	_ =	shalt  }
0x48: {  	_ =	shalt  }
0x49: {  	_ =	shalt  }
0x4a: {  	_ =	shalt  }
0x4b: {  	_ =	shalt  }
0x4c: {  	_ =	shalt  }
0x4d: {  	_ =	shalt  }
0x4e: {  	_ =	shalt  }
0x4f: {  	_ =	shalt  }
0x50: {  	_ =	shalt  }
0x51: {  	_ =	shalt  }
0x52: {  	_ =	shalt  }
0x53: {  	_ =	shalt  }
0x54: {  	_ =	shalt  }
0x55: {  	_ =	shalt  }
0x56: {  	_ =	shalt  }
0x57: {  	_ =	shalt  }
0x58: {  	_ =	shalt  }
0x59: {  	_ =	shalt  }
0x5a: {  	_ =	shalt  }
0x5b: {  	_ =	shalt  }
0x5c: {  	_ =	shalt  }
0x5d: {  	_ =	shalt  }
0x5e: {  	_ =	shalt  }
0x5f: {  	_ =	shalt  }
0x60: {  	_ =	shalt  }
0x61: {  	_ =	shalt  }
0x62: {  	_ =	shalt  }
0x63: {  	_ =	shalt  }
0x64: {  	_ =	shalt  }
0x65: {  	_ =	shalt  }
0x66: {  	_ =	shalt  }
0x67: {  	_ =	shalt  }
0x68: {  	_ =	shalt  }
0x69: {  	_ =	shalt  }
0x6a: {  	_ =	shalt  }
0x6b: {  	_ =	shalt  }
0x6c: {  	_ =	shalt  }
0x6d: {  	_ =	shalt  }
0x6e: {  	_ =	shalt  }
0x6f: {  	_ =	shalt  }
0x70: {  	_ =	shalt  }
0x71: {  	_ =	shalt  }
0x72: {  	_ =	shalt  }
0x73: {  	_ =	shalt  }
0x74: {  	_ =	shalt  }
0x75: {  	_ =	shalt  }
0x76: {  	_ =	shalt  }
0x77: {  	_ =	shalt  }
0x78: {  	_ =	shalt  }
0x79: {  	_ =	shalt  }
0x7a: {  	_ =	shalt  }
0x7b: {  	_ =	shalt  }
0x7c: {  	_ =	shalt  }
0x7d: {  	_ =	shalt  }
0x7e: {  	_ =	shalt  }
0x7f: {  	_ =	shalt  }
0x80: {  	_ =	shalt  }
0x81: {  	_ =	shalt  }
0x82: {  	_ =	shalt  }
0x83: {  	_ =	shalt  }
0x84: {  	_ =	shalt  }
0x85: {  	_ =	shalt  }
0x86: {  	_ =	shalt  }
0x87: {  	_ =	shalt  }
.Lfunc_end0:
.L_simem_size_0:
called_computation.2_lowered:
.L_overlay_start_0:
0x88: {  	s2 =	sld [smem:$0x3FD9]  }
0x89: {  	s3 =	sld [smem:$0x3FFE];
	_ =	sdelay $0x1  }
0x8a: {  	s1 =	srdreg.scid  }
0x8b: {  	s0 =	sand.u32 $0x1, s1  }
0x8c: {  	s16 =	sshll.u32 s0, $0xA;
	s2 =	sadd.s32 s3, s2  }
0x8d: {  	s2 =	sadd.s32 s2, s16  }
0x8e: {  	[smem:$0x3FC2] =	sst s2  }
0x8f: {  	_ = 	snop  }
0x90: {  	(tm) =	ssettm $0x1  }
0x91: {  	s17 =	sld [smem:$0x3FFB];
	_ =	sdelay $0x3  }
0x92: {  	_ =	strace s17  }
0x93: {  	s2 =	sld [smem:$0x3FFC];
	_ =	sdelay $0x3  }
0x94: {  	_ =	strace s2  }
0x95: {  	s2 =	sld [smem:$0x3FFD];
	_ =	sdelay $0x3  }
0x96: {  	_ =	strace s2  }
0x97: {  	_ =	strace $0x8FFFFFFF  }
0x98: {  	s18 =	sld [smem:$0x3FDB];
	_ =	sdelay $0x1  }
0x99: {  	s19 =	simm.s32 $_scs_section_size  }
0x9a: {  	s4 =	simm.s32 $_size__tile_overlayer_lowered;
	s5 =	simm.s32 $_tile_overlayer_lowered  }
0x9b: {  	s22 =	simm.s32 $0x1BFF;
	s21 =	sshll.u32 s5, $0x1;
	s2 =	sadd.s32 s19, s18  }
0x9c: {  	s6 =	simm.s32 $0x0;
	s20 =	sshll.u32 s4, $0x1;
	s4 =	sadd.s32 s21, s2  }
0x9d: {  	[timem:s6], [sflag:s22] =	dma.local [hbm:s4], s20  }
0x9e: {  	_ =	swait.ge [sflag:s22], s20  }
0x9f: {  	s3 =	ssub.s32 $0x0, s20;
	[sflag:s22] =	ssyncset.done $0x0  }
0xa0: {  	[sflag:s22] =	ssyncadd.s32 s3;
	_ =	sdelay $0x1  }
0xa1: {  	s23 =	simm.s32 $0x1B8B  }
0xa2: {  	_ =	swait.ge [sflag:s23], $0x1  }
0xa3: {  	[sflag:s23] =	ssyncset.done $0x0  }
0xa4: {  	s25 =	simm.s32 $0x1B8E;
	s24 =	sld [smem:$0x3FFE];
	[sflag:s23] =	ssyncadd.s32 $0xFFFFFFFF  }
0xa5: {  	s26 =	simm.s32 $execute0_lowered;
	[smem:$0x3FD2] =	sst s25  }
0xa6: {  	s4 =	sshll.u32 s26, $0x1;
	_ =	strace $0x8000004C;
	[dreg:$0x1] =	wrdreg $0xFFFFFFFF  }
0xa7: {  	s28 =	simm.s32 $_size_execute0_lowered;
	s2 =	sadd.s32 s2, s4;
	[dreg:$0x0] =	wrdreg $0x0  }
0xa8: {  	s4 =	sshll.u32 s28, $0x1;
	[dreg:$0x2] =	wrdreg s2  }
0xa9: {  	[dreg:$0x3] =	wrdreg s4  }
0xaa: {  	[dreg:$0x4] =	wrdreg $0xC0  }
0xab: {  	_ =	task [dreg:s6], $0x5FFFF  }
0xac: {  	[dreg:$0x1] =	wrdreg $0xFFFFFFFF  }
0xad: {  	[dreg:$0x0] =	wrdreg $0x60  }
0xae: {  	[dreg:$0x2] =	wrdreg s24  }
0xaf: {  	[dreg:$0x3] =	wrdreg $0x21C00  }
0xb0: {  	[dreg:$0x4] =	wrdreg $0x9  }
0xb1: {  	_ =	task.clear_ibuf [dreg:s6], $0x5FFFF;
	_ =	strace $0x9000004C  }
0xb2: {  	s29 =	simm.s32 $0x9;
	_ =	strace $0x8000004E  }
0xb3: {  	_ =	swait.ge [sflag:s29], $0x1  }
0xb4: {  	[sflag:s29] =	ssyncadd.s32 $0xFFFFFFFF  }
0xb5: {  	_ =	strace $0x9000004E  }
0xb6: {  	_ =	sfence  }
0xb7: {  	s30 =	sld [smem:$0x0];
	_ =	sdelay $0x2  }
0xb8: {  	s31 =	sshll.u32 s1, $0xD;
	s1 =	sshrl.u32 s1, $0x2  }
0xb9: {  	s3 =	sand.u32 $0x4000, s31;
	s1 =	sadd.s32 s1, s30  }
0xba: {  	s0 =	sor.u32 s3, s0;
	s1 =	sshll.u32 s1, $0x11  }
0xbb: {  	s0 =	sor.u32 s1, s0  }
0xbc: {  	s0 =	sadd.s32 $0x8F2B, s0  }
0xbd: {  	[sflag:s0] =	ssyncadd.remote.s32 $0x1  }
0xbe: {  	_ =	sfence.sel $0xFFFF  }
0xbf: {  	[dreg:$0x0] =	wrdreg $0xFFFFFFFF;
	(pc) =	sbr.abs _section_cstart, $3  }
0xc0: {  	[dreg:$0x1] =	wrdreg $0xFFFFFFFF  }
0xc1: {  	_ =	task.clear_ibuf [dreg:s6], $0x2FFFF;
	_ =	strace $0x9FFFFFFF  }
0xc2: {  	(tm) =	ssettm $0x7FFFFFFF  }
0xc3: {  	_ =	shalt  }
tec
execute0_lowered:
.L_overlay_start_1:
0x0: {  	(tag) =	ssettag $0x1  }
0x1: {  	s0 =	rddreg [dreg:$0x0]  }
0x2: {  	s2 =	rddreg [dreg:$0x1];
	s1 =	srdreg.scid  }
0x3: {  	s9 =	stileid.u32;
	s3 =	simm.s32 $0x0;
	s10 =	simm.s32 $0x168  }
0x4: {  	s11 =	simm.s32 $0x1E0;
	s12 =	simm.s32 $0x258;
	s13 =	simm.s32 $0x618  }
0x5: {  	s14 =	simm.s32 $0x2D0;
	s15 =	simm.s32 $0x690;
	s16 =	simm.s32 $0x348  }
0x6: {  	s17 =	simm.s32 $0x708;
	s5 =	smul.u32 $0x13C0, s9;
	[smem:$0x7FF] =	sst s3  }
0x7: {  	s8 =	smul.u32 $0x4EC, s9;
	s25 =	sshll.u32 s9, $0x6;
	s9 =	simm.s32 $0xF0  }
0x8: {  	s18 =	simm.s32 $0x3C0;
	_ =	strace $0x8000004D;
	[dreg:$0x5] =	wrdreg s9  }
0x9: {  	s19 =	simm.s32 $0x780;
	s20 =	simm.s32 $0x438;
	[dreg:$0x6] =	wrdreg s10  }
0xa: {  	s21 =	simm.s32 $0x7F8;
	s28 =	simm.s32 $0xA;
	[dreg:$0x7] =	wrdreg s11  }
0xb: {  	s29 =	simm.s32 $0x6;
	s30 =	simm.s32 $0xB;
	[dreg:$0x8] =	wrdreg s12  }
0xc: {  	s31 =	simm.s32 $0xC;
	s1 =	sand.u32 $0x1, s1;
	[dreg:$0x9] =	wrdreg s13  }
0xd: {  	s4 =	sadd.s32 $0x65000, s0;
	s6 =	smul.u32 $0x13C00, s1;
	[dreg:$0xa] =	wrdreg s14  }
0xe: {  	s7 =	smul.u32 $0x4EC0, s1;
	s1 =	ssub.s32 $0x2, s1;
	[dreg:$0xb] =	wrdreg s15  }
0xf: {  	s10 =	simm.s32 $0xD;
	s11 =	simm.s32 $0x5A0;
	[dreg:$0xc] =	wrdreg s16  }
0x10: {  	s12 =	simm.s32 $0x78;
	s13 =	simm.s32 $0xB40;
	[dreg:$0xd] =	wrdreg s17  }
0x11: {  	s14 =	simm.s32 $0xF00;
	s15 =	simm.s32 $0x12C0;
	[dreg:$0xe] =	wrdreg s18  }
0x12: {  	s16 =	simm.s32 $0x1680;
	s17 =	simm.s32 $0x1A40;
	[dreg:$0xf] =	wrdreg s19  }
0x13: {  	s18 =	simm.s32 $0x1;
	[dreg:$0x10] =	wrdreg s20;
	s19 =	simm.s32 $0x1E00  }
0x14: {  	[dreg:$0x11] =	wrdreg s21;
	s20 =	simm.s32 $0x2;
	s22 =	sshrl.u32 s1, $0x1  }
0x15: {  	s23 =	sshrl.u32 s5, $0x3;
	s6 =	sadd.s32 s5, s6;
	s7 =	sadd.s32 s7, s0  }
0x16: {  	s1 =	ssub.s32 s1, s22;
	s5 =	sadd.s32 s5, s2;
	s22 =	simm.s32 $0x4B0  }
0x17: {  	s6 =	sshrl.u32 s6, $0x3;
	s1 =	smax.u32 s1, $0x1;
	[dreg:$0x12] =	wrdreg s22  }
0x18: {  	s7 =	sadd.s32 s8, s7;
	s8 =	sshrl.u32 s5, $0x3;
	[dreg:$0x1a] =	wrdreg s1  }
0x19: {  	s0 =	sadd.s32 s6, s0;
	s6 =	sadd.s32 s4, s23;
	[dreg:$0x1b] =	wrdreg s8  }
0x1a: {  	s21 =	simm.s32 $0x7;
	s24 =	sadd.s32 $0x2400, s7;
	[dreg:$0x17] =	wrdreg s6  }
0x1b: {  	s9 =	simm.s32 $0x0;
	s26 =	sadd.s32 $0xC200, s7;
	[dreg:$0x3] =	wrdreg s24  }
0x1c: {  	s22 =	simm.s32 $0x3;
	s23 =	simm.s32 $0x870;
	[dreg:$0x4] =	wrdreg s26  }
0x1d: {  	s7 =	sor.u32 $0x1C0D, s25;
	s25 =	simm.s32 $0x8E8;
	[dreg:$0x13] =	wrdreg s23  }
0x1e: {  	s5 =	simm.s32 $0xAC8;
	s1 =	simm.s32 $0xA50;
	[dreg:$0x15] =	wrdreg s25  }
0x1f: {  	s0 =	sadd.s32 $0x67800, s0;
	s24 =	simm.s32 $0x528;
	[dreg:$0x18] =	wrdreg s7  }
0x20: {  	s23 =	simm.s32 $0x8;
	s26 =	simm.s32 $0x960;
	[dreg:$0x19] =	wrdreg s0  }
0x21: {  	s25 =	simm.s32 $0x9;
	[dreg:$0x14] =	wrdreg s24;
	s24 =	simm.s32 $0x4  }
0x22: {  	[dreg:$0x16] =	wrdreg s26;
	s26 =	simm.s32 $0x5;
	s0 =	simm.s32 $0x9D8  }
.LBB2_1:
0x23: {  	[dreg:$0x1c] =	wrdreg s9  }
0x24: {  	s6 =	rddreg [dreg:$0x17]  }
0x25: {  	[spmem:s8], [sflag:s7] =	dma.local [hbm:s6], $0x278  }
0x26: {  	_ =	swait.ge [sflag:s10], $0x278  }
0x27: {  	[sflag:s10] =	ssyncset.done $0x0  }
0x28: {  	[sflag:s10] =	ssyncadd.s32 $0xFFFFFD88  }
0x29: {  	[bflag:$0x0] =	sbarrier.arrive $0xFFFF  }
0x2a: {  	s7 =	rddreg [dreg:$0x3]  }
0x2b: {  	s6 =	sadd.s32 $0x0, s7  }
0x2c: {  	[tilespmem:s3], [sflag:$0xD] =	stream.linear.gather [hbm4b:s6+s3], $0x5A0, $0x38;
	[tilespmem:$0x3580] =	vst v63  }
0x2d: {  	_ =	swait.ge [sflag:s10], $0x5A0  }
0x2e: {  	s8 =	rddreg [dreg:$0x4];
	[sflag:s10] =	ssyncset.done $0x0  }
0x2f: {  	[sflag:s10] =	ssyncadd.s32 $0xFFFFFA60;
	s6 =	sadd.s32 $0x0, s8  }
0x30: {  	[tilespmem:s11], [sflag:$0xD] =	stream.linear.gather [hbm4b:s6+s3], $0x5A0, $0x38;
	[tilespmem:$0x3580] =	vst v63  }
0x31: {  	_ =	swait.ge [sflag:s10], $0x5A0  }
0x32: {  	[sflag:s10] =	ssyncset.done $0x0  }
0x33: {  	[sflag:s10] =	ssyncadd.s32 $0xFFFFFA60  }
0x34: {  	[tilespmem:s13], [sflag:$0x1] =	stream.indirect.gather [hbm4b:s4+s12], $0x8, s3, s12, $0xb8;
	[tilespmem:$0x3580] =	vst v63  }
0x35: {  	_ = 	snop  }
0x36: {  	[tilespmem:s14], [sflag:$0x2] =	stream.indirect.gather [hbm4b:s4+s12], $0x8, s12, s12, $0xb8;
	[tilespmem:$0x3580] =	vst v63  }
0x37: {  	s9 =	rddreg [dreg:$0x5]  }
0x38: {  	[tilespmem:s15], [sflag:$0x3] =	stream.indirect.gather [hbm4b:s4+s12], $0x8, s9, s12, $0xb8;
	[tilespmem:$0x3580] =	vst v63  }
0x39: {  	s7 =	rddreg [dreg:$0x6]  }
0x3a: {  	[tilespmem:s16], [sflag:$0x4] =	stream.indirect.gather [hbm4b:s4+s12], $0x8, s7, s12, $0xb8;
	[tilespmem:$0x3580] =	vst v63  }
0x3b: {  	s9 =	rddreg [dreg:$0x7]  }
0x3c: {  	[tilespmem:s17], [sflag:$0x5] =	stream.indirect.gather [hbm4b:s4+s12], $0x8, s9, s12, $0xb8;
	[tilespmem:$0x3580] =	vst v63  }
0x3d: {  	_ =	swait.ge [sflag:s18], $0x3C0  }
0x3e: {  	[sflag:s18] =	ssyncset.done $0x0  }
0x3f: {  	[sflag:s18] =	ssyncadd.s32 $0xFFFFFC40  }
0x40: {  	[spmem:s2] =	stream.indirect.scatter.add.f32 [tilespmem:s13], [sflag:$0x7], $0x8, s11, s12, $0xb8;
	[tilespmem:$0x3580] =	vst v63  }
0x41: {  	s7 =	rddreg [dreg:$0x8]  }
0x42: {  	[tilespmem:s19], [sflag:$0x6] =	stream.indirect.gather [hbm4b:s4+s12], $0x8, s7, s12, $0xb8;
	[tilespmem:$0x3580] =	vst v63  }
0x43: {  	_ =	swait.ge [sflag:s20], $0x3C0  }
0x44: {  	[sflag:s20] =	ssyncset.done $0x0  }
0x45: {  	s8 =	rddreg [dreg:$0x9];
	[sflag:s20] =	ssyncadd.s32 $0xFFFFFC40  }
0x46: {  	[spmem:s2] =	stream.indirect.scatter.add.f32 [tilespmem:s14], [sflag:$0x8], $0x8, s8, s12, $0xb8;
	[tilespmem:$0x3580] =	vst v63  }
0x47: {  	_ =	swait.ge [sflag:s21], $0x3C0  }
0x48: {  	[sflag:s21] =	ssyncset.done $0x0  }
0x49: {  	s9 =	rddreg [dreg:$0xa];
	[sflag:s21] =	ssyncadd.s32 $0xFFFFFC40  }
0x4a: {  	[tilespmem:s13], [sflag:$0x1] =	stream.indirect.gather [hbm4b:s4+s12], $0x8, s9, s12, $0xb8;
	[tilespmem:$0x3580] =	vst v63  }
0x4b: {  	_ =	swait.ge [sflag:s22], $0x3C0  }
0x4c: {  	[sflag:s22] =	ssyncset.done $0x0  }
0x4d: {  	s7 =	rddreg [dreg:$0xb];
	[sflag:s22] =	ssyncadd.s32 $0xFFFFFC40  }
0x4e: {  	[spmem:s2] =	stream.indirect.scatter.add.f32 [tilespmem:s15], [sflag:$0x9], $0x8, s7, s12, $0xb8;
	[tilespmem:$0x3580] =	vst v63  }
0x4f: {  	_ =	swait.ge [sflag:s23], $0x3C0  }
0x50: {  	[sflag:s23] =	ssyncset.done $0x0  }
0x51: {  	s8 =	rddreg [dreg:$0xc];
	[sflag:s23] =	ssyncadd.s32 $0xFFFFFC40  }
0x52: {  	[tilespmem:s14], [sflag:$0x2] =	stream.indirect.gather [hbm4b:s4+s12], $0x8, s8, s12, $0xb8;
	[tilespmem:$0x3580] =	vst v63  }
0x53: {  	_ =	swait.ge [sflag:s24], $0x3C0  }
0x54: {  	[sflag:s24] =	ssyncset.done $0x0  }
0x55: {  	s9 =	rddreg [dreg:$0xd];
	[sflag:s24] =	ssyncadd.s32 $0xFFFFFC40  }
0x56: {  	[spmem:s2] =	stream.indirect.scatter.add.f32 [tilespmem:s16], [sflag:$0xA], $0x8, s9, s12, $0xb8;
	[tilespmem:$0x3580] =	vst v63  }
0x57: {  	_ =	swait.ge [sflag:s25], $0x3C0  }
0x58: {  	[sflag:s25] =	ssyncset.done $0x0  }
0x59: {  	s7 =	rddreg [dreg:$0xe];
	[sflag:s25] =	ssyncadd.s32 $0xFFFFFC40  }
0x5a: {  	[tilespmem:s15], [sflag:$0x3] =	stream.indirect.gather [hbm4b:s4+s12], $0x8, s7, s12, $0xb8;
	[tilespmem:$0x3580] =	vst v63  }
0x5b: {  	_ =	swait.ge [sflag:s26], $0x3C0  }
0x5c: {  	[sflag:s26] =	ssyncset.done $0x0  }
0x5d: {  	s8 =	rddreg [dreg:$0xf];
	[sflag:s26] =	ssyncadd.s32 $0xFFFFFC40  }
0x5e: {  	[spmem:s2] =	stream.indirect.scatter.add.f32 [tilespmem:s17], [sflag:$0xB], $0x8, s8, s12, $0xb8;
	[tilespmem:$0x3580] =	vst v63  }
0x5f: {  	_ =	swait.ge [sflag:s28], $0x3C0  }
0x60: {  	[sflag:s28] =	ssyncset.done $0x0  }
0x61: {  	s9 =	rddreg [dreg:$0x10];
	[sflag:s28] =	ssyncadd.s32 $0xFFFFFC40  }
0x62: {  	[tilespmem:s16], [sflag:$0x4] =	stream.indirect.gather [hbm4b:s4+s12], $0x8, s9, s12, $0xb8;
	[tilespmem:$0x3580] =	vst v63  }
0x63: {  	_ =	swait.ge [sflag:s29], $0x3C0  }
0x64: {  	[sflag:s29] =	ssyncset.done $0x0  }
0x65: {  	s7 =	rddreg [dreg:$0x11];
	[sflag:s29] =	ssyncadd.s32 $0xFFFFFC40  }
0x66: {  	[spmem:s2] =	stream.indirect.scatter.add.f32 [tilespmem:s19], [sflag:$0xC], $0x8, s7, s12, $0xb8;
	[tilespmem:$0x3580] =	vst v63  }
0x67: {  	_ =	swait.ge [sflag:s30], $0x3C0  }
0x68: {  	[sflag:s30] =	ssyncset.done $0x0  }
0x69: {  	s8 =	rddreg [dreg:$0x12];
	[sflag:s30] =	ssyncadd.s32 $0xFFFFFC40  }
0x6a: {  	[tilespmem:s17], [sflag:$0x5] =	stream.indirect.gather [hbm4b:s4+s12], $0x8, s8, s12, $0xb8;
	[tilespmem:$0x3580] =	vst v63  }
0x6b: {  	_ =	swait.ge [sflag:s18], $0x3C0  }
0x6c: {  	[sflag:s18] =	ssyncset.done $0x0  }
0x6d: {  	s9 =	rddreg [dreg:$0x13];
	[sflag:s18] =	ssyncadd.s32 $0xFFFFFC40  }
0x6e: {  	[spmem:s2] =	stream.indirect.scatter.add.f32 [tilespmem:s13], [sflag:$0x7], $0x8, s9, s12, $0xb8;
	[tilespmem:$0x3580] =	vst v63  }
0x6f: {  	_ =	swait.ge [sflag:s31], $0x3C0  }
0x70: {  	[sflag:s31] =	ssyncset.done $0x0  }
0x71: {  	s7 =	rddreg [dreg:$0x14];
	[sflag:s31] =	ssyncadd.s32 $0xFFFFFC40  }
0x72: {  	[tilespmem:s19], [sflag:$0x6] =	stream.indirect.gather [hbm4b:s4+s12], $0x8, s7, s12, $0xb8;
	[tilespmem:$0x3580] =	vst v63  }
0x73: {  	_ =	swait.ge [sflag:s20], $0x3C0  }
0x74: {  	[sflag:s20] =	ssyncset.done $0x0  }
0x75: {  	s8 =	rddreg [dreg:$0x15];
	[sflag:s20] =	ssyncadd.s32 $0xFFFFFC40  }
0x76: {  	[spmem:s2] =	stream.indirect.scatter.add.f32 [tilespmem:s14], [sflag:$0x8], $0x8, s8, s12, $0xb8;
	[tilespmem:$0x3580] =	vst v63  }
0x77: {  	_ =	swait.ge [sflag:s22], $0x3C0  }
0x78: {  	[sflag:s22] =	ssyncset.done $0x0  }
0x79: {  	s9 =	rddreg [dreg:$0x16];
	[sflag:s22] =	ssyncadd.s32 $0xFFFFFC40  }
0x7a: {  	[spmem:s2] =	stream.indirect.scatter.add.f32 [tilespmem:s15], [sflag:$0x9], $0x8, s9, s12, $0xb8;
	[tilespmem:$0x3580] =	vst v63  }
0x7b: {  	_ =	swait.ge [sflag:s24], $0x3C0  }
0x7c: {  	[sflag:s24] =	ssyncset.done $0x0  }
0x7d: {  	[sflag:s24] =	ssyncadd.s32 $0xFFFFFC40  }
0x7e: {  	[spmem:s2] =	stream.indirect.scatter.add.f32 [tilespmem:s16], [sflag:$0xA], $0x8, s0, s12, $0xb8;
	[tilespmem:$0x3580] =	vst v63  }
0x7f: {  	_ =	swait.ge [sflag:s26], $0x3C0  }
0x80: {  	[sflag:s26] =	ssyncset.done $0x0  }
0x81: {  	[sflag:s26] =	ssyncadd.s32 $0xFFFFFC40  }
0x82: {  	[spmem:s2] =	stream.indirect.scatter.add.f32 [tilespmem:s17], [sflag:$0xB], $0x8, s1, s12, $0xb8;
	[tilespmem:$0x3580] =	vst v63  }
0x83: {  	_ =	swait.ge [sflag:s29], $0x3C0  }
0x84: {  	[sflag:s29] =	ssyncset.done $0x0  }
0x85: {  	[sflag:s29] =	ssyncadd.s32 $0xFFFFFC40  }
0x86: {  	[spmem:s2] =	stream.indirect.scatter.add.f32 [tilespmem:s19], [sflag:$0xC], $0x8, s5, s12, $0xb8;
	[tilespmem:$0x3580] =	vst v63  }
0x87: {  	_ =	swait.ge [sflag:s21], $0x3C0  }
0x88: {  	[sflag:s21] =	ssyncset.done $0x0  }
0x89: {  	[sflag:s21] =	ssyncadd.s32 $0xFFFFFC40  }
0x8a: {  	_ =	swait.ge [sflag:s23], $0x3C0  }
0x8b: {  	[sflag:s23] =	ssyncset.done $0x0  }
0x8c: {  	[sflag:s23] =	ssyncadd.s32 $0xFFFFFC40  }
0x8d: {  	_ =	swait.ge [sflag:s25], $0x3C0  }
0x8e: {  	[sflag:s25] =	ssyncset.done $0x0  }
0x8f: {  	[sflag:s25] =	ssyncadd.s32 $0xFFFFFC40  }
0x90: {  	_ =	swait.ge [sflag:s28], $0x3C0  }
0x91: {  	[sflag:s28] =	ssyncset.done $0x0  }
0x92: {  	[sflag:s28] =	ssyncadd.s32 $0xFFFFFC40  }
0x93: {  	_ =	swait.ge [sflag:s30], $0x3C0  }
0x94: {  	[sflag:s30] =	ssyncset.done $0x0  }
0x95: {  	[sflag:s30] =	ssyncadd.s32 $0xFFFFFC40  }
0x96: {  	s6 =	simm.s32 $0x168;
	_ =	swait.ge [sflag:s31], $0x3C0  }
0x97: {  	s8 =	simm.s32 $0xB4;
	s9 =	rddreg [dreg:$0x3];
	[sflag:s31] =	ssyncset.done $0x0  }
.LBB2_2:
0x98: {  	[sflag:s31] =	ssyncadd.s32 $0xFFFFFC40;
	s9 =	sadd.s32 s8, s9  }
0x99: {  	[tilespmem:s3], [sflag:$0xD] =	stream.linear.gather [hbm4b:s9+s3], $0x5A0, $0x38;
	[tilespmem:$0x3580] =	vst v63  }
0x9a: {  	_ =	swait.ge [sflag:s10], $0x5A0  }
0x9b: {  	s9 =	rddreg [dreg:$0x4];
	[sflag:s10] =	ssyncset.done $0x0  }
0x9c: {  	[sflag:s10] =	ssyncadd.s32 $0xFFFFFA60;
	s9 =	sadd.s32 s8, s9  }
0x9d: {  	[tilespmem:s11], [sflag:$0xD] =	stream.linear.gather [hbm4b:s9+s3], $0x5A0, $0x38;
	[tilespmem:$0x3580] =	vst v63  }
0x9e: {  	_ =	swait.ge [sflag:s10], $0x5A0  }
0x9f: {  	[sflag:s10] =	ssyncset.done $0x0  }
0xa0: {  	[sflag:s10] =	ssyncadd.s32 $0xFFFFFA60  }
0xa1: {  	[tilespmem:s13], [sflag:$0x1] =	stream.indirect.gather [hbm4b:s4+s12], $0x8, s3, s12, $0xb8;
	[tilespmem:$0x3580] =	vst v63  }
0xa2: {  	s7 =	smov.u32 s6  }
0xa3: {  	[tilespmem:s14], [sflag:$0x2] =	stream.indirect.gather [hbm4b:s4+s12], $0x8, s12, s12, $0xb8;
	[tilespmem:$0x3580] =	vst v63  }
0xa4: {  	s8 =	smov.u32 s7;
	s7 =	rddreg [dreg:$0x5]  }
0xa5: {  	[tilespmem:s15], [sflag:$0x3] =	stream.indirect.gather [hbm4b:s4+s12], $0x8, s7, s12, $0xb8;
	[tilespmem:$0x3580] =	vst v63  }
0xa6: {  	s9 =	rddreg [dreg:$0x6]  }
0xa7: {  	[tilespmem:s16], [sflag:$0x4] =	stream.indirect.gather [hbm4b:s4+s12], $0x8, s9, s12, $0xb8;
	[tilespmem:$0x3580] =	vst v63  }
0xa8: {  	s7 =	rddreg [dreg:$0x7]  }
0xa9: {  	[tilespmem:s17], [sflag:$0x5] =	stream.indirect.gather [hbm4b:s4+s12], $0x8, s7, s12, $0xb8;
	[tilespmem:$0x3580] =	vst v63  }
0xaa: {  	_ =	swait.ge [sflag:s18], $0x3C0  }
0xab: {  	[sflag:s18] =	ssyncset.done $0x0  }
0xac: {  	[sflag:s18] =	ssyncadd.s32 $0xFFFFFC40  }
0xad: {  	[spmem:s2] =	stream.indirect.scatter.add.f32 [tilespmem:s13], [sflag:$0x7], $0x8, s11, s12, $0xb8;
	[tilespmem:$0x3580] =	vst v63  }
0xae: {  	s9 =	rddreg [dreg:$0x8]  }
0xaf: {  	[tilespmem:s19], [sflag:$0x6] =	stream.indirect.gather [hbm4b:s4+s12], $0x8, s9, s12, $0xb8;
	[tilespmem:$0x3580] =	vst v63  }
0xb0: {  	_ =	swait.ge [sflag:s20], $0x3C0  }
0xb1: {  	[sflag:s20] =	ssyncset.done $0x0  }
0xb2: {  	s9 =	rddreg [dreg:$0x9];
	[sflag:s20] =	ssyncadd.s32 $0xFFFFFC40  }
0xb3: {  	[spmem:s2] =	stream.indirect.scatter.add.f32 [tilespmem:s14], [sflag:$0x8], $0x8, s9, s12, $0xb8;
	[tilespmem:$0x3580] =	vst v63  }
0xb4: {  	_ =	swait.ge [sflag:s21], $0x3C0  }
0xb5: {  	[sflag:s21] =	ssyncset.done $0x0  }
0xb6: {  	s9 =	rddreg [dreg:$0xa];
	[sflag:s21] =	ssyncadd.s32 $0xFFFFFC40  }
0xb7: {  	[tilespmem:s13], [sflag:$0x1] =	stream.indirect.gather [hbm4b:s4+s12], $0x8, s9, s12, $0xb8;
	[tilespmem:$0x3580] =	vst v63  }
0xb8: {  	_ =	swait.ge [sflag:s22], $0x3C0  }
0xb9: {  	[sflag:s22] =	ssyncset.done $0x0  }
0xba: {  	s9 =	rddreg [dreg:$0xb];
	[sflag:s22] =	ssyncadd.s32 $0xFFFFFC40  }
0xbb: {  	[spmem:s2] =	stream.indirect.scatter.add.f32 [tilespmem:s15], [sflag:$0x9], $0x8, s9, s12, $0xb8;
	[tilespmem:$0x3580] =	vst v63  }
0xbc: {  	_ =	swait.ge [sflag:s23], $0x3C0  }
0xbd: {  	[sflag:s23] =	ssyncset.done $0x0  }
0xbe: {  	s9 =	rddreg [dreg:$0xc];
	[sflag:s23] =	ssyncadd.s32 $0xFFFFFC40  }
0xbf: {  	[tilespmem:s14], [sflag:$0x2] =	stream.indirect.gather [hbm4b:s4+s12], $0x8, s9, s12, $0xb8;
	[tilespmem:$0x3580] =	vst v63  }
0xc0: {  	_ =	swait.ge [sflag:s24], $0x3C0  }
0xc1: {  	[sflag:s24] =	ssyncset.done $0x0  }
0xc2: {  	s9 =	rddreg [dreg:$0xd];
	[sflag:s24] =	ssyncadd.s32 $0xFFFFFC40  }
0xc3: {  	[spmem:s2] =	stream.indirect.scatter.add.f32 [tilespmem:s16], [sflag:$0xA], $0x8, s9, s12, $0xb8;
	[tilespmem:$0x3580] =	vst v63  }
0xc4: {  	_ =	swait.ge [sflag:s25], $0x3C0  }
0xc5: {  	[sflag:s25] =	ssyncset.done $0x0  }
0xc6: {  	s9 =	rddreg [dreg:$0xe];
	[sflag:s25] =	ssyncadd.s32 $0xFFFFFC40  }
0xc7: {  	[tilespmem:s15], [sflag:$0x3] =	stream.indirect.gather [hbm4b:s4+s12], $0x8, s9, s12, $0xb8;
	[tilespmem:$0x3580] =	vst v63  }
0xc8: {  	_ =	swait.ge [sflag:s26], $0x3C0  }
0xc9: {  	[sflag:s26] =	ssyncset.done $0x0  }
0xca: {  	s9 =	rddreg [dreg:$0xf];
	[sflag:s26] =	ssyncadd.s32 $0xFFFFFC40  }
0xcb: {  	[spmem:s2] =	stream.indirect.scatter.add.f32 [tilespmem:s17], [sflag:$0xB], $0x8, s9, s12, $0xb8;
	[tilespmem:$0x3580] =	vst v63  }
0xcc: {  	_ =	swait.ge [sflag:s28], $0x3C0  }
0xcd: {  	[sflag:s28] =	ssyncset.done $0x0  }
0xce: {  	s9 =	rddreg [dreg:$0x10];
	[sflag:s28] =	ssyncadd.s32 $0xFFFFFC40  }
0xcf: {  	[tilespmem:s16], [sflag:$0x4] =	stream.indirect.gather [hbm4b:s4+s12], $0x8, s9, s12, $0xb8;
	[tilespmem:$0x3580] =	vst v63  }
0xd0: {  	_ =	swait.ge [sflag:s29], $0x3C0  }
0xd1: {  	[sflag:s29] =	ssyncset.done $0x0  }
0xd2: {  	s9 =	rddreg [dreg:$0x11];
	[sflag:s29] =	ssyncadd.s32 $0xFFFFFC40  }
0xd3: {  	[spmem:s2] =	stream.indirect.scatter.add.f32 [tilespmem:s19], [sflag:$0xC], $0x8, s9, s12, $0xb8;
	[tilespmem:$0x3580] =	vst v63  }
0xd4: {  	_ =	swait.ge [sflag:s30], $0x3C0  }
0xd5: {  	[sflag:s30] =	ssyncset.done $0x0  }
0xd6: {  	s9 =	rddreg [dreg:$0x12];
	[sflag:s30] =	ssyncadd.s32 $0xFFFFFC40  }
0xd7: {  	[tilespmem:s17], [sflag:$0x5] =	stream.indirect.gather [hbm4b:s4+s12], $0x8, s9, s12, $0xb8;
	[tilespmem:$0x3580] =	vst v63  }
0xd8: {  	_ =	swait.ge [sflag:s18], $0x3C0  }
0xd9: {  	[sflag:s18] =	ssyncset.done $0x0  }
0xda: {  	s9 =	rddreg [dreg:$0x13];
	[sflag:s18] =	ssyncadd.s32 $0xFFFFFC40  }
0xdb: {  	[spmem:s2] =	stream.indirect.scatter.add.f32 [tilespmem:s13], [sflag:$0x7], $0x8, s9, s12, $0xb8;
	[tilespmem:$0x3580] =	vst v63  }
0xdc: {  	_ =	swait.ge [sflag:s31], $0x3C0  }
0xdd: {  	[sflag:s31] =	ssyncset.done $0x0  }
0xde: {  	s9 =	rddreg [dreg:$0x14];
	[sflag:s31] =	ssyncadd.s32 $0xFFFFFC40  }
0xdf: {  	[tilespmem:s19], [sflag:$0x6] =	stream.indirect.gather [hbm4b:s4+s12], $0x8, s9, s12, $0xb8;
	[tilespmem:$0x3580] =	vst v63  }
0xe0: {  	_ =	swait.ge [sflag:s20], $0x3C0  }
0xe1: {  	[sflag:s20] =	ssyncset.done $0x0  }
0xe2: {  	s9 =	rddreg [dreg:$0x15];
	[sflag:s20] =	ssyncadd.s32 $0xFFFFFC40  }
0xe3: {  	[spmem:s2] =	stream.indirect.scatter.add.f32 [tilespmem:s14], [sflag:$0x8], $0x8, s9, s12, $0xb8;
	[tilespmem:$0x3580] =	vst v63  }
0xe4: {  	_ =	swait.ge [sflag:s22], $0x3C0  }
0xe5: {  	[sflag:s22] =	ssyncset.done $0x0  }
0xe6: {  	s9 =	rddreg [dreg:$0x16];
	[sflag:s22] =	ssyncadd.s32 $0xFFFFFC40  }
0xe7: {  	[spmem:s2] =	stream.indirect.scatter.add.f32 [tilespmem:s15], [sflag:$0x9], $0x8, s9, s12, $0xb8;
	[tilespmem:$0x3580] =	vst v63  }
0xe8: {  	_ =	swait.ge [sflag:s24], $0x3C0  }
0xe9: {  	[sflag:s24] =	ssyncset.done $0x0  }
0xea: {  	[sflag:s24] =	ssyncadd.s32 $0xFFFFFC40  }
0xeb: {  	[spmem:s2] =	stream.indirect.scatter.add.f32 [tilespmem:s16], [sflag:$0xA], $0x8, s0, s12, $0xb8;
	[tilespmem:$0x3580] =	vst v63  }
0xec: {  	_ =	swait.ge [sflag:s26], $0x3C0  }
0xed: {  	[sflag:s26] =	ssyncset.done $0x0  }
0xee: {  	[sflag:s26] =	ssyncadd.s32 $0xFFFFFC40  }
0xef: {  	[spmem:s2] =	stream.indirect.scatter.add.f32 [tilespmem:s17], [sflag:$0xB], $0x8, s1, s12, $0xb8;
	[tilespmem:$0x3580] =	vst v63  }
0xf0: {  	_ =	swait.ge [sflag:s29], $0x3C0  }
0xf1: {  	[sflag:s29] =	ssyncset.done $0x0  }
0xf2: {  	[sflag:s29] =	ssyncadd.s32 $0xFFFFFC40  }
0xf3: {  	[spmem:s2] =	stream.indirect.scatter.add.f32 [tilespmem:s19], [sflag:$0xC], $0x8, s5, s12, $0xb8;
	[tilespmem:$0x3580] =	vst v63  }
0xf4: {  	_ =	swait.ge [sflag:s21], $0x3C0  }
0xf5: {  	[sflag:s21] =	ssyncset.done $0x0  }
0xf6: {  	[sflag:s21] =	ssyncadd.s32 $0xFFFFFC40  }
0xf7: {  	_ =	swait.ge [sflag:s23], $0x3C0  }
0xf8: {  	[sflag:s23] =	ssyncset.done $0x0  }
0xf9: {  	[sflag:s23] =	ssyncadd.s32 $0xFFFFFC40  }
0xfa: {  	_ =	swait.ge [sflag:s25], $0x3C0  }
0xfb: {  	[sflag:s25] =	ssyncset.done $0x0  }
0xfc: {  	[sflag:s25] =	ssyncadd.s32 $0xFFFFFC40  }
0xfd: {  	_ =	swait.ge [sflag:s28], $0x3C0  }
0xfe: {  	[sflag:s28] =	ssyncset.done $0x0  }
0xff: {  	p0 =	sne.s32 s6, $0x438;
	[sflag:s28] =	ssyncadd.s32 $0xFFFFFC40  }
.Ltmp0:
0x100: {  	_ =	swait.ge [sflag:s30], $0x3C0;
	(pc) =	sbr.rel @p0 .LBB2_2-.Ltmp0, $4  }
0x101: {  	[sflag:s30] =	ssyncset.done $0x0  }
0x102: {  	[sflag:s30] =	ssyncadd.s32 $0xFFFFFC40  }
0x103: {  	_ =	swait.ge [sflag:s31], $0x3C0  }
0x104: {  	s6 =	sadd.s32 $0xB4, s6;
	s9 =	rddreg [dreg:$0x3];
	[sflag:s31] =	ssyncset.done $0x0  }
0x105: {  	[sflag:s31] =	ssyncadd.s32 $0xFFFFFC40;
	s6 =	sadd.s32 s8, s9  }
0x106: {  	[tilespmem:s3], [sflag:$0xD] =	stream.linear.gather [hbm4b:s6+s3], $0x5A0, $0x38;
	[tilespmem:$0x3580] =	vst v63  }
0x107: {  	_ =	swait.ge [sflag:s10], $0x5A0  }
0x108: {  	s7 =	rddreg [dreg:$0x4];
	[sflag:s10] =	ssyncset.done $0x0  }
0x109: {  	[sflag:s10] =	ssyncadd.s32 $0xFFFFFA60;
	s6 =	sadd.s32 s8, s7  }
0x10a: {  	[tilespmem:s11], [sflag:$0xD] =	stream.linear.gather [hbm4b:s6+s3], $0x5A0, $0x38;
	[tilespmem:$0x3580] =	vst v63  }
0x10b: {  	_ =	swait.ge [sflag:s10], $0x5A0  }
0x10c: {  	[sflag:s10] =	ssyncset.done $0x0  }
0x10d: {  	[sflag:s10] =	ssyncadd.s32 $0xFFFFFA60  }
0x10e: {  	[tilespmem:s13], [sflag:$0x1] =	stream.indirect.gather [hbm4b:s4+s12], $0x8, s3, s12, $0xb8;
	[tilespmem:$0x3580] =	vst v63  }
0x10f: {  	_ = 	snop  }
0x110: {  	[tilespmem:s14], [sflag:$0x2] =	stream.indirect.gather [hbm4b:s4+s12], $0x8, s12, s12, $0xb8;
	[tilespmem:$0x3580] =	vst v63  }
0x111: {  	s9 =	rddreg [dreg:$0x5]  }
0x112: {  	[tilespmem:s15], [sflag:$0x3] =	stream.indirect.gather [hbm4b:s4+s12], $0x8, s9, s12, $0xb8;
	[tilespmem:$0x3580] =	vst v63  }
0x113: {  	s7 =	rddreg [dreg:$0x6]  }
0x114: {  	[tilespmem:s16], [sflag:$0x4] =	stream.indirect.gather [hbm4b:s4+s12], $0x8, s7, s12, $0xb8;
	[tilespmem:$0x3580] =	vst v63  }
0x115: {  	s8 =	rddreg [dreg:$0x7]  }
0x116: {  	[tilespmem:s17], [sflag:$0x5] =	stream.indirect.gather [hbm4b:s4+s12], $0x8, s8, s12, $0xb8;
	[tilespmem:$0x3580] =	vst v63  }
0x117: {  	_ =	swait.ge [sflag:s18], $0x3C0  }
0x118: {  	[sflag:s18] =	ssyncset.done $0x0  }
0x119: {  	[sflag:s18] =	ssyncadd.s32 $0xFFFFFC40  }
0x11a: {  	[spmem:s2] =	stream.indirect.scatter.add.f32 [tilespmem:s13], [sflag:$0x7], $0x8, s11, s12, $0xb8;
	[tilespmem:$0x3580] =	vst v63  }
0x11b: {  	s9 =	rddreg [dreg:$0x8]  }
0x11c: {  	[tilespmem:s19], [sflag:$0x6] =	stream.indirect.gather [hbm4b:s4+s12], $0x8, s9, s12, $0xb8;
	[tilespmem:$0x3580] =	vst v63  }
0x11d: {  	_ =	swait.ge [sflag:s20], $0x3C0  }
0x11e: {  	[sflag:s20] =	ssyncset.done $0x0  }
0x11f: {  	s7 =	rddreg [dreg:$0x9];
	[sflag:s20] =	ssyncadd.s32 $0xFFFFFC40  }
0x120: {  	[spmem:s2] =	stream.indirect.scatter.add.f32 [tilespmem:s14], [sflag:$0x8], $0x8, s7, s12, $0xb8;
	[tilespmem:$0x3580] =	vst v63  }
0x121: {  	_ =	swait.ge [sflag:s21], $0x3C0  }
0x122: {  	[sflag:s21] =	ssyncset.done $0x0  }
0x123: {  	s8 =	rddreg [dreg:$0xa];
	[sflag:s21] =	ssyncadd.s32 $0xFFFFFC40  }
0x124: {  	[tilespmem:s13], [sflag:$0x1] =	stream.indirect.gather [hbm4b:s4+s12], $0x8, s8, s12, $0xb8;
	[tilespmem:$0x3580] =	vst v63  }
0x125: {  	_ =	swait.ge [sflag:s22], $0x3C0  }
0x126: {  	[sflag:s22] =	ssyncset.done $0x0  }
0x127: {  	s9 =	rddreg [dreg:$0xb];
	[sflag:s22] =	ssyncadd.s32 $0xFFFFFC40  }
0x128: {  	[spmem:s2] =	stream.indirect.scatter.add.f32 [tilespmem:s15], [sflag:$0x9], $0x8, s9, s12, $0xb8;
	[tilespmem:$0x3580] =	vst v63  }
0x129: {  	_ =	swait.ge [sflag:s23], $0x3C0  }
0x12a: {  	[sflag:s23] =	ssyncset.done $0x0  }
0x12b: {  	s7 =	rddreg [dreg:$0xc];
	[sflag:s23] =	ssyncadd.s32 $0xFFFFFC40  }
0x12c: {  	[tilespmem:s14], [sflag:$0x2] =	stream.indirect.gather [hbm4b:s4+s12], $0x8, s7, s12, $0xb8;
	[tilespmem:$0x3580] =	vst v63  }
0x12d: {  	_ =	swait.ge [sflag:s24], $0x3C0  }
0x12e: {  	[sflag:s24] =	ssyncset.done $0x0  }
0x12f: {  	s8 =	rddreg [dreg:$0xd];
	[sflag:s24] =	ssyncadd.s32 $0xFFFFFC40  }
0x130: {  	[spmem:s2] =	stream.indirect.scatter.add.f32 [tilespmem:s16], [sflag:$0xA], $0x8, s8, s12, $0xb8;
	[tilespmem:$0x3580] =	vst v63  }
0x131: {  	_ =	swait.ge [sflag:s25], $0x3C0  }
0x132: {  	[sflag:s25] =	ssyncset.done $0x0  }
0x133: {  	s9 =	rddreg [dreg:$0xe];
	[sflag:s25] =	ssyncadd.s32 $0xFFFFFC40  }
0x134: {  	[tilespmem:s15], [sflag:$0x3] =	stream.indirect.gather [hbm4b:s4+s12], $0x8, s9, s12, $0xb8;
	[tilespmem:$0x3580] =	vst v63  }
0x135: {  	_ =	swait.ge [sflag:s26], $0x3C0  }
0x136: {  	[sflag:s26] =	ssyncset.done $0x0  }
0x137: {  	s7 =	rddreg [dreg:$0xf];
	[sflag:s26] =	ssyncadd.s32 $0xFFFFFC40  }
0x138: {  	[spmem:s2] =	stream.indirect.scatter.add.f32 [tilespmem:s17], [sflag:$0xB], $0x8, s7, s12, $0xb8;
	[tilespmem:$0x3580] =	vst v63  }
0x139: {  	_ =	swait.ge [sflag:s28], $0x3C0  }
0x13a: {  	[sflag:s28] =	ssyncset.done $0x0  }
0x13b: {  	s8 =	rddreg [dreg:$0x10];
	[sflag:s28] =	ssyncadd.s32 $0xFFFFFC40  }
0x13c: {  	[tilespmem:s16], [sflag:$0x4] =	stream.indirect.gather [hbm4b:s4+s12], $0x8, s8, s12, $0xb8;
	[tilespmem:$0x3580] =	vst v63  }
0x13d: {  	_ =	swait.ge [sflag:s29], $0x3C0  }
0x13e: {  	[sflag:s29] =	ssyncset.done $0x0  }
0x13f: {  	s9 =	rddreg [dreg:$0x11];
	[sflag:s29] =	ssyncadd.s32 $0xFFFFFC40  }
0x140: {  	[spmem:s2] =	stream.indirect.scatter.add.f32 [tilespmem:s19], [sflag:$0xC], $0x8, s9, s12, $0xb8;
	[tilespmem:$0x3580] =	vst v63  }
0x141: {  	_ =	swait.ge [sflag:s30], $0x3C0  }
0x142: {  	[sflag:s30] =	ssyncset.done $0x0  }
0x143: {  	s7 =	rddreg [dreg:$0x12];
	[sflag:s30] =	ssyncadd.s32 $0xFFFFFC40  }
0x144: {  	[tilespmem:s17], [sflag:$0x5] =	stream.indirect.gather [hbm4b:s4+s12], $0x8, s7, s12, $0xb8;
	[tilespmem:$0x3580] =	vst v63  }
0x145: {  	_ =	swait.ge [sflag:s18], $0x3C0  }
0x146: {  	[sflag:s18] =	ssyncset.done $0x0  }
0x147: {  	s8 =	rddreg [dreg:$0x13];
	[sflag:s18] =	ssyncadd.s32 $0xFFFFFC40  }
0x148: {  	[spmem:s2] =	stream.indirect.scatter.add.f32 [tilespmem:s13], [sflag:$0x7], $0x8, s8, s12, $0xb8;
	[tilespmem:$0x3580] =	vst v63  }
0x149: {  	_ =	swait.ge [sflag:s31], $0x3C0  }
0x14a: {  	[sflag:s31] =	ssyncset.done $0x0  }
0x14b: {  	s9 =	rddreg [dreg:$0x14];
	[sflag:s31] =	ssyncadd.s32 $0xFFFFFC40  }
0x14c: {  	[tilespmem:s19], [sflag:$0x6] =	stream.indirect.gather [hbm4b:s4+s12], $0x8, s9, s12, $0xb8;
	[tilespmem:$0x3580] =	vst v63  }
0x14d: {  	_ =	swait.ge [sflag:s20], $0x3C0  }
0x14e: {  	[sflag:s20] =	ssyncset.done $0x0  }
0x14f: {  	s7 =	rddreg [dreg:$0x15];
	[sflag:s20] =	ssyncadd.s32 $0xFFFFFC40  }
0x150: {  	[spmem:s2] =	stream.indirect.scatter.add.f32 [tilespmem:s14], [sflag:$0x8], $0x8, s7, s12, $0xb8;
	[tilespmem:$0x3580] =	vst v63  }
0x151: {  	_ =	swait.ge [sflag:s22], $0x3C0  }
0x152: {  	[sflag:s22] =	ssyncset.done $0x0  }
0x153: {  	s8 =	rddreg [dreg:$0x16];
	[sflag:s22] =	ssyncadd.s32 $0xFFFFFC40  }
0x154: {  	[spmem:s2] =	stream.indirect.scatter.add.f32 [tilespmem:s15], [sflag:$0x9], $0x8, s8, s12, $0xb8;
	[tilespmem:$0x3580] =	vst v63  }
0x155: {  	_ =	swait.ge [sflag:s24], $0x3C0  }
0x156: {  	[sflag:s24] =	ssyncset.done $0x0  }
0x157: {  	[sflag:s24] =	ssyncadd.s32 $0xFFFFFC40  }
0x158: {  	[spmem:s2] =	stream.indirect.scatter.add.f32 [tilespmem:s16], [sflag:$0xA], $0x8, s0, s12, $0xb8;
	[tilespmem:$0x3580] =	vst v63  }
0x159: {  	_ =	swait.ge [sflag:s26], $0x3C0  }
0x15a: {  	[sflag:s26] =	ssyncset.done $0x0  }
0x15b: {  	[sflag:s26] =	ssyncadd.s32 $0xFFFFFC40  }
0x15c: {  	[spmem:s2] =	stream.indirect.scatter.add.f32 [tilespmem:s17], [sflag:$0xB], $0x8, s1, s12, $0xb8;
	[tilespmem:$0x3580] =	vst v63  }
0x15d: {  	_ =	swait.ge [sflag:s29], $0x3C0  }
0x15e: {  	[sflag:s29] =	ssyncset.done $0x0  }
0x15f: {  	[sflag:s29] =	ssyncadd.s32 $0xFFFFFC40  }
0x160: {  	[spmem:s2] =	stream.indirect.scatter.add.f32 [tilespmem:s19], [sflag:$0xC], $0x8, s5, s12, $0xb8;
	[tilespmem:$0x3580] =	vst v63  }
0x161: {  	_ =	swait.ge [sflag:s21], $0x3C0  }
0x162: {  	[sflag:s21] =	ssyncset.done $0x0  }
0x163: {  	[sflag:s21] =	ssyncadd.s32 $0xFFFFFC40  }
0x164: {  	_ =	swait.ge [sflag:s23], $0x3C0  }
0x165: {  	[sflag:s23] =	ssyncset.done $0x0  }
0x166: {  	[sflag:s23] =	ssyncadd.s32 $0xFFFFFC40  }
0x167: {  	_ =	swait.ge [sflag:s25], $0x3C0  }
0x168: {  	[sflag:s25] =	ssyncset.done $0x0  }
0x169: {  	[sflag:s25] =	ssyncadd.s32 $0xFFFFFC40  }
0x16a: {  	_ =	swait.ge [sflag:s28], $0x3C0  }
0x16b: {  	[sflag:s28] =	ssyncset.done $0x0  }
0x16c: {  	[sflag:s28] =	ssyncadd.s32 $0xFFFFFC40  }
0x16d: {  	_ =	swait.ge [sflag:s30], $0x3C0  }
0x16e: {  	[sflag:s30] =	ssyncset.done $0x0  }
0x16f: {  	[sflag:s30] =	ssyncadd.s32 $0xFFFFFC40  }
0x170: {  	_ =	swait.ge [sflag:s31], $0x3C0  }
0x171: {  	[sflag:s31] =	ssyncset.done $0x0  }
0x172: {  	[sflag:s31] =	ssyncadd.s32 $0xFFFFFC40  }
0x173: {  	[bflag:$0x0] =	sbarrier.arrive $0xFFFF  }
0x174: {  	s7 =	rddreg [dreg:$0x18]  }
0x175: {  	s9 =	rddreg [dreg:$0x19]  }
0x176: {  	s8 =	rddreg [dreg:$0x1b]  }
0x177: {  	[hbm:s9], [sflag:s7] =	dma.local [spmem:s8], $0x278  }
0x178: {  	_ =	swait.ge [sflag:s10], $0x278  }
0x179: {  	s6 =	rddreg [dreg:$0x1c]  }
0x17a: {  	s9 =	sadd.s32 $0x1, s6;
	s6 =	rddreg [dreg:$0x1a]  }
0x17b: {  	p0 =	sne.s32 s9, s6  }
.Ltmp1:
0x17c: {  	_ = 	snop;
	(pc) =	sbr.rel @p0 .LBB2_1-.Ltmp1, $3  }
0x17d: {  	_ =	sdelay $0x1  }
0x17e: {  	[sflag:s10] =	ssyncset.done $0x0  }
0x17f: {  	[sflag:s10] =	ssyncadd.s32 $0xFFFFFD88  }
0x180: {  	_ =	sfence.sel $0x180000  }
0x181: {  	[bflag:$0x0] =	sbarrier.arrive $0xFFFF  }
0x182: {  	_ =	strace $0x9000004D  }
0x183: {  	s0 =	stileid.u32;
	[bflag:$0x2] =	sbarrier.arrive $0xFFFF  }
0x184: {  	p0 =	sne.s32 s0, $0x0;
	s0 =	rddreg [dreg:$0x2]  }
0x185: {  	s0 =	sadd.s32 @!p0 $0x100000, s0  }
0x186: {  	[sflag:s0] =	ssyncadd.tile.s32 @!p0 $0x1;
	_ =	shalt  }
.Lfunc_end2:
_tile_overlayer_lowered:
.L_overlay_start_2:
0x187: {  	(tag) =	ssettag $0x2  }
0x188: {  	s0 =	rddreg [dreg:$0x0];
	s2 =	stileid.u32  }
0x189: {  	s1 =	rddreg [dreg:$0x1];
	p0 =	sne.s32 s2, $0x0  }
0x18a: {  	s3 =	rddreg [dreg:$0x2];
	[bflag:$0x3] =	sbarrier.arrive $0xFFFF;
	s2 =	simm.s32 @!p0 $0x1C0D  }
0x18b: {  	[timem:s3], [sflag:s2] =	dma.local @!p0 [hbm:s0], s1  }
0x18c: {  	s0 =	simm.s32 @!p0 $0xD  }
0x18d: {  	_ =	swait.ge @!p0 [sflag:s0], s1  }
0x18e: {  	s1 =	ssub.s32 @!p0 $0x0, s1;
	[sflag:s0] =	ssyncset.done @!p0 $0x0  }
0x18f: {  	[sflag:s0] =	ssyncadd.s32 @!p0 s1  }
0x190: {  	[bflag:$0x3] =	sbarrier.arrive $0xFFFF  }
0x191: {  	_ =	shalt  }

// kernel: kernel.9.cloned.1.call-start
scs
__scs_entry_jumppad:
0x0: {  	(pc) =	sbr.rel $0x88, $3  }
0x1: {  	(tag) =	ssettag $0x0;
	lr =	simm.s32 $0x1  }
0x2: {  	[smem:$0x3F9B] =	sst lr;
	_ =	strace $0xD0000000  }
0x3: {  	_ = 	snop  }
0x4: {  	_ = 	snop  }
0x5: {  	_ = 	snop  }
0x6: {  	_ = 	snop  }
0x7: {  	_ = 	snop  }
__scs_overlays_trampoline_lowered:
0x8: {  	[smem:$0x3FAA] =	sst s0  }
0x9: {  	[smem:$0x3FAB] =	sst s1  }
0xa: {  	[smem:$0x3FAC] =	sst s2  }
0xb: {  	[smem:$0x3FAD] =	sst s3  }
0xc: {  	[smem:$0x3FAE] =	sst s4  }
0xd: {  	[smem:$0x3FAF] =	sst s5  }
0xe: {  	[smem:$0x3FB0] =	sst s6  }
0xf: {  	[smem:$0x3FB1] =	sst s7  }
0x10: {  	[smem:$0x3FB2] =	sst s8  }
0x11: {  	[smem:$0x3FB3] =	sst s9;
	s0 =	simm.s32 @!p0 $0x0  }
0x12: {  	s1 =	sld [smem:$0x3F99];
	s0 =	simm.s32 @p0 $0x1  }
0x13: {  	[smem:$0x3FB4] =	sst s0;
	s0 =	simm.s32 @!p1 $0x0  }
0x14: {  	s2 =	sld [smem:$0x3F98];
	s0 =	simm.s32 @p1 $0x1  }
0x15: {  	[smem:$0x3FB5] =	sst s0;
	s0 =	simm.s32 @!p2 $0x0  }
0x16: {  	s3 =	sld [smem:$0x3FDB];
	s0 =	simm.s32 @p2 $0x1  }
0x17: {  	s4 =	simm.s32 $0x1BF5;
	[smem:$0x3FB7] =	sst s0  }
0x18: {  	s0 =	sld [smem:$0x3F9A];
	_ =	swait.ge [sflag:s4], $0x0  }
0x19: {  	s7 =	sld [smem:$0x3F9B]  }
0x1a: {  	s8 =	sadd.s32 $0xFFFFE003, lr  }
0x1b: {  	s9 =	sadd.s32 $0xFFFFFEF7, lr;
	s5 =	simm.s32 $0xFFFFFFFF;
	p2 =	slt.u32 s8, $0xFFFFF086  }
0x1c: {  	p1 =	slt.u32 s9, $0xF7A;
	s5 =	simm.s32 @!p2 $0x0  }
0x1d: {  	s5 =	simm.s32 @p1 $0x1;
	p0 =	seq.s32 s7, s2  }
0x1e: {  	s7 =	smul.u32 @!p0 $0xF7A, s2;
	p2 =	seq.s32 @!p0 s5, $0x0  }
0x1f: {  	s9 =	smul.u32 $0xF7A, s1;
	s8 =	simm.s32 @!p0 $0x1BF5;
	p2 =	por !p2, p0  }
0x20: {  	[sflag:s8] =	ssyncset.s32 @!p0 $0xFFFFF086;
	s6 =	sadd.s32 @!p0 s3, s7;
	s7 =	simm.s32 @!p0 $0x108  }
0x21: {  	s3 =	sadd.s32 s3, s9;
	s6 =	sadd.s32 @!p0 $0x88, s6;
	s7 =	simm.s32 @p2 $0x1082  }
0x22: {  	[simem:s7], [sflag:s8] =	dma.local @!p0 [hbm:s6], $0xF7A  }
0x23: {  	s9 =	sor.u32 $0xD0000000, s2;
	s6 =	simm.s32 $0x108;
	_ =	swait.ge @!p0 [sflag:s8], $0x0  }
0x24: {  	s3 =	sadd.s32 $0x88, s3;
	s6 =	simm.s32 @!p1 $0x1082;
	[sflag:s4] =	ssyncset.s32 $0xFFFFF086  }
0x25: {  	[simem:s6], [sflag:s4] =	dma.local [hbm:s3], $0xF7A  }
0x26: {  	[smem:$0x3F9B] =	sst s1;
	(tag) =	ssettag s2;
	_ =	strace s9  }
0x27: {  	s1 =	sld [smem:$0x3FAB]  }
0x28: {  	s2 =	sld [smem:$0x3FAC]  }
0x29: {  	s4 =	sld [smem:$0x3FAE]  }
0x2a: {  	p0 =	seq.s32 s5, $0x0;
	s5 =	sld [smem:$0x3FAF]  }
0x2b: {  	s6 =	sld [smem:$0x3FB0]  }
0x2c: {  	s7 =	sld [smem:$0x3FB1]  }
0x2d: {  	s3 =	simm.s32 $0x108;
	s8 =	sld [smem:$0x3FB2]  }
0x2e: {  	s3 =	simm.s32 @!p0 $0x1082;
	s9 =	sld [smem:$0x3FB3]  }
0x2f: {  	lr =	sadd.s32 s0, s3;
	s0 =	sld [smem:$0x3FAA]  }
0x30: {  	s3 =	sld [smem:$0x3FAD]  }
0x31: {  	[smem:$0x3FB6] =	sst s10  }
0x32: {  	s10 =	sld [smem:$0x3FB4];
	_ =	sdelay $0x3  }
0x33: {  	p0 =	seq.s32 s10, $0x1;
	s10 =	sld [smem:$0x3FB6];
	_ =	sdelay $0x3  }
0x34: {  	[smem:$0x3FB6] =	sst s10  }
0x35: {  	s10 =	sld [smem:$0x3FB5];
	_ =	sdelay $0x3  }
0x36: {  	p1 =	seq.s32 s10, $0x1;
	s10 =	sld [smem:$0x3FB6];
	_ =	sdelay $0x3  }
0x37: {  	[smem:$0x3FB6] =	sst s10  }
0x38: {  	s10 =	sld [smem:$0x3FB7]  }
0x39: {  	_ = 	snop;
	(pc) =	sbr.ind lr, $3  }
0x3a: {  	_ = 	snop  }
0x3b: {  	_ = 	snop  }
0x3c: {  	p2 =	seq.s32 s10, $0x1;
	s10 =	sld [smem:$0x3FB6]  }
0x3d: {  	_ =	shalt  }
0x3e: {  	_ =	shalt  }
0x3f: {  	_ =	shalt  }
0x40: {  	_ =	shalt  }
0x41: {  	_ =	shalt  }
0x42: {  	_ =	shalt  }
0x43: {  	_ =	shalt  }
0x44: {  	_ =	shalt  }
0x45: {  	_ =	shalt  }
0x46: {  	_ =	shalt  }
0x47: {  	_ =	shalt  }
0x48: {  	_ =	shalt  }
0x49: {  	_ =	shalt  }
0x4a: {  	_ =	shalt  }
0x4b: {  	_ =	shalt  }
0x4c: {  	_ =	shalt  }
0x4d: {  	_ =	shalt  }
0x4e: {  	_ =	shalt  }
0x4f: {  	_ =	shalt  }
0x50: {  	_ =	shalt  }
0x51: {  	_ =	shalt  }
0x52: {  	_ =	shalt  }
0x53: {  	_ =	shalt  }
0x54: {  	_ =	shalt  }
0x55: {  	_ =	shalt  }
0x56: {  	_ =	shalt  }
0x57: {  	_ =	shalt  }
0x58: {  	_ =	shalt  }
0x59: {  	_ =	shalt  }
0x5a: {  	_ =	shalt  }
0x5b: {  	_ =	shalt  }
0x5c: {  	_ =	shalt  }
0x5d: {  	_ =	shalt  }
0x5e: {  	_ =	shalt  }
0x5f: {  	_ =	shalt  }
0x60: {  	_ =	shalt  }
0x61: {  	_ =	shalt  }
0x62: {  	_ =	shalt  }
0x63: {  	_ =	shalt  }
0x64: {  	_ =	shalt  }
0x65: {  	_ =	shalt  }
0x66: {  	_ =	shalt  }
0x67: {  	_ =	shalt  }
0x68: {  	_ =	shalt  }
0x69: {  	_ =	shalt  }
0x6a: {  	_ =	shalt  }
0x6b: {  	_ =	shalt  }
0x6c: {  	_ =	shalt  }
0x6d: {  	_ =	shalt  }
0x6e: {  	_ =	shalt  }
0x6f: {  	_ =	shalt  }
0x70: {  	_ =	shalt  }
0x71: {  	_ =	shalt  }
0x72: {  	_ =	shalt  }
0x73: {  	_ =	shalt  }
0x74: {  	_ =	shalt  }
0x75: {  	_ =	shalt  }
0x76: {  	_ =	shalt  }
0x77: {  	_ =	shalt  }
0x78: {  	_ =	shalt  }
0x79: {  	_ =	shalt  }
0x7a: {  	_ =	shalt  }
0x7b: {  	_ =	shalt  }
0x7c: {  	_ =	shalt  }
0x7d: {  	_ =	shalt  }
0x7e: {  	_ =	shalt  }
0x7f: {  	_ =	shalt  }
0x80: {  	_ =	shalt  }
0x81: {  	_ =	shalt  }
0x82: {  	_ =	shalt  }
0x83: {  	_ =	shalt  }
0x84: {  	_ =	shalt  }
0x85: {  	_ =	shalt  }
0x86: {  	_ =	shalt  }
0x87: {  	_ =	shalt  }
.Lfunc_end0:
.L_simem_size_0:
called_computation_lowered:
.L_overlay_start_0:
0x88: {  	s2 =	sld [smem:$0x3FD9]  }
0x89: {  	s3 =	sld [smem:$0x3FFE];
	_ =	sdelay $0x1  }
0x8a: {  	s1 =	srdreg.scid  }
0x8b: {  	s0 =	sand.u32 $0x1, s1  }
0x8c: {  	s17 =	sshll.u32 s0, $0xA;
	s2 =	sadd.s32 s3, s2  }
0x8d: {  	s2 =	sadd.s32 s2, s17  }
0x8e: {  	[smem:$0x3FC2] =	sst s2  }
0x8f: {  	_ = 	snop  }
0x90: {  	s2 =	sld [smem:$0x3FD0];
	(tm) =	ssettm $0x1  }
0x91: {  	s18 =	sld [smem:$0x3FFB];
	_ =	sdelay $0x3  }
0x92: {  	_ =	strace s18  }
0x93: {  	s3 =	sld [smem:$0x3FFC];
	_ =	sdelay $0x3  }
0x94: {  	_ =	strace s3  }
0x95: {  	s3 =	sld [smem:$0x3FFD];
	_ =	sdelay $0x3  }
0x96: {  	_ =	strace s3  }
0x97: {  	_ =	strace $0x8FFFFFFF  }
0x98: {  	s19 =	sld [smem:$0x3FDB];
	_ =	sdelay $0x1  }
0x99: {  	s4 =	simm.s32 $_scs_section_size  }
0x9a: {  	s5 =	simm.s32 $_size__tile_overlayer_lowered;
	s6 =	simm.s32 $_tile_overlayer_lowered  }
0x9b: {  	s22 =	simm.s32 $0x1BFF;
	s21 =	sshll.u32 s6, $0x1;
	s3 =	sadd.s32 s4, s19  }
0x9c: {  	s7 =	simm.s32 $0x0;
	s20 =	sshll.u32 s5, $0x1;
	s5 =	sadd.s32 s21, s3  }
0x9d: {  	[timem:s7], [sflag:s22] =	dma.local [hbm:s5], s20  }
0x9e: {  	_ =	swait.ge [sflag:s22], s20  }
0x9f: {  	s4 =	ssub.s32 $0x0, s20;
	[sflag:s22] =	ssyncset.done $0x0  }
0xa0: {  	[sflag:s22] =	ssyncadd.s32 s4;
	_ =	sdelay $0x1  }
0xa1: {  	s23 =	simm.s32 $0x1B8B  }
0xa2: {  	_ =	swait.ge [sflag:s23], $0x1  }
0xa3: {  	[sflag:s23] =	ssyncset.done $0x0  }
0xa4: {  	s25 =	simm.s32 $0x1B8E;
	s24 =	sld [smem:$0x3FFE];
	[sflag:s23] =	ssyncadd.s32 $0xFFFFFFFF  }
0xa5: {  	s26 =	simm.s32 $execute0_lowered;
	[smem:$0x3FD2] =	sst s25  }
0xa6: {  	s5 =	sshll.u32 s26, $0x1;
	_ =	strace $0x80000046;
	[dreg:$0x1] =	wrdreg $0xFFFFFFFF  }
0xa7: {  	s28 =	simm.s32 $_size_execute0_lowered;
	s3 =	sadd.s32 s3, s5;
	[dreg:$0x0] =	wrdreg $0x0  }
0xa8: {  	s5 =	sshll.u32 s28, $0x1;
	[dreg:$0x2] =	wrdreg s3  }
0xa9: {  	[dreg:$0x3] =	wrdreg s5  }
0xaa: {  	[dreg:$0x4] =	wrdreg $0xC0  }
0xab: {  	_ =	task [dreg:s7], $0x5FFFF  }
0xac: {  	[dreg:$0x1] =	wrdreg $0xFFFFFFFF  }
0xad: {  	[dreg:$0x0] =	wrdreg $0x60  }
0xae: {  	[dreg:$0x2] =	wrdreg s24  }
0xaf: {  	[dreg:$0x3] =	wrdreg s2  }
0xb0: {  	[dreg:$0x4] =	wrdreg $0x2B200  }
0xb1: {  	[dreg:$0x5] =	wrdreg $0x9  }
0xb2: {  	_ =	task.clear_ibuf [dreg:s7], $0x6FFFF;
	_ =	strace $0x90000046  }
0xb3: {  	s29 =	simm.s32 $0x9;
	_ =	strace $0x80000048  }
0xb4: {  	_ =	swait.ge [sflag:s29], $0x1  }
0xb5: {  	[sflag:s29] =	ssyncadd.s32 $0xFFFFFFFF  }
0xb6: {  	_ =	strace $0x90000048  }
0xb7: {  	_ =	sfence  }
0xb8: {  	s30 =	sld [smem:$0x0];
	_ =	sdelay $0x2  }
0xb9: {  	s31 =	sshll.u32 s1, $0xD;
	s1 =	sshrl.u32 s1, $0x2  }
0xba: {  	s3 =	sand.u32 $0x4000, s31;
	s1 =	sadd.s32 s1, s30  }
0xbb: {  	s0 =	sor.u32 s3, s0;
	s1 =	sshll.u32 s1, $0x11  }
0xbc: {  	s0 =	sor.u32 s1, s0  }
0xbd: {  	s0 =	sadd.s32 $0x8F2B, s0  }
0xbe: {  	[sflag:s0] =	ssyncadd.remote.s32 $0x1  }
0xbf: {  	_ =	sfence.sel $0xFFFF  }
0xc0: {  	[dreg:$0x0] =	wrdreg $0xFFFFFFFF;
	(pc) =	sbr.abs _section_cstart, $3  }
0xc1: {  	[dreg:$0x1] =	wrdreg $0xFFFFFFFF  }
0xc2: {  	_ =	task.clear_ibuf [dreg:s7], $0x2FFFF;
	_ =	strace $0x9FFFFFFF  }
0xc3: {  	(tm) =	ssettm $0x7FFFFFFF  }
tec
execute0_lowered:
.L_overlay_start_1:
0x0: {  	(tag) =	ssettag $0x1  }
0x1: {  	s6 =	rddreg [dreg:$0x0]  }
0x2: {  	s2 =	rddreg [dreg:$0x1]  }
0x3: {  	s0 =	srdreg.scid;
	s3 =	rddreg [dreg:$0x2]  }
0x4: {  	s4 =	simm.s32 $0x0;
	s13 =	simm.s32 $0x78;
	s14 =	simm.s32 $0x1  }
0x5: {  	s15 =	simm.s32 $0x0;
	s5 =	sand.u32 $0x1, s0;
	s0 =	stileid.u32  }
0x6: {  	[smem:$0x7FF] =	sst s4;
	s1 =	sshll.u32 s5, $0x4;
	s8 =	smul.u32 $0x13C0, s0  }
0x7: {  	s9 =	smul.u32 $0x13C00, s5;
	s5 =	ssub.s32 $0x2, s5;
	s1 =	sor.u32 s0, s1  }
0x8: {  	s31 =	sshll.u32 s0, $0x6;
	s11 =	sshrl.u32 s5, $0x1;
	s7 =	smul.u32 $0x4EC, s1  }
0x9: {  	s1 =	rddreg [dreg:$0x3];
	_ =	strace $0x80000047;
	s10 =	sshrl.u32 s8, $0x3  }
0xa: {  	s9 =	sadd.s32 s8, s9;
	s11 =	ssub.s32 s5, s11;
	s12 =	sadd.s32 s8, s3  }
0xb: {  	s10 =	sadd.s32 s10, s6;
	s9 =	sshrl.u32 s9, $0x3;
	s7 =	sadd.s32 s7, s6  }
0xc: {  	s9 =	sadd.s32 s9, s6;
	s5 =	sadd.s32 $0x16000, s10;
	s6 =	sor.u32 $0x1C02, s31  }
0xd: {  	s10 =	sshrl.u32 s12, $0x3;
	s12 =	simm.s32 $0x2760;
	s7 =	sadd.s32 $0xC200, s7  }
0xe: {  	s8 =	sadd.s32 $0x18800, s9;
	s9 =	smax.u32 s11, $0x1;
	s11 =	simm.s32 $0x2  }
.LBB2_1:
0xf: {  	[spmem:s10], [sflag:s6] =	dma.local [hbm:s5], $0x278  }
0x10: {  	_ =	swait.ge [sflag:s11], $0x278  }
0x11: {  	[sflag:s11] =	ssyncset.done $0x0  }
0x12: {  	[sflag:s11] =	ssyncadd.s32 $0xFFFFFD88  }
0x13: {  	[tilespmem:s4], [sflag:$0x2] =	stream.linear.gather [hbm4b:s7+s4], $0x2760, $0x38;
	[tilespmem:$0x3EE0] =	vst v63  }
0x14: {  	_ =	swait.ge [sflag:s11], $0x2760  }
0x15: {  	[sflag:s11] =	ssyncset.done $0x0  }
0x16: {  	[sflag:s11] =	ssyncadd.s32 $0xFFFFD8A0  }
0x17: {  	[tilespmem:s12], [sflag:$0x2] =	stream.linear.gather [hbm4b:s2+s4], $0x3C0, $0x38;
	[tilespmem:$0x3EE0] =	vst v63  }
0x18: {  	_ =	swait.ge [sflag:s11], $0x3C0  }
0x19: {  	[sflag:s11] =	ssyncset.done $0x0  }
0x1a: {  	[sflag:s11] =	ssyncadd.s32 $0xFFFFFC40  }
0x1b: {  	s16 =	simm.s32 $0x0;
	[bflag:$0x0] =	sbarrier.arrive $0xFFFF  }
.LBB2_2:
0x1c: {  	p0 =	sne.s32 s16, $0x9BA0  }
.Ltmp0:
0x1d: {  	_ = 	snop;
	(pc) =	sbr.rel @p0 .LBB2_2-.Ltmp0, $3  }
0x1e: {  	_ =	sdelay $0x1  }
0x1f: {  	s17 =	sshra.s32 s16, $0x2;
	s16 =	sadd.s32 $0x1E0, s16  }
0x20: {  	[spmem:s3] =	stream.indirect.scatter.add.f32 [tilespmem:s12], [sflag:$0x1], $0x8, s17, s13, $0xb8;
	[tilespmem:$0x3EE0] =	vst v63  }
0x21: {  	_ =	swait.ge [sflag:s14], $0x3C0  }
0x22: {  	s16 =	simm.s32 $0x53;
	[sflag:s14] =	ssyncset.done $0x0  }
.LBB2_4:
0x23: {  	p0 =	sne.s32 s16, $0x1;
	s16 =	sadd.s32 $0xFFFFFFFF, s16;
	[sflag:s14] =	ssyncadd.s32 $0xFFFFFC40  }
.Ltmp1:
0x24: {  	(pc) =	sbr.rel @p0 .LBB2_4-.Ltmp1, $3  }
0x25: {  	_ =	sdelay $0x1  }
0x26: {  	_ =	swait.ge [sflag:s14], $0x3C0  }
0x27: {  	[sflag:s14] =	ssyncset.done $0x0  }
0x28: {  	s15 =	sadd.s32 $0x1, s15  }
0x29: {  	[sflag:s14] =	ssyncadd.s32 $0xFFFFFC40;
	p0 =	sne.s32 s15, s9  }
.Ltmp2:
0x2a: {  	[bflag:$0x0] =	sbarrier.arrive $0xFFFF;
	(pc) =	sbr.rel @p0 .LBB2_1-.Ltmp2, $4  }
0x2b: {  	[hbm:s8], [sflag:s6] =	dma.local [spmem:s10], $0x278  }
0x2c: {  	_ =	swait.ge [sflag:s11], $0x278  }
0x2d: {  	[sflag:s11] =	ssyncset.done $0x0  }
0x2e: {  	[sflag:s11] =	ssyncadd.s32 $0xFFFFFD88  }
0x2f: {  	_ =	sfence.sel $0x180000  }
0x30: {  	[bflag:$0x0] =	sbarrier.arrive $0xFFFF  }
0x31: {  	p0 =	sne.s32 s0, $0x0;
	_ =	strace $0x90000047  }
0x32: {  	s0 =	sadd.s32 @!p0 $0x100000, s1;
	[bflag:$0x2] =	sbarrier.arrive $0xFFFF  }
0x33: {  	[sflag:s0] =	ssyncadd.tile.s32 @!p0 $0x1;
	_ =	shalt  }
.Lfunc_end2:
_tile_overlayer_lowered:
.L_overlay_start_2:
0x34: {  	(tag) =	ssettag $0x2  }
0x35: {  	s0 =	rddreg [dreg:$0x0];
	s2 =	stileid.u32  }
0x36: {  	s1 =	rddreg [dreg:$0x1];
	p0 =	sne.s32 s2, $0x0  }
0x37: {  	s3 =	rddreg [dreg:$0x2];
	[bflag:$0x3] =	sbarrier.arrive $0xFFFF;
	s2 =	simm.s32 @!p0 $0x1C02  }
0x38: {  	[timem:s3], [sflag:s2] =	dma.local @!p0 [hbm:s0], s1  }
0x39: {  	s0 =	simm.s32 @!p0 $0x2  }
0x3a: {  	_ =	swait.ge @!p0 [sflag:s0], s1  }
0x3b: {  	s1 =	ssub.s32 @!p0 $0x0, s1;
	[sflag:s0] =	ssyncset.done @!p0 $0x0  }
0x3c: {  	[sflag:s0] =	ssyncadd.s32 @!p0 s1  }
0x3d: {  	[bflag:$0x3] =	sbarrier.arrive $0xFFFF  }
0x3e: {  	_ =	shalt  }

</sc_bundles>
